<compile_context>
chip_gen: v7x
topology: tpu7x:2x2x1
jax: 0.10.2.dev20260603
libtpu: 0.0.44.dev20260713+nightly
codegen_flags: <defaults>
</compile_context>

<pallas_src>
import jax
import jax.numpy as jnp
from jax import lax
from jax.experimental import pallas as pl
from jax.experimental.pallas import tpu as pltpu
from jax.experimental.pallas import tpu_sc as plsc

MEM = 100000
DIM = 64
K = 8
B = 1024

BLK = 2048
MEM_PAD = 100352
NBLK = MEM_PAD // BLK

G = 128
NG = NBLK * G
GM = BLK // G
NTILE = MEM_PAD // G

NEG = -3.4e38
IMAX = 2147483647

NC = 2
NS = 16
NW = NC * NS
QPW = B // NW
NCAND = K * GM


def _extract8(s, idx):
    vals, idxs = [], []
    for _ in range(K):
        m = jnp.max(s, axis=1, keepdims=True)
        sel = jnp.min(jnp.where(s >= m, idx, IMAX), axis=1, keepdims=True)
        vals.append(m)
        idxs.append(sel)
        s = jnp.where(idx == sel, NEG, s)
    return jnp.concatenate(vals, axis=1), jnp.concatenate(idxs, axis=1)


def _sim_kernel(q_ref, k_ref, sim_ref, mg_ref, qn_s):
    step = pl.program_id(0)

    @pl.when(step == 0)
    def _init():
        qf = q_ref[...]
        qn = jnp.sqrt(jnp.sum(qf * qf, axis=1, keepdims=True))
        qn_s[...] = qf / jnp.maximum(qn, 1e-12)

    kb = k_ref[...]
    kn = jnp.sqrt(jnp.sum(kb * kb, axis=1, keepdims=True))
    kb = kb / jnp.maximum(kn, 1e-12)
    sim = lax.dot_general(qn_s[...], kb, (((1,), (1,)), ((), ())),
                          preferred_element_type=jnp.float32)
    gidx = step * BLK + lax.broadcasted_iota(jnp.int32, (B, BLK), 1)
    sim = jnp.where(gidx < MEM, sim, NEG)

    for t in range(GM):
        sim_ref[pl.ds(t * B, B), :] = sim[:, t * G:(t + 1) * G]

    mg = sim[:, 0:G]
    for k in range(1, GM):
        mg = jnp.maximum(mg, sim[:, k * G:(k + 1) * G])
    mg_ref[...] = mg


def _sim_tc(q, keys):
    return pl.pallas_call(
        _sim_kernel,
        grid=(NBLK,),
        in_specs=[
            pl.BlockSpec((B, DIM), lambda i: (0, 0)),
            pl.BlockSpec((BLK, DIM), lambda i: (i, 0)),
        ],
        out_specs=[
            pl.BlockSpec((GM * B, G), lambda i: (i, 0)),
            pl.BlockSpec((B, G), lambda i: (0, i)),
        ],
        out_shape=[
            jax.ShapeDtypeStruct((NTILE * B, G), jnp.float32),
            jax.ShapeDtypeStruct((B, NG), jnp.float32),
        ],
        scratch_shapes=[pltpu.VMEM((B, DIM), jnp.float32)],
        compiler_params=pltpu.CompilerParams(
            dimension_semantics=("arbitrary",)),
    )(q, keys)


QB = 256


def _groups_kernel(mg_ref, gid_ref):
    idx = lax.broadcasted_iota(jnp.int32, (QB, NG), 1)
    _, gi = _extract8(mg_ref[...], idx)
    gid_ref[...] = gi


def _groups_tc(mg):
    return pl.pallas_call(
        _groups_kernel,
        grid=(B // QB,),
        in_specs=[pl.BlockSpec((QB, NG), lambda i: (i, 0))],
        out_specs=pl.BlockSpec((QB, K), lambda i: (i, 0)),
        out_shape=jax.ShapeDtypeStruct((B, K), jnp.int32),
        compiler_params=pltpu.CompilerParams(
            dimension_semantics=("arbitrary",)),
    )(mg)


def _select_body(sim_hbm, gid_hbm, v_hbm, o_hbm,
                 gid_v, kidx_v, addr_v, sims_v, w_v, ti_v, rows_v, out_v, sem):
    wid = lax.axis_index("s") * NC + lax.axis_index("c")
    pltpu.sync_copy(gid_hbm.at[wid], gid_v)
    lane = lax.iota(jnp.int32, 16)

    def p1(p, _):
        g16 = gid_v[pl.ds(p * 16, 16)]
        for qq in range(2):
            qi = p * 2 + qq
            qg = wid * QPW + qi
            for j in range(K):
                gid = g16[qq * K + j]
                blk = gid // G
                g = lax.rem(gid, G)
                kidx_v[qi, pl.ds(j * 16, 16)] = blk * BLK + g + lane * G
                addr_v[qi, pl.ds(j * 16, 16)] = (
                    blk * (GM * B * G) + qg * G + g + lane * (B * G))
        return ()

    with jax.named_scope("p1_idx"):
        lax.fori_loop(0, QPW // 2, p1, (), unroll=False)

    def fire_s(qi, _):
        pltpu.async_copy(sim_hbm.at[addr_v.at[qi]], sims_v.at[qi], sem)
        return ()

    def drain_s(qi, _):
        pltpu.make_async_copy(
            sim_hbm.at[pl.ds(0, NCAND)], sims_v.at[qi], sem).wait()
        return ()

    with jax.named_scope("p2_simgather"):
        lax.fori_loop(0, QPW, fire_s, (), unroll=False)
        lax.fori_loop(0, QPW, drain_s, (), unroll=False)

    def p3(qi, _):
        sv = [sims_v[qi, pl.ds(j * 16, 16)] for j in range(K)]
        kv = [kidx_v[qi, pl.ds(j * 16, 16)] for j in range(K)]
        topv = jnp.full((16,), NEG, jnp.float32)
        topi = jnp.zeros((16,), jnp.int32)
        for t in range(K):
            vm = sv[0]
            for j in range(1, K):
                vm = jnp.maximum(vm, sv[j])
            m = jnp.max(vm)
            mf = jnp.full((16,), m, jnp.float32)
            cm = jnp.full((16,), IMAX, jnp.int32)
            for j in range(K):
                cm = jnp.minimum(cm, jnp.where(sv[j] >= mf, kv[j], IMAX))
            sel = jnp.min(cm)
            sf = jnp.full((16,), sel, jnp.int32)
            for j in range(K):
                sv[j] = jnp.where(kv[j] == sf, NEG, sv[j])
            topv = jnp.where(lane == t, mf, topv)
            topi = jnp.where(lane == t, sf, topi)
        mx = jnp.max(jnp.where(lane < K, topv, NEG))
        e = jnp.exp(topv - jnp.full((16,), mx, jnp.float32))
        e = jnp.where(lane < K, e, 0.0)
        ssum = jnp.sum(e)
        w_v[qi, :] = e / jnp.full((16,), ssum, jnp.float32)
        pad = 80000 + lane * 1000 + qi * 31
        ti_v[qi, :] = jnp.where(lane < K, topi, pad)
        return ()

    with jax.named_scope("p3_topk"):
        lax.fori_loop(0, QPW, p3, (), unroll=False)

    def fire_v(qi, _):
        pltpu.async_copy(v_hbm.at[ti_v.at[qi]], rows_v.at[qi], sem)
        return ()

    def drain_v(qi, _):
        pltpu.make_async_copy(
            v_hbm.at[pl.ds(0, 16)], rows_v.at[qi], sem).wait()
        return ()

    with jax.named_scope("p4_valgather"):
        lax.fori_loop(0, QPW, fire_v, (), unroll=False)
        lax.fori_loop(0, QPW, drain_v, (), unroll=False)

    def p5(qi, _):
        w16 = w_v[qi, :]
        for c in range(DIM // 16):
            acc = jnp.zeros((16,), jnp.float32)
            for j in range(K):
                acc = acc + (rows_v[qi, j, pl.ds(c * 16, 16)]
                             * jnp.full((16,), w16[j], jnp.float32))
            out_v[qi, pl.ds(c * 16, 16)] = acc
        return ()

    with jax.named_scope("p5_wsum"):
        lax.fori_loop(0, QPW, p5, (), unroll=False)
    pltpu.sync_copy(out_v, o_hbm.at[pl.ds(wid * QPW, QPW)])


def _select_sc(sim2, gid8, values):
    simflat = sim2.reshape(NTILE * B * G)
    gid3 = gid8.reshape(NW, QPW * K)
    kfn = pl.kernel(
        _select_body,
        out_type=jax.ShapeDtypeStruct((B, DIM), jnp.float32),
        mesh=plsc.VectorSubcoreMesh(
            core_axis_name="c", subcore_axis_name="s",
            num_cores=NC, num_subcores=NS),
        scratch_types=[
            pltpu.VMEM((QPW * K,), jnp.int32),
            pltpu.VMEM((QPW, NCAND), jnp.int32),
            pltpu.VMEM((QPW, NCAND), jnp.int32),
            pltpu.VMEM((QPW, NCAND), jnp.float32),
            pltpu.VMEM((QPW, 16), jnp.float32),
            pltpu.VMEM((QPW, 16), jnp.int32),
            pltpu.VMEM((QPW, 16, DIM), jnp.float32),
            pltpu.VMEM((QPW, DIM), jnp.float32),
            pltpu.SemaphoreType.DMA,
        ],
        compiler_params=pltpu.CompilerParams(
            use_tc_tiling_on_sc=False, needs_layout_passes=False),
    )
    return kfn(simflat, gid3, values)


def kernel(q, keys, values):
    if q.ndim == 4:
        q = q.mean(axis=(2, 3))
    sim2, mg = _sim_tc(q, keys)
    gid8 = _groups_tc(mg)
    out = _select_sc(sim2, gid8, values)
    return out[:, :, None, None]

# --- scband reference (transcript-rebuilt; emitter-appended) ---
"""Pipeline reference for scband-fftmemory-39204461478043 (READ-ONLY COPY).

The authoritative reference and input builder live on the scoring server;
editing this copy changes nothing except your own understanding.
"""

import jax, jax.numpy as jnp
import numpy as np

MEM_SIZE = 100000
DIM = 64
TOPK = 8
BATCH = 1024


def setup_inputs(seed: int = 0) -> dict:
    key = jax.random.key(seed)
    k1, k2, k3 = jax.random.split(key, 3)
    q = jax.random.normal(k1, (BATCH, DIM), dtype=jnp.float32)
    keys = jax.random.normal(k2, (MEM_SIZE, DIM), dtype=jnp.float32)
    values = jax.random.normal(k3, (MEM_SIZE, DIM), dtype=jnp.float32)
    return {"q": q, "keys": keys, "values": values}


def _l2_normalize(x, axis, eps=1e-12):
    # matches torch F.normalize: x / max(||x||_2, eps)
    norm = jnp.sqrt(jnp.sum(x * x, axis=axis, keepdims=True))
    return x / jnp.maximum(norm, eps)


def reference(q, keys, values):
    if q.ndim == 4:
        q = q.mean(axis=(2, 3))
    qn = _l2_normalize(q, axis=1)
    kn = _l2_normalize(keys, axis=1)
    sim = jnp.matmul(qn, kn.T)  # [B, MEM_SIZE]
    top_val, top_idx = jax.lax.top_k(sim, TOPK)  # [B, TOPK]
    weights = jax.nn.softmax(top_val, axis=1)  # [B, TOPK]
    v_selected = jnp.take(values, top_idx, axis=0)  # [B, TOPK, DIM]
    weighted = jnp.sum(v_selected * weights[..., None], axis=1)  # [B, DIM]
    return weighted[:, :, None, None]  # [B, DIM, 1, 1]

if __name__ == "__main__":
    import jax
    _d = setup_inputs()
    print(jax.jit(kernel)(*tuple(_d.values())))

</pallas_src>

<mosaic_0001>
#map = affine_map<(d0, d1) -> (0)>
#map1 = affine_map<(d0, d1) -> (0, 0)>
module attributes {stable_mosaic.version = 14 : i64} {
  func.func @_select_body(%arg0: i32, %arg1: i32, %arg2: memref<102760448xf32, #tpu.memory_space<hbm>>, %arg3: memref<32x256xi32, #tpu.memory_space<hbm>>, %arg4: memref<100000x64xf32, #tpu.memory_space<hbm>>, %arg5: memref<1024x64xf32, #tpu.memory_space<hbm>>, %arg6: memref<256xi32, #tpu.memory_space<vmem>>, %arg7: memref<32x128xi32, #tpu.memory_space<vmem>>, %arg8: memref<32x128xi32, #tpu.memory_space<vmem>>, %arg9: memref<32x128xf32, #tpu.memory_space<vmem>>, %arg10: memref<32x16xf32, #tpu.memory_space<vmem>>, %arg11: memref<32x16xi32, #tpu.memory_space<vmem>>, %arg12: memref<32x16x64xf32, #tpu.memory_space<vmem>>, %arg13: memref<32x64xf32, #tpu.memory_space<vmem>>, %arg14: memref<!tpu.dma_semaphore, #tpu.memory_space<semaphore_mem>>) attributes {dimension_semantics = [#tpu.dimension_semantics<core_parallel>, #tpu.dimension_semantics<subcore_parallel>], iteration_bounds = array<i64: 2, 16>, scalar_prefetch = 0 : i64, scratch_operands = 9 : i64, tpu.core_type = #tpu.core_type<sc_vector_subcore>, window_params = [{transform_indices = #map}, {transform_indices = #map1}, {transform_indices = #map1}, {transform_indices = #map1}]} {
    %mul3A = arith.constant 2 : i32
    %mul3A_0 = arith.muli %arg1, %mul3A : i32
    %add3A = arith.addi %mul3A_0, %arg0 : i32
    "tpu.region"() ({
      %run_scoped3A = tpu.sem_alloc : memref<!tpu.dma_semaphore, #tpu.memory_space<semaphore_mem>>
      %dma_start3A = arith.constant 0 : i32
      %dma_start3A_37 = tpu.memref_slice %arg3[%add3A, %dma_start3A] : memref<32x256xi32, #tpu.memory_space<hbm>> -> memref<1x256xi32, #tpu.memory_space<hbm>>
      %dma_start3A_38 = tpu.memref_squeeze %dma_start3A_37 : memref<1x256xi32, #tpu.memory_space<hbm>> -> memref<256xi32, #tpu.memory_space<hbm>>
      %dma_start3A_39 = arith.constant 0 : i32
      %dma_start3A_40 = tpu.memref_slice %arg3[%add3A, %dma_start3A_39] : memref<32x256xi32, #tpu.memory_space<hbm>> -> memref<1x256xi32, #tpu.memory_space<hbm>>
      %dma_start3A_41 = tpu.memref_squeeze %dma_start3A_40 : memref<1x256xi32, #tpu.memory_space<hbm>> -> memref<256xi32, #tpu.memory_space<hbm>>
      tpu.enqueue_dma source(%dma_start3A_41 : memref<256xi32, #tpu.memory_space<hbm>>) target(%arg6 : memref<256xi32, #tpu.memory_space<vmem>>) target_semaphore(%run_scoped3A : memref<!tpu.dma_semaphore, #tpu.memory_space<semaphore_mem>>)
      %dma_wait3A = arith.constant 0 : i32
      %dma_wait3A_42 = tpu.memref_slice %arg3[%add3A, %dma_wait3A] : memref<32x256xi32, #tpu.memory_space<hbm>> -> memref<1x256xi32, #tpu.memory_space<hbm>>
      %dma_wait3A_43 = tpu.memref_squeeze %dma_wait3A_42 : memref<1x256xi32, #tpu.memory_space<hbm>> -> memref<256xi32, #tpu.memory_space<hbm>>
      %dma_wait3A_44 = arith.constant 0 : i32
      %dma_wait3A_45 = tpu.memref_slice %arg3[%add3A, %dma_wait3A_44] : memref<32x256xi32, #tpu.memory_space<hbm>> -> memref<1x256xi32, #tpu.memory_space<hbm>>
      %dma_wait3A_46 = tpu.memref_squeeze %dma_wait3A_45 : memref<1x256xi32, #tpu.memory_space<hbm>> -> memref<256xi32, #tpu.memory_space<hbm>>
      tpu.wait_dma2 semaphore(%run_scoped3A : memref<!tpu.dma_semaphore, #tpu.memory_space<semaphore_mem>>) src(%dma_wait3A_46 : memref<256xi32, #tpu.memory_space<hbm>>) dst(%arg6 : memref<256xi32, #tpu.memory_space<vmem>>)
      tpu.yield
    }) : () -> ()
    %iota3A = tpu.iota {dimensions = array<i32: 0>} : vector<16xi32>
    "tpu.trace_start"() <{level = 10 : i32, message = "p1_idx"}> : () -> ()
    %scan3A = arith.constant 0 : i32
    %scan3A_1 = arith.constant 16 : i32
    %scan3A_2 = arith.addi %scan3A, %scan3A_1 : i32
    %scan3A_3 = arith.constant 1 : i32
    scf.for %scan3A_37 = %scan3A to %scan3A_2 step %scan3A_3  : i32 {
      %mul3A_38 = arith.constant 16 : i32
      %mul3A_39 = arith.muli %scan3A_37, %mul3A_38 : i32
      %get3A = arith.index_cast %mul3A_39 : i32 to index
      %get3A_40 = tpu.vector_load %arg6[%get3A] {strides = array<i32>} : memref<256xi32, #tpu.memory_space<vmem>>, vector<16xi32>,
      %mul3A_41 = arith.constant 2 : i32
      %mul3A_42 = arith.muli %scan3A_37, %mul3A_41 : i32
      %add3A_43 = arith.constant 0 : i32
      %add3A_44 = arith.addi %mul3A_42, %add3A_43 : i32
      %mul3A_45 = arith.constant 32 : i32
      %mul3A_46 = arith.muli %add3A, %mul3A_45 : i32
      %add3A_47 = arith.addi %mul3A_46, %add3A_44 : i32
      %slice3A = vector.extract_strided_slice %get3A_40 {offsets = [0], sizes = [1], strides = [1]} : vector<16xi32> to vector<1xi32>
      %squeeze3A = vector.extract %slice3A[0] : i32 from vector<1xi32>
      %jit3A = arith.constant 128 : i32
      %div3A = arith.divsi %squeeze3A, %jit3A : i32
      %sign3A = arith.constant 0 : i32
      %sign3A_48 = arith.cmpi sgt, %squeeze3A, %sign3A : i32
      %sign3A_49 = arith.extui %sign3A_48 : i1 to i32
      %sign3A_50 = arith.constant 0 : i32
      %sign3A_51 = arith.cmpi slt, %squeeze3A, %sign3A_50 : i32
      %sign3A_52 = arith.extui %sign3A_51 : i1 to i32
      %sign3A_53 = arith.subi %sign3A_49, %sign3A_52 : i32
      %sign3A_54 = arith.constant 0 : i32
      %sign3A_55 = arith.cmpi sgt, %jit3A, %sign3A_54 : i32
      %sign3A_56 = arith.extui %sign3A_55 : i1 to i32
      %sign3A_57 = arith.constant 0 : i32
      %sign3A_58 = arith.cmpi slt, %jit3A, %sign3A_57 : i32
      %sign3A_59 = arith.extui %sign3A_58 : i1 to i32
      %sign3A_60 = arith.subi %sign3A_56, %sign3A_59 : i32
      %ne3A = arith.cmpi ne, %sign3A_53, %sign3A_60 : i32
      %rem3A = arith.remsi %squeeze3A, %jit3A : i32
      %ne3A_61 = arith.constant 0 : i32
      %ne3A_62 = arith.cmpi ne, %rem3A, %ne3A_61 : i32
      %and3A = arith.andi %ne3A, %ne3A_62 : i1
      %sub3A = arith.constant 1 : i32
      %sub3A_63 = arith.subi %div3A, %sub3A : i32
      %select_n3A = arith.select %and3A, %sub3A_63, %div3A : i32
      %rem3A_64 = arith.constant 128 : i32
      %rem3A_65 = arith.remsi %squeeze3A, %rem3A_64 : i32
      %mul3A_66 = arith.constant 2048 : i32
      %mul3A_67 = arith.muli %select_n3A, %mul3A_66 : i32
      %add3A_68 = arith.addi %mul3A_67, %rem3A_65 : i32
      %mul3A_69 = arith.constant 128 : i32
      %mul3A_70 = vector.broadcast %mul3A_69 : i32 to vector<16xi32>
      %mul3A_71 = arith.muli %iota3A, %mul3A_70 : vector<16xi32>
      %add3A_72 = vector.broadcast %add3A_68 : i32 to vector<16xi32>
      %add3A_73 = arith.addi %add3A_72, %mul3A_71 : vector<16xi32>
      %swap3A = arith.index_cast %add3A_44 : i32 to index
      %swap3A_74 = arith.constant 0 : index
      %swap3A_75 = tpu.vector_load %arg7[%swap3A, %swap3A_74] {strides = array<i32>} : memref<32x128xi32, #tpu.memory_space<vmem>>, vector<16xi32>,
      tpu.vector_store %arg7[%swap3A, %swap3A_74], %add3A_73 {strides = array<i32>} : memref<32x128xi32, #tpu.memory_space<vmem>>, vector<16xi32>,
      %mul3A_76 = arith.constant 2097152 : i32
      %mul3A_77 = arith.muli %select_n3A, %mul3A_76 : i32
      %mul3A_78 = arith.constant 128 : i32
      %mul3A_79 = arith.muli %add3A_47, %mul3A_78 : i32
      %add3A_80 = arith.addi %mul3A_77, %mul3A_79 : i32
      %add3A_81 = arith.addi %add3A_80, %rem3A_65 : i32
      %mul3A_82 = arith.constant 131072 : i32
      %mul3A_83 = vector.broadcast %mul3A_82 : i32 to vector<16xi32>
      %mul3A_84 = arith.muli %iota3A, %mul3A_83 : vector<16xi32>
      %add3A_85 = vector.broadcast %add3A_81 : i32 to vector<16xi32>
      %add3A_86 = arith.addi %add3A_85, %mul3A_84 : vector<16xi32>
      %swap3A_87 = arith.index_cast %add3A_44 : i32 to index
      %swap3A_88 = arith.constant 0 : index
      %swap3A_89 = tpu.vector_load %arg8[%swap3A_87, %swap3A_88] {strides = array<i32>} : memref<32x128xi32, #tpu.memory_space<vmem>>, vector<16xi32>,
      tpu.vector_store %arg8[%swap3A_87, %swap3A_88], %add3A_86 {strides = array<i32>} : memref<32x128xi32, #tpu.memory_space<vmem>>, vector<16xi32>,
      %slice3A_90 = vector.extract_strided_slice %get3A_40 {offsets = [1], sizes = [1], strides = [1]} : vector<16xi32> to vector<1xi32>
      %squeeze3A_91 = vector.extract %slice3A_90[0] : i32 from vector<1xi32>
      %jit3A_92 = arith.constant 128 : i32
      %div3A_93 = arith.divsi %squeeze3A_91, %jit3A_92 : i32
      %sign3A_94 = arith.constant 0 : i32
      %sign3A_95 = arith.cmpi sgt, %squeeze3A_91, %sign3A_94 : i32
      %sign3A_96 = arith.extui %sign3A_95 : i1 to i32
      %sign3A_97 = arith.constant 0 : i32
      %sign3A_98 = arith.cmpi slt, %squeeze3A_91, %sign3A_97 : i32
      %sign3A_99 = arith.extui %sign3A_98 : i1 to i32
      %sign3A_100 = arith.subi %sign3A_96, %sign3A_99 : i32
      %sign3A_101 = arith.constant 0 : i32
      %sign3A_102 = arith.cmpi sgt, %jit3A_92, %sign3A_101 : i32
      %sign3A_103 = arith.extui %sign3A_102 : i1 to i32
      %sign3A_104 = arith.constant 0 : i32
      %sign3A_105 = arith.cmpi slt, %jit3A_92, %sign3A_104 : i32
      %sign3A_106 = arith.extui %sign3A_105 : i1 to i32
      %sign3A_107 = arith.subi %sign3A_103, %sign3A_106 : i32
      %ne3A_108 = arith.cmpi ne, %sign3A_100, %sign3A_107 : i32
      %rem3A_109 = arith.remsi %squeeze3A_91, %jit3A_92 : i32
      %ne3A_110 = arith.constant 0 : i32
      %ne3A_111 = arith.cmpi ne, %rem3A_109, %ne3A_110 : i32
      %and3A_112 = arith.andi %ne3A_108, %ne3A_111 : i1
      %sub3A_113 = arith.constant 1 : i32
      %sub3A_114 = arith.subi %div3A_93, %sub3A_113 : i32
      %select_n3A_115 = arith.select %and3A_112, %sub3A_114, %div3A_93 : i32
      %rem3A_116 = arith.constant 128 : i32
      %rem3A_117 = arith.remsi %squeeze3A_91, %rem3A_116 : i32
      %mul3A_118 = arith.constant 2048 : i32
      %mul3A_119 = arith.muli %select_n3A_115, %mul3A_118 : i32
      %add3A_120 = arith.addi %mul3A_119, %rem3A_117 : i32
      %mul3A_121 = arith.constant 128 : i32
      %mul3A_122 = vector.broadcast %mul3A_121 : i32 to vector<16xi32>
      %mul3A_123 = arith.muli %iota3A, %mul3A_122 : vector<16xi32>
      %add3A_124 = vector.broadcast %add3A_120 : i32 to vector<16xi32>
      %add3A_125 = arith.addi %add3A_124, %mul3A_123 : vector<16xi32>
      %swap3A_126 = arith.index_cast %add3A_44 : i32 to index
      %swap3A_127 = arith.constant 16 : index
      %swap3A_128 = tpu.vector_load %arg7[%swap3A_126, %swap3A_127] {strides = array<i32>} : memref<32x128xi32, #tpu.memory_space<vmem>>, vector<16xi32>,
      tpu.vector_store %arg7[%swap3A_126, %swap3A_127], %add3A_125 {strides = array<i32>} : memref<32x128xi32, #tpu.memory_space<vmem>>, vector<16xi32>,
      %mul3A_129 = arith.constant 2097152 : i32
      %mul3A_130 = arith.muli %select_n3A_115, %mul3A_129 : i32
      %mul3A_131 = arith.constant 128 : i32
      %mul3A_132 = arith.muli %add3A_47, %mul3A_131 : i32
      %add3A_133 = arith.addi %mul3A_130, %mul3A_132 : i32
      %add3A_134 = arith.addi %add3A_133, %rem3A_117 : i32
      %mul3A_135 = arith.constant 131072 : i32
      %mul3A_136 = vector.broadcast %mul3A_135 : i32 to vector<16xi32>
      %mul3A_137 = arith.muli %iota3A, %mul3A_136 : vector<16xi32>
      %add3A_138 = vector.broadcast %add3A_134 : i32 to vector<16xi32>
      %add3A_139 = arith.addi %add3A_138, %mul3A_137 : vector<16xi32>
      %swap3A_140 = arith.index_cast %add3A_44 : i32 to index
      %swap3A_141 = arith.constant 16 : index
      %swap3A_142 = tpu.vector_load %arg8[%swap3A_140, %swap3A_141] {strides = array<i32>} : memref<32x128xi32, #tpu.memory_space<vmem>>, vector<16xi32>,
      tpu.vector_store %arg8[%swap3A_140, %swap3A_141], %add3A_139 {strides = array<i32>} : memref<32x128xi32, #tpu.memory_space<vmem>>, vector<16xi32>,
      %slice3A_143 = vector.extract_strided_slice %get3A_40 {offsets = [2], sizes = [1], strides = [1]} : vector<16xi32> to vector<1xi32>
      %squeeze3A_144 = vector.extract %slice3A_143[0] : i32 from vector<1xi32>
      %jit3A_145 = arith.constant 128 : i32
      %div3A_146 = arith.divsi %squeeze3A_144, %jit3A_145 : i32
      %sign3A_147 = arith.constant 0 : i32
      %sign3A_148 = arith.cmpi sgt, %squeeze3A_144, %sign3A_147 : i32
      %sign3A_149 = arith.extui %sign3A_148 : i1 to i32
      %sign3A_150 = arith.constant 0 : i32
      %sign3A_151 = arith.cmpi slt, %squeeze3A_144, %sign3A_150 : i32
      %sign3A_152 = arith.extui %sign3A_151 : i1 to i32
      %sign3A_153 = arith.subi %sign3A_149, %sign3A_152 : i32
      %sign3A_154 = arith.constant 0 : i32
      %sign3A_155 = arith.cmpi sgt, %jit3A_145, %sign3A_154 : i32
      %sign3A_156 = arith.extui %sign3A_155 : i1 to i32
      %sign3A_157 = arith.constant 0 : i32
      %sign3A_158 = arith.cmpi slt, %jit3A_145, %sign3A_157 : i32
      %sign3A_159 = arith.extui %sign3A_158 : i1 to i32
      %sign3A_160 = arith.subi %sign3A_156, %sign3A_159 : i32
      %ne3A_161 = arith.cmpi ne, %sign3A_153, %sign3A_160 : i32
      %rem3A_162 = arith.remsi %squeeze3A_144, %jit3A_145 : i32
      %ne3A_163 = arith.constant 0 : i32
      %ne3A_164 = arith.cmpi ne, %rem3A_162, %ne3A_163 : i32
      %and3A_165 = arith.andi %ne3A_161, %ne3A_164 : i1
      %sub3A_166 = arith.constant 1 : i32
      %sub3A_167 = arith.subi %div3A_146, %sub3A_166 : i32
      %select_n3A_168 = arith.select %and3A_165, %sub3A_167, %div3A_146 : i32
      %rem3A_169 = arith.constant 128 : i32
      %rem3A_170 = arith.remsi %squeeze3A_144, %rem3A_169 : i32
      %mul3A_171 = arith.constant 2048 : i32
      %mul3A_172 = arith.muli %select_n3A_168, %mul3A_171 : i32
      %add3A_173 = arith.addi %mul3A_172, %rem3A_170 : i32
      %mul3A_174 = arith.constant 128 : i32
      %mul3A_175 = vector.broadcast %mul3A_174 : i32 to vector<16xi32>
      %mul3A_176 = arith.muli %iota3A, %mul3A_175 : vector<16xi32>
      %add3A_177 = vector.broadcast %add3A_173 : i32 to vector<16xi32>
      %add3A_178 = arith.addi %add3A_177, %mul3A_176 : vector<16xi32>
      %swap3A_179 = arith.index_cast %add3A_44 : i32 to index
      %swap3A_180 = arith.constant 32 : index
      %swap3A_181 = tpu.vector_load %arg7[%swap3A_179, %swap3A_180] {strides = array<i32>} : memref<32x128xi32, #tpu.memory_space<vmem>>, vector<16xi32>,
      tpu.vector_store %arg7[%swap3A_179, %swap3A_180], %add3A_178 {strides = array<i32>} : memref<32x128xi32, #tpu.memory_space<vmem>>, vector<16xi32>,
      %mul3A_182 = arith.constant 2097152 : i32
      %mul3A_183 = arith.muli %select_n3A_168, %mul3A_182 : i32
      %mul3A_184 = arith.constant 128 : i32
      %mul3A_185 = arith.muli %add3A_47, %mul3A_184 : i32
      %add3A_186 = arith.addi %mul3A_183, %mul3A_185 : i32
      %add3A_187 = arith.addi %add3A_186, %rem3A_170 : i32
      %mul3A_188 = arith.constant 131072 : i32
      %mul3A_189 = vector.broadcast %mul3A_188 : i32 to vector<16xi32>
      %mul3A_190 = arith.muli %iota3A, %mul3A_189 : vector<16xi32>
      %add3A_191 = vector.broadcast %add3A_187 : i32 to vector<16xi32>
      %add3A_192 = arith.addi %add3A_191, %mul3A_190 : vector<16xi32>
      %swap3A_193 = arith.index_cast %add3A_44 : i32 to index
      %swap3A_194 = arith.constant 32 : index
      %swap3A_195 = tpu.vector_load %arg8[%swap3A_193, %swap3A_194] {strides = array<i32>} : memref<32x128xi32, #tpu.memory_space<vmem>>, vector<16xi32>,
      tpu.vector_store %arg8[%swap3A_193, %swap3A_194], %add3A_192 {strides = array<i32>} : memref<32x128xi32, #tpu.memory_space<vmem>>, vector<16xi32>,
      %slice3A_196 = vector.extract_strided_slice %get3A_40 {offsets = [3], sizes = [1], strides = [1]} : vector<16xi32> to vector<1xi32>
      %squeeze3A_197 = vector.extract %slice3A_196[0] : i32 from vector<1xi32>
      %jit3A_198 = arith.constant 128 : i32
      %div3A_199 = arith.divsi %squeeze3A_197, %jit3A_198 : i32
      %sign3A_200 = arith.constant 0 : i32
      %sign3A_201 = arith.cmpi sgt, %squeeze3A_197, %sign3A_200 : i32
      %sign3A_202 = arith.extui %sign3A_201 : i1 to i32
      %sign3A_203 = arith.constant 0 : i32
      %sign3A_204 = arith.cmpi slt, %squeeze3A_197, %sign3A_203 : i32
      %sign3A_205 = arith.extui %sign3A_204 : i1 to i32
      %sign3A_206 = arith.subi %sign3A_202, %sign3A_205 : i32
      %sign3A_207 = arith.constant 0 : i32
      %sign3A_208 = arith.cmpi sgt, %jit3A_198, %sign3A_207 : i32
      %sign3A_209 = arith.extui %sign3A_208 : i1 to i32
      %sign3A_210 = arith.constant 0 : i32
      %sign3A_211 = arith.cmpi slt, %jit3A_198, %sign3A_210 : i32
      %sign3A_212 = arith.extui %sign3A_211 : i1 to i32
      %sign3A_213 = arith.subi %sign3A_209, %sign3A_212 : i32
      %ne3A_214 = arith.cmpi ne, %sign3A_206, %sign3A_213 : i32
      %rem3A_215 = arith.remsi %squeeze3A_197, %jit3A_198 : i32
      %ne3A_216 = arith.constant 0 : i32
      %ne3A_217 = arith.cmpi ne, %rem3A_215, %ne3A_216 : i32
      %and3A_218 = arith.andi %ne3A_214, %ne3A_217 : i1
      %sub3A_219 = arith.constant 1 : i32
      %sub3A_220 = arith.subi %div3A_199, %sub3A_219 : i32
      %select_n3A_221 = arith.select %and3A_218, %sub3A_220, %div3A_199 : i32
      %rem3A_222 = arith.constant 128 : i32
      %rem3A_223 = arith.remsi %squeeze3A_197, %rem3A_222 : i32
      %mul3A_224 = arith.constant 2048 : i32
      %mul3A_225 = arith.muli %select_n3A_221, %mul3A_224 : i32
      %add3A_226 = arith.addi %mul3A_225, %rem3A_223 : i32
      %mul3A_227 = arith.constant 128 : i32
      %mul3A_228 = vector.broadcast %mul3A_227 : i32 to vector<16xi32>
      %mul3A_229 = arith.muli %iota3A, %mul3A_228 : vector<16xi32>
      %add3A_230 = vector.broadcast %add3A_226 : i32 to vector<16xi32>
      %add3A_231 = arith.addi %add3A_230, %mul3A_229 : vector<16xi32>
      %swap3A_232 = arith.index_cast %add3A_44 : i32 to index
      %swap3A_233 = arith.constant 48 : index
      %swap3A_234 = tpu.vector_load %arg7[%swap3A_232, %swap3A_233] {strides = array<i32>} : memref<32x128xi32, #tpu.memory_space<vmem>>, vector<16xi32>,
      tpu.vector_store %arg7[%swap3A_232, %swap3A_233], %add3A_231 {strides = array<i32>} : memref<32x128xi32, #tpu.memory_space<vmem>>, vector<16xi32>,
      %mul3A_235 = arith.constant 2097152 : i32
      %mul3A_236 = arith.muli %select_n3A_221, %mul3A_235 : i32
      %mul3A_237 = arith.constant 128 : i32
      %mul3A_238 = arith.muli %add3A_47, %mul3A_237 : i32
      %add3A_239 = arith.addi %mul3A_236, %mul3A_238 : i32
      %add3A_240 = arith.addi %add3A_239, %rem3A_223 : i32
      %mul3A_241 = arith.constant 131072 : i32
      %mul3A_242 = vector.broadcast %mul3A_241 : i32 to vector<16xi32>
      %mul3A_243 = arith.muli %iota3A, %mul3A_242 : vector<16xi32>
      %add3A_244 = vector.broadcast %add3A_240 : i32 to vector<16xi32>
      %add3A_245 = arith.addi %add3A_244, %mul3A_243 : vector<16xi32>
      %swap3A_246 = arith.index_cast %add3A_44 : i32 to index
      %swap3A_247 = arith.constant 48 : index
      %swap3A_248 = tpu.vector_load %arg8[%swap3A_246, %swap3A_247] {strides = array<i32>} : memref<32x128xi32, #tpu.memory_space<vmem>>, vector<16xi32>,
      tpu.vector_store %arg8[%swap3A_246, %swap3A_247], %add3A_245 {strides = array<i32>} : memref<32x128xi32, #tpu.memory_space<vmem>>, vector<16xi32>,
      %slice3A_249 = vector.extract_strided_slice %get3A_40 {offsets = [4], sizes = [1], strides = [1]} : vector<16xi32> to vector<1xi32>
      %squeeze3A_250 = vector.extract %slice3A_249[0] : i32 from vector<1xi32>
      %jit3A_251 = arith.constant 128 : i32
      %div3A_252 = arith.divsi %squeeze3A_250, %jit3A_251 : i32
      %sign3A_253 = arith.constant 0 : i32
      %sign3A_254 = arith.cmpi sgt, %squeeze3A_250, %sign3A_253 : i32
      %sign3A_255 = arith.extui %sign3A_254 : i1 to i32
      %sign3A_256 = arith.constant 0 : i32
      %sign3A_257 = arith.cmpi slt, %squeeze3A_250, %sign3A_256 : i32
      %sign3A_258 = arith.extui %sign3A_257 : i1 to i32
      %sign3A_259 = arith.subi %sign3A_255, %sign3A_258 : i32
      %sign3A_260 = arith.constant 0 : i32
      %sign3A_261 = arith.cmpi sgt, %jit3A_251, %sign3A_260 : i32
      %sign3A_262 = arith.extui %sign3A_261 : i1 to i32
      %sign3A_263 = arith.constant 0 : i32
      %sign3A_264 = arith.cmpi slt, %jit3A_251, %sign3A_263 : i32
      %sign3A_265 = arith.extui %sign3A_264 : i1 to i32
      %sign3A_266 = arith.subi %sign3A_262, %sign3A_265 : i32
      %ne3A_267 = arith.cmpi ne, %sign3A_259, %sign3A_266 : i32
      %rem3A_268 = arith.remsi %squeeze3A_250, %jit3A_251 : i32
      %ne3A_269 = arith.constant 0 : i32
      %ne3A_270 = arith.cmpi ne, %rem3A_268, %ne3A_269 : i32
      %and3A_271 = arith.andi %ne3A_267, %ne3A_270 : i1
      %sub3A_272 = arith.constant 1 : i32
      %sub3A_273 = arith.subi %div3A_252, %sub3A_272 : i32
      %select_n3A_274 = arith.select %and3A_271, %sub3A_273, %div3A_252 : i32
      %rem3A_275 = arith.constant 128 : i32
      %rem3A_276 = arith.remsi %squeeze3A_250, %rem3A_275 : i32
      %mul3A_277 = arith.constant 2048 : i32
      %mul3A_278 = arith.muli %select_n3A_274, %mul3A_277 : i32
      %add3A_279 = arith.addi %mul3A_278, %rem3A_276 : i32
      %mul3A_280 = arith.constant 128 : i32
      %mul3A_281 = vector.broadcast %mul3A_280 : i32 to vector<16xi32>
      %mul3A_282 = arith.muli %iota3A, %mul3A_281 : vector<16xi32>
      %add3A_283 = vector.broadcast %add3A_279 : i32 to vector<16xi32>
      %add3A_284 = arith.addi %add3A_283, %mul3A_282 : vector<16xi32>
      %swap3A_285 = arith.index_cast %add3A_44 : i32 to index
      %swap3A_286 = arith.constant 64 : index
      %swap3A_287 = tpu.vector_load %arg7[%swap3A_285, %swap3A_286] {strides = array<i32>} : memref<32x128xi32, #tpu.memory_space<vmem>>, vector<16xi32>,
      tpu.vector_store %arg7[%swap3A_285, %swap3A_286], %add3A_284 {strides = array<i32>} : memref<32x128xi32, #tpu.memory_space<vmem>>, vector<16xi32>,
      %mul3A_288 = arith.constant 2097152 : i32
      %mul3A_289 = arith.muli %select_n3A_274, %mul3A_288 : i32
      %mul3A_290 = arith.constant 128 : i32
      %mul3A_291 = arith.muli %add3A_47, %mul3A_290 : i32
      %add3A_292 = arith.addi %mul3A_289, %mul3A_291 : i32
      %add3A_293 = arith.addi %add3A_292, %rem3A_276 : i32
      %mul3A_294 = arith.constant 131072 : i32
      %mul3A_295 = vector.broadcast %mul3A_294 : i32 to vector<16xi32>
      %mul3A_296 = arith.muli %iota3A, %mul3A_295 : vector<16xi32>
      %add3A_297 = vector.broadcast %add3A_293 : i32 to vector<16xi32>
      %add3A_298 = arith.addi %add3A_297, %mul3A_296 : vector<16xi32>
      %swap3A_299 = arith.index_cast %add3A_44 : i32 to index
      %swap3A_300 = arith.constant 64 : index
      %swap3A_301 = tpu.vector_load %arg8[%swap3A_299, %swap3A_300] {strides = array<i32>} : memref<32x128xi32, #tpu.memory_space<vmem>>, vector<16xi32>,
      tpu.vector_store %arg8[%swap3A_299, %swap3A_300], %add3A_298 {strides = array<i32>} : memref<32x128xi32, #tpu.memory_space<vmem>>, vector<16xi32>,
      %slice3A_302 = vector.extract_strided_slice %get3A_40 {offsets = [5], sizes = [1], strides = [1]} : vector<16xi32> to vector<1xi32>
      %squeeze3A_303 = vector.extract %slice3A_302[0] : i32 from vector<1xi32>
      %jit3A_304 = arith.constant 128 : i32
      %div3A_305 = arith.divsi %squeeze3A_303, %jit3A_304 : i32
      %sign3A_306 = arith.constant 0 : i32
      %sign3A_307 = arith.cmpi sgt, %squeeze3A_303, %sign3A_306 : i32
      %sign3A_308 = arith.extui %sign3A_307 : i1 to i32
      %sign3A_309 = arith.constant 0 : i32
      %sign3A_310 = arith.cmpi slt, %squeeze3A_303, %sign3A_309 : i32
      %sign3A_311 = arith.extui %sign3A_310 : i1 to i32
      %sign3A_312 = arith.subi %sign3A_308, %sign3A_311 : i32
      %sign3A_313 = arith.constant 0 : i32
      %sign3A_314 = arith.cmpi sgt, %jit3A_304, %sign3A_313 : i32
      %sign3A_315 = arith.extui %sign3A_314 : i1 to i32
      %sign3A_316 = arith.constant 0 : i32
      %sign3A_317 = arith.cmpi slt, %jit3A_304, %sign3A_316 : i32
      %sign3A_318 = arith.extui %sign3A_317 : i1 to i32
      %sign3A_319 = arith.subi %sign3A_315, %sign3A_318 : i32
      %ne3A_320 = arith.cmpi ne, %sign3A_312, %sign3A_319 : i32
      %rem3A_321 = arith.remsi %squeeze3A_303, %jit3A_304 : i32
      %ne3A_322 = arith.constant 0 : i32
      %ne3A_323 = arith.cmpi ne, %rem3A_321, %ne3A_322 : i32
      %and3A_324 = arith.andi %ne3A_320, %ne3A_323 : i1
      %sub3A_325 = arith.constant 1 : i32
      %sub3A_326 = arith.subi %div3A_305, %sub3A_325 : i32
      %select_n3A_327 = arith.select %and3A_324, %sub3A_326, %div3A_305 : i32
      %rem3A_328 = arith.constant 128 : i32
      %rem3A_329 = arith.remsi %squeeze3A_303, %rem3A_328 : i32
      %mul3A_330 = arith.constant 2048 : i32
      %mul3A_331 = arith.muli %select_n3A_327, %mul3A_330 : i32
      %add3A_332 = arith.addi %mul3A_331, %rem3A_329 : i32
      %mul3A_333 = arith.constant 128 : i32
      %mul3A_334 = vector.broadcast %mul3A_333 : i32 to vector<16xi32>
      %mul3A_335 = arith.muli %iota3A, %mul3A_334 : vector<16xi32>
      %add3A_336 = vector.broadcast %add3A_332 : i32 to vector<16xi32>
      %add3A_337 = arith.addi %add3A_336, %mul3A_335 : vector<16xi32>
      %swap3A_338 = arith.index_cast %add3A_44 : i32 to index
      %swap3A_339 = arith.constant 80 : index
      %swap3A_340 = tpu.vector_load %arg7[%swap3A_338, %swap3A_339] {strides = array<i32>} : memref<32x128xi32, #tpu.memory_space<vmem>>, vector<16xi32>,
      tpu.vector_store %arg7[%swap3A_338, %swap3A_339], %add3A_337 {strides = array<i32>} : memref<32x128xi32, #tpu.memory_space<vmem>>, vector<16xi32>,
      %mul3A_341 = arith.constant 2097152 : i32
      %mul3A_342 = arith.muli %select_n3A_327, %mul3A_341 : i32
      %mul3A_343 = arith.constant 128 : i32
      %mul3A_344 = arith.muli %add3A_47, %mul3A_343 : i32
      %add3A_345 = arith.addi %mul3A_342, %mul3A_344 : i32
      %add3A_346 = arith.addi %add3A_345, %rem3A_329 : i32
      %mul3A_347 = arith.constant 131072 : i32
      %mul3A_348 = vector.broadcast %mul3A_347 : i32 to vector<16xi32>
      %mul3A_349 = arith.muli %iota3A, %mul3A_348 : vector<16xi32>
      %add3A_350 = vector.broadcast %add3A_346 : i32 to vector<16xi32>
      %add3A_351 = arith.addi %add3A_350, %mul3A_349 : vector<16xi32>
      %swap3A_352 = arith.index_cast %add3A_44 : i32 to index
      %swap3A_353 = arith.constant 80 : index
      %swap3A_354 = tpu.vector_load %arg8[%swap3A_352, %swap3A_353] {strides = array<i32>} : memref<32x128xi32, #tpu.memory_space<vmem>>, vector<16xi32>,
      tpu.vector_store %arg8[%swap3A_352, %swap3A_353], %add3A_351 {strides = array<i32>} : memref<32x128xi32, #tpu.memory_space<vmem>>, vector<16xi32>,
      %slice3A_355 = vector.extract_strided_slice %get3A_40 {offsets = [6], sizes = [1], strides = [1]} : vector<16xi32> to vector<1xi32>
      %squeeze3A_356 = vector.extract %slice3A_355[0] : i32 from vector<1xi32>
      %jit3A_357 = arith.constant 128 : i32
      %div3A_358 = arith.divsi %squeeze3A_356, %jit3A_357 : i32
      %sign3A_359 = arith.constant 0 : i32
      %sign3A_360 = arith.cmpi sgt, %squeeze3A_356, %sign3A_359 : i32
      %sign3A_361 = arith.extui %sign3A_360 : i1 to i32
      %sign3A_362 = arith.constant 0 : i32
      %sign3A_363 = arith.cmpi slt, %squeeze3A_356, %sign3A_362 : i32
      %sign3A_364 = arith.extui %sign3A_363 : i1 to i32
      %sign3A_365 = arith.subi %sign3A_361, %sign3A_364 : i32
      %sign3A_366 = arith.constant 0 : i32
      %sign3A_367 = arith.cmpi sgt, %jit3A_357, %sign3A_366 : i32
      %sign3A_368 = arith.extui %sign3A_367 : i1 to i32
      %sign3A_369 = arith.constant 0 : i32
      %sign3A_370 = arith.cmpi slt, %jit3A_357, %sign3A_369 : i32
      %sign3A_371 = arith.extui %sign3A_370 : i1 to i32
      %sign3A_372 = arith.subi %sign3A_368, %sign3A_371 : i32
      %ne3A_373 = arith.cmpi ne, %sign3A_365, %sign3A_372 : i32
      %rem3A_374 = arith.remsi %squeeze3A_356, %jit3A_357 : i32
      %ne3A_375 = arith.constant 0 : i32
      %ne3A_376 = arith.cmpi ne, %rem3A_374, %ne3A_375 : i32
      %and3A_377 = arith.andi %ne3A_373, %ne3A_376 : i1
      %sub3A_378 = arith.constant 1 : i32
      %sub3A_379 = arith.subi %div3A_358, %sub3A_378 : i32
      %select_n3A_380 = arith.select %and3A_377, %sub3A_379, %div3A_358 : i32
      %rem3A_381 = arith.constant 128 : i32
      %rem3A_382 = arith.remsi %squeeze3A_356, %rem3A_381 : i32
      %mul3A_383 = arith.constant 2048 : i32
      %mul3A_384 = arith.muli %select_n3A_380, %mul3A_383 : i32
      %add3A_385 = arith.addi %mul3A_384, %rem3A_382 : i32
      %mul3A_386 = arith.constant 128 : i32
      %mul3A_387 = vector.broadcast %mul3A_386 : i32 to vector<16xi32>
      %mul3A_388 = arith.muli %iota3A, %mul3A_387 : vector<16xi32>
      %add3A_389 = vector.broadcast %add3A_385 : i32 to vector<16xi32>
      %add3A_390 = arith.addi %add3A_389, %mul3A_388 : vector<16xi32>
      %swap3A_391 = arith.index_cast %add3A_44 : i32 to index
      %swap3A_392 = arith.constant 96 : index
      %swap3A_393 = tpu.vector_load %arg7[%swap3A_391, %swap3A_392] {strides = array<i32>} : memref<32x128xi32, #tpu.memory_space<vmem>>, vector<16xi32>,
      tpu.vector_store %arg7[%swap3A_391, %swap3A_392], %add3A_390 {strides = array<i32>} : memref<32x128xi32, #tpu.memory_space<vmem>>, vector<16xi32>,
      %mul3A_394 = arith.constant 2097152 : i32
      %mul3A_395 = arith.muli %select_n3A_380, %mul3A_394 : i32
      %mul3A_396 = arith.constant 128 : i32
      %mul3A_397 = arith.muli %add3A_47, %mul3A_396 : i32
      %add3A_398 = arith.addi %mul3A_395, %mul3A_397 : i32
      %add3A_399 = arith.addi %add3A_398, %rem3A_382 : i32
      %mul3A_400 = arith.constant 131072 : i32
      %mul3A_401 = vector.broadcast %mul3A_400 : i32 to vector<16xi32>
      %mul3A_402 = arith.muli %iota3A, %mul3A_401 : vector<16xi32>
      %add3A_403 = vector.broadcast %add3A_399 : i32 to vector<16xi32>
      %add3A_404 = arith.addi %add3A_403, %mul3A_402 : vector<16xi32>
      %swap3A_405 = arith.index_cast %add3A_44 : i32 to index
      %swap3A_406 = arith.constant 96 : index
      %swap3A_407 = tpu.vector_load %arg8[%swap3A_405, %swap3A_406] {strides = array<i32>} : memref<32x128xi32, #tpu.memory_space<vmem>>, vector<16xi32>,
      tpu.vector_store %arg8[%swap3A_405, %swap3A_406], %add3A_404 {strides = array<i32>} : memref<32x128xi32, #tpu.memory_space<vmem>>, vector<16xi32>,
      %slice3A_408 = vector.extract_strided_slice %get3A_40 {offsets = [7], sizes = [1], strides = [1]} : vector<16xi32> to vector<1xi32>
      %squeeze3A_409 = vector.extract %slice3A_408[0] : i32 from vector<1xi32>
      %jit3A_410 = arith.constant 128 : i32
      %div3A_411 = arith.divsi %squeeze3A_409, %jit3A_410 : i32
      %sign3A_412 = arith.constant 0 : i32
      %sign3A_413 = arith.cmpi sgt, %squeeze3A_409, %sign3A_412 : i32
      %sign3A_414 = arith.extui %sign3A_413 : i1 to i32
      %sign3A_415 = arith.constant 0 : i32
      %sign3A_416 = arith.cmpi slt, %squeeze3A_409, %sign3A_415 : i32
      %sign3A_417 = arith.extui %sign3A_416 : i1 to i32
      %sign3A_418 = arith.subi %sign3A_414, %sign3A_417 : i32
      %sign3A_419 = arith.constant 0 : i32
      %sign3A_420 = arith.cmpi sgt, %jit3A_410, %sign3A_419 : i32
      %sign3A_421 = arith.extui %sign3A_420 : i1 to i32
      %sign3A_422 = arith.constant 0 : i32
      %sign3A_423 = arith.cmpi slt, %jit3A_410, %sign3A_422 : i32
      %sign3A_424 = arith.extui %sign3A_423 : i1 to i32
      %sign3A_425 = arith.subi %sign3A_421, %sign3A_424 : i32
      %ne3A_426 = arith.cmpi ne, %sign3A_418, %sign3A_425 : i32
      %rem3A_427 = arith.remsi %squeeze3A_409, %jit3A_410 : i32
      %ne3A_428 = arith.constant 0 : i32
      %ne3A_429 = arith.cmpi ne, %rem3A_427, %ne3A_428 : i32
      %and3A_430 = arith.andi %ne3A_426, %ne3A_429 : i1
      %sub3A_431 = arith.constant 1 : i32
      %sub3A_432 = arith.subi %div3A_411, %sub3A_431 : i32
      %select_n3A_433 = arith.select %and3A_430, %sub3A_432, %div3A_411 : i32
      %rem3A_434 = arith.constant 128 : i32
      %rem3A_435 = arith.remsi %squeeze3A_409, %rem3A_434 : i32
      %mul3A_436 = arith.constant 2048 : i32
      %mul3A_437 = arith.muli %select_n3A_433, %mul3A_436 : i32
      %add3A_438 = arith.addi %mul3A_437, %rem3A_435 : i32
      %mul3A_439 = arith.constant 128 : i32
      %mul3A_440 = vector.broadcast %mul3A_439 : i32 to vector<16xi32>
      %mul3A_441 = arith.muli %iota3A, %mul3A_440 : vector<16xi32>
      %add3A_442 = vector.broadcast %add3A_438 : i32 to vector<16xi32>
      %add3A_443 = arith.addi %add3A_442, %mul3A_441 : vector<16xi32>
      %swap3A_444 = arith.index_cast %add3A_44 : i32 to index
      %swap3A_445 = arith.constant 112 : index
      %swap3A_446 = tpu.vector_load %arg7[%swap3A_444, %swap3A_445] {strides = array<i32>} : memref<32x128xi32, #tpu.memory_space<vmem>>, vector<16xi32>,
      tpu.vector_store %arg7[%swap3A_444, %swap3A_445], %add3A_443 {strides = array<i32>} : memref<32x128xi32, #tpu.memory_space<vmem>>, vector<16xi32>,
      %mul3A_447 = arith.constant 2097152 : i32
      %mul3A_448 = arith.muli %select_n3A_433, %mul3A_447 : i32
      %mul3A_449 = arith.constant 128 : i32
      %mul3A_450 = arith.muli %add3A_47, %mul3A_449 : i32
      %add3A_451 = arith.addi %mul3A_448, %mul3A_450 : i32
      %add3A_452 = arith.addi %add3A_451, %rem3A_435 : i32
      %mul3A_453 = arith.constant 131072 : i32
      %mul3A_454 = vector.broadcast %mul3A_453 : i32 to vector<16xi32>
      %mul3A_455 = arith.muli %iota3A, %mul3A_454 : vector<16xi32>
      %add3A_456 = vector.broadcast %add3A_452 : i32 to vector<16xi32>
      %add3A_457 = arith.addi %add3A_456, %mul3A_455 : vector<16xi32>
      %swap3A_458 = arith.index_cast %add3A_44 : i32 to index
      %swap3A_459 = arith.constant 112 : index
      %swap3A_460 = tpu.vector_load %arg8[%swap3A_458, %swap3A_459] {strides = array<i32>} : memref<32x128xi32, #tpu.memory_space<vmem>>, vector<16xi32>,
      tpu.vector_store %arg8[%swap3A_458, %swap3A_459], %add3A_457 {strides = array<i32>} : memref<32x128xi32, #tpu.memory_space<vmem>>, vector<16xi32>,
      %mul3A_461 = arith.constant 2 : i32
      %mul3A_462 = arith.muli %scan3A_37, %mul3A_461 : i32
      %add3A_463 = arith.constant 1 : i32
      %add3A_464 = arith.addi %mul3A_462, %add3A_463 : i32
      %mul3A_465 = arith.constant 32 : i32
      %mul3A_466 = arith.muli %add3A, %mul3A_465 : i32
      %add3A_467 = arith.addi %mul3A_466, %add3A_464 : i32
      %slice3A_468 = vector.extract_strided_slice %get3A_40 {offsets = [8], sizes = [1], strides = [1]} : vector<16xi32> to vector<1xi32>
      %squeeze3A_469 = vector.extract %slice3A_468[0] : i32 from vector<1xi32>
      %jit3A_470 = arith.constant 128 : i32
      %div3A_471 = arith.divsi %squeeze3A_469, %jit3A_470 : i32
      %sign3A_472 = arith.constant 0 : i32
      %sign3A_473 = arith.cmpi sgt, %squeeze3A_469, %sign3A_472 : i32
      %sign3A_474 = arith.extui %sign3A_473 : i1 to i32
      %sign3A_475 = arith.constant 0 : i32
      %sign3A_476 = arith.cmpi slt, %squeeze3A_469, %sign3A_475 : i32
      %sign3A_477 = arith.extui %sign3A_476 : i1 to i32
      %sign3A_478 = arith.subi %sign3A_474, %sign3A_477 : i32
      %sign3A_479 = arith.constant 0 : i32
      %sign3A_480 = arith.cmpi sgt, %jit3A_470, %sign3A_479 : i32
      %sign3A_481 = arith.extui %sign3A_480 : i1 to i32
      %sign3A_482 = arith.constant 0 : i32
      %sign3A_483 = arith.cmpi slt, %jit3A_470, %sign3A_482 : i32
      %sign3A_484 = arith.extui %sign3A_483 : i1 to i32
      %sign3A_485 = arith.subi %sign3A_481, %sign3A_484 : i32
      %ne3A_486 = arith.cmpi ne, %sign3A_478, %sign3A_485 : i32
      %rem3A_487 = arith.remsi %squeeze3A_469, %jit3A_470 : i32
      %ne3A_488 = arith.constant 0 : i32
      %ne3A_489 = arith.cmpi ne, %rem3A_487, %ne3A_488 : i32
      %and3A_490 = arith.andi %ne3A_486, %ne3A_489 : i1
      %sub3A_491 = arith.constant 1 : i32
      %sub3A_492 = arith.subi %div3A_471, %sub3A_491 : i32
      %select_n3A_493 = arith.select %and3A_490, %sub3A_492, %div3A_471 : i32
      %rem3A_494 = arith.constant 128 : i32
      %rem3A_495 = arith.remsi %squeeze3A_469, %rem3A_494 : i32
      %mul3A_496 = arith.constant 2048 : i32
      %mul3A_497 = arith.muli %select_n3A_493, %mul3A_496 : i32
      %add3A_498 = arith.addi %mul3A_497, %rem3A_495 : i32
      %mul3A_499 = arith.constant 128 : i32
      %mul3A_500 = vector.broadcast %mul3A_499 : i32 to vector<16xi32>
      %mul3A_501 = arith.muli %iota3A, %mul3A_500 : vector<16xi32>
      %add3A_502 = vector.broadcast %add3A_498 : i32 to vector<16xi32>
      %add3A_503 = arith.addi %add3A_502, %mul3A_501 : vector<16xi32>
      %swap3A_504 = arith.index_cast %add3A_464 : i32 to index
      %swap3A_505 = arith.constant 0 : index
      %swap3A_506 = tpu.vector_load %arg7[%swap3A_504, %swap3A_505] {strides = array<i32>} : memref<32x128xi32, #tpu.memory_space<vmem>>, vector<16xi32>,
      tpu.vector_store %arg7[%swap3A_504, %swap3A_505], %add3A_503 {strides = array<i32>} : memref<32x128xi32, #tpu.memory_space<vmem>>, vector<16xi32>,
      %mul3A_507 = arith.constant 2097152 : i32
      %mul3A_508 = arith.muli %select_n3A_493, %mul3A_507 : i32
      %mul3A_509 = arith.constant 128 : i32
      %mul3A_510 = arith.muli %add3A_467, %mul3A_509 : i32
      %add3A_511 = arith.addi %mul3A_508, %mul3A_510 : i32
      %add3A_512 = arith.addi %add3A_511, %rem3A_495 : i32
      %mul3A_513 = arith.constant 131072 : i32
      %mul3A_514 = vector.broadcast %mul3A_513 : i32 to vector<16xi32>
      %mul3A_515 = arith.muli %iota3A, %mul3A_514 : vector<16xi32>
      %add3A_516 = vector.broadcast %add3A_512 : i32 to vector<16xi32>
      %add3A_517 = arith.addi %add3A_516, %mul3A_515 : vector<16xi32>
      %swap3A_518 = arith.index_cast %add3A_464 : i32 to index
      %swap3A_519 = arith.constant 0 : index
      %swap3A_520 = tpu.vector_load %arg8[%swap3A_518, %swap3A_519] {strides = array<i32>} : memref<32x128xi32, #tpu.memory_space<vmem>>, vector<16xi32>,
      tpu.vector_store %arg8[%swap3A_518, %swap3A_519], %add3A_517 {strides = array<i32>} : memref<32x128xi32, #tpu.memory_space<vmem>>, vector<16xi32>,
      %slice3A_521 = vector.extract_strided_slice %get3A_40 {offsets = [9], sizes = [1], strides = [1]} : vector<16xi32> to vector<1xi32>
      %squeeze3A_522 = vector.extract %slice3A_521[0] : i32 from vector<1xi32>
      %jit3A_523 = arith.constant 128 : i32
      %div3A_524 = arith.divsi %squeeze3A_522, %jit3A_523 : i32
      %sign3A_525 = arith.constant 0 : i32
      %sign3A_526 = arith.cmpi sgt, %squeeze3A_522, %sign3A_525 : i32
      %sign3A_527 = arith.extui %sign3A_526 : i1 to i32
      %sign3A_528 = arith.constant 0 : i32
      %sign3A_529 = arith.cmpi slt, %squeeze3A_522, %sign3A_528 : i32
      %sign3A_530 = arith.extui %sign3A_529 : i1 to i32
      %sign3A_531 = arith.subi %sign3A_527, %sign3A_530 : i32
      %sign3A_532 = arith.constant 0 : i32
      %sign3A_533 = arith.cmpi sgt, %jit3A_523, %sign3A_532 : i32
      %sign3A_534 = arith.extui %sign3A_533 : i1 to i32
      %sign3A_535 = arith.constant 0 : i32
      %sign3A_536 = arith.cmpi slt, %jit3A_523, %sign3A_535 : i32
      %sign3A_537 = arith.extui %sign3A_536 : i1 to i32
      %sign3A_538 = arith.subi %sign3A_534, %sign3A_537 : i32
      %ne3A_539 = arith.cmpi ne, %sign3A_531, %sign3A_538 : i32
      %rem3A_540 = arith.remsi %squeeze3A_522, %jit3A_523 : i32
      %ne3A_541 = arith.constant 0 : i32
      %ne3A_542 = arith.cmpi ne, %rem3A_540, %ne3A_541 : i32
      %and3A_543 = arith.andi %ne3A_539, %ne3A_542 : i1
      %sub3A_544 = arith.constant 1 : i32
      %sub3A_545 = arith.subi %div3A_524, %sub3A_544 : i32
      %select_n3A_546 = arith.select %and3A_543, %sub3A_545, %div3A_524 : i32
      %rem3A_547 = arith.constant 128 : i32
      %rem3A_548 = arith.remsi %squeeze3A_522, %rem3A_547 : i32
      %mul3A_549 = arith.constant 2048 : i32
      %mul3A_550 = arith.muli %select_n3A_546, %mul3A_549 : i32
      %add3A_551 = arith.addi %mul3A_550, %rem3A_548 : i32
      %mul3A_552 = arith.constant 128 : i32
      %mul3A_553 = vector.broadcast %mul3A_552 : i32 to vector<16xi32>
      %mul3A_554 = arith.muli %iota3A, %mul3A_553 : vector<16xi32>
      %add3A_555 = vector.broadcast %add3A_551 : i32 to vector<16xi32>
      %add3A_556 = arith.addi %add3A_555, %mul3A_554 : vector<16xi32>
      %swap3A_557 = arith.index_cast %add3A_464 : i32 to index
      %swap3A_558 = arith.constant 16 : index
      %swap3A_559 = tpu.vector_load %arg7[%swap3A_557, %swap3A_558] {strides = array<i32>} : memref<32x128xi32, #tpu.memory_space<vmem>>, vector<16xi32>,
      tpu.vector_store %arg7[%swap3A_557, %swap3A_558], %add3A_556 {strides = array<i32>} : memref<32x128xi32, #tpu.memory_space<vmem>>, vector<16xi32>,
      %mul3A_560 = arith.constant 2097152 : i32
      %mul3A_561 = arith.muli %select_n3A_546, %mul3A_560 : i32
      %mul3A_562 = arith.constant 128 : i32
      %mul3A_563 = arith.muli %add3A_467, %mul3A_562 : i32
      %add3A_564 = arith.addi %mul3A_561, %mul3A_563 : i32
      %add3A_565 = arith.addi %add3A_564, %rem3A_548 : i32
      %mul3A_566 = arith.constant 131072 : i32
      %mul3A_567 = vector.broadcast %mul3A_566 : i32 to vector<16xi32>
      %mul3A_568 = arith.muli %iota3A, %mul3A_567 : vector<16xi32>
      %add3A_569 = vector.broadcast %add3A_565 : i32 to vector<16xi32>
      %add3A_570 = arith.addi %add3A_569, %mul3A_568 : vector<16xi32>
      %swap3A_571 = arith.index_cast %add3A_464 : i32 to index
      %swap3A_572 = arith.constant 16 : index
      %swap3A_573 = tpu.vector_load %arg8[%swap3A_571, %swap3A_572] {strides = array<i32>} : memref<32x128xi32, #tpu.memory_space<vmem>>, vector<16xi32>,
      tpu.vector_store %arg8[%swap3A_571, %swap3A_572], %add3A_570 {strides = array<i32>} : memref<32x128xi32, #tpu.memory_space<vmem>>, vector<16xi32>,
      %slice3A_574 = vector.extract_strided_slice %get3A_40 {offsets = [10], sizes = [1], strides = [1]} : vector<16xi32> to vector<1xi32>
      %squeeze3A_575 = vector.extract %slice3A_574[0] : i32 from vector<1xi32>
      %jit3A_576 = arith.constant 128 : i32
      %div3A_577 = arith.divsi %squeeze3A_575, %jit3A_576 : i32
      %sign3A_578 = arith.constant 0 : i32
      %sign3A_579 = arith.cmpi sgt, %squeeze3A_575, %sign3A_578 : i32
      %sign3A_580 = arith.extui %sign3A_579 : i1 to i32
      %sign3A_581 = arith.constant 0 : i32
      %sign3A_582 = arith.cmpi slt, %squeeze3A_575, %sign3A_581 : i32
      %sign3A_583 = arith.extui %sign3A_582 : i1 to i32
      %sign3A_584 = arith.subi %sign3A_580, %sign3A_583 : i32
      %sign3A_585 = arith.constant 0 : i32
      %sign3A_586 = arith.cmpi sgt, %jit3A_576, %sign3A_585 : i32
      %sign3A_587 = arith.extui %sign3A_586 : i1 to i32
      %sign3A_588 = arith.constant 0 : i32
      %sign3A_589 = arith.cmpi slt, %jit3A_576, %sign3A_588 : i32
      %sign3A_590 = arith.extui %sign3A_589 : i1 to i32
      %sign3A_591 = arith.subi %sign3A_587, %sign3A_590 : i32
      %ne3A_592 = arith.cmpi ne, %sign3A_584, %sign3A_591 : i32
      %rem3A_593 = arith.remsi %squeeze3A_575, %jit3A_576 : i32
      %ne3A_594 = arith.constant 0 : i32
      %ne3A_595 = arith.cmpi ne, %rem3A_593, %ne3A_594 : i32
      %and3A_596 = arith.andi %ne3A_592, %ne3A_595 : i1
      %sub3A_597 = arith.constant 1 : i32
      %sub3A_598 = arith.subi %div3A_577, %sub3A_597 : i32
      %select_n3A_599 = arith.select %and3A_596, %sub3A_598, %div3A_577 : i32
      %rem3A_600 = arith.constant 128 : i32
      %rem3A_601 = arith.remsi %squeeze3A_575, %rem3A_600 : i32
      %mul3A_602 = arith.constant 2048 : i32
      %mul3A_603 = arith.muli %select_n3A_599, %mul3A_602 : i32
      %add3A_604 = arith.addi %mul3A_603, %rem3A_601 : i32
      %mul3A_605 = arith.constant 128 : i32
      %mul3A_606 = vector.broadcast %mul3A_605 : i32 to vector<16xi32>
      %mul3A_607 = arith.muli %iota3A, %mul3A_606 : vector<16xi32>
      %add3A_608 = vector.broadcast %add3A_604 : i32 to vector<16xi32>
      %add3A_609 = arith.addi %add3A_608, %mul3A_607 : vector<16xi32>
      %swap3A_610 = arith.index_cast %add3A_464 : i32 to index
      %swap3A_611 = arith.constant 32 : index
      %swap3A_612 = tpu.vector_load %arg7[%swap3A_610, %swap3A_611] {strides = array<i32>} : memref<32x128xi32, #tpu.memory_space<vmem>>, vector<16xi32>,
      tpu.vector_store %arg7[%swap3A_610, %swap3A_611], %add3A_609 {strides = array<i32>} : memref<32x128xi32, #tpu.memory_space<vmem>>, vector<16xi32>,
      %mul3A_613 = arith.constant 2097152 : i32
      %mul3A_614 = arith.muli %select_n3A_599, %mul3A_613 : i32
      %mul3A_615 = arith.constant 128 : i32
      %mul3A_616 = arith.muli %add3A_467, %mul3A_615 : i32
      %add3A_617 = arith.addi %mul3A_614, %mul3A_616 : i32
      %add3A_618 = arith.addi %add3A_617, %rem3A_601 : i32
      %mul3A_619 = arith.constant 131072 : i32
      %mul3A_620 = vector.broadcast %mul3A_619 : i32 to vector<16xi32>
      %mul3A_621 = arith.muli %iota3A, %mul3A_620 : vector<16xi32>
      %add3A_622 = vector.broadcast %add3A_618 : i32 to vector<16xi32>
      %add3A_623 = arith.addi %add3A_622, %mul3A_621 : vector<16xi32>
      %swap3A_624 = arith.index_cast %add3A_464 : i32 to index
      %swap3A_625 = arith.constant 32 : index
      %swap3A_626 = tpu.vector_load %arg8[%swap3A_624, %swap3A_625] {strides = array<i32>} : memref<32x128xi32, #tpu.memory_space<vmem>>, vector<16xi32>,
      tpu.vector_store %arg8[%swap3A_624, %swap3A_625], %add3A_623 {strides = array<i32>} : memref<32x128xi32, #tpu.memory_space<vmem>>, vector<16xi32>,
      %slice3A_627 = vector.extract_strided_slice %get3A_40 {offsets = [11], sizes = [1], strides = [1]} : vector<16xi32> to vector<1xi32>
      %squeeze3A_628 = vector.extract %slice3A_627[0] : i32 from vector<1xi32>
      %jit3A_629 = arith.constant 128 : i32
      %div3A_630 = arith.divsi %squeeze3A_628, %jit3A_629 : i32
      %sign3A_631 = arith.constant 0 : i32
      %sign3A_632 = arith.cmpi sgt, %squeeze3A_628, %sign3A_631 : i32
      %sign3A_633 = arith.extui %sign3A_632 : i1 to i32
      %sign3A_634 = arith.constant 0 : i32
      %sign3A_635 = arith.cmpi slt, %squeeze3A_628, %sign3A_634 : i32
      %sign3A_636 = arith.extui %sign3A_635 : i1 to i32
      %sign3A_637 = arith.subi %sign3A_633, %sign3A_636 : i32
      %sign3A_638 = arith.constant 0 : i32
      %sign3A_639 = arith.cmpi sgt, %jit3A_629, %sign3A_638 : i32
      %sign3A_640 = arith.extui %sign3A_639 : i1 to i32
      %sign3A_641 = arith.constant 0 : i32
      %sign3A_642 = arith.cmpi slt, %jit3A_629, %sign3A_641 : i32
      %sign3A_643 = arith.extui %sign3A_642 : i1 to i32
      %sign3A_644 = arith.subi %sign3A_640, %sign3A_643 : i32
      %ne3A_645 = arith.cmpi ne, %sign3A_637, %sign3A_644 : i32
      %rem3A_646 = arith.remsi %squeeze3A_628, %jit3A_629 : i32
      %ne3A_647 = arith.constant 0 : i32
      %ne3A_648 = arith.cmpi ne, %rem3A_646, %ne3A_647 : i32
      %and3A_649 = arith.andi %ne3A_645, %ne3A_648 : i1
      %sub3A_650 = arith.constant 1 : i32
      %sub3A_651 = arith.subi %div3A_630, %sub3A_650 : i32
      %select_n3A_652 = arith.select %and3A_649, %sub3A_651, %div3A_630 : i32
      %rem3A_653 = arith.constant 128 : i32
      %rem3A_654 = arith.remsi %squeeze3A_628, %rem3A_653 : i32
      %mul3A_655 = arith.constant 2048 : i32
      %mul3A_656 = arith.muli %select_n3A_652, %mul3A_655 : i32
      %add3A_657 = arith.addi %mul3A_656, %rem3A_654 : i32
      %mul3A_658 = arith.constant 128 : i32
      %mul3A_659 = vector.broadcast %mul3A_658 : i32 to vector<16xi32>
      %mul3A_660 = arith.muli %iota3A, %mul3A_659 : vector<16xi32>
      %add3A_661 = vector.broadcast %add3A_657 : i32 to vector<16xi32>
      %add3A_662 = arith.addi %add3A_661, %mul3A_660 : vector<16xi32>
      %swap3A_663 = arith.index_cast %add3A_464 : i32 to index
      %swap3A_664 = arith.constant 48 : index
      %swap3A_665 = tpu.vector_load %arg7[%swap3A_663, %swap3A_664] {strides = array<i32>} : memref<32x128xi32, #tpu.memory_space<vmem>>, vector<16xi32>,
      tpu.vector_store %arg7[%swap3A_663, %swap3A_664], %add3A_662 {strides = array<i32>} : memref<32x128xi32, #tpu.memory_space<vmem>>, vector<16xi32>,
      %mul3A_666 = arith.constant 2097152 : i32
      %mul3A_667 = arith.muli %select_n3A_652, %mul3A_666 : i32
      %mul3A_668 = arith.constant 128 : i32
      %mul3A_669 = arith.muli %add3A_467, %mul3A_668 : i32
      %add3A_670 = arith.addi %mul3A_667, %mul3A_669 : i32
      %add3A_671 = arith.addi %add3A_670, %rem3A_654 : i32
      %mul3A_672 = arith.constant 131072 : i32
      %mul3A_673 = vector.broadcast %mul3A_672 : i32 to vector<16xi32>
      %mul3A_674 = arith.muli %iota3A, %mul3A_673 : vector<16xi32>
      %add3A_675 = vector.broadcast %add3A_671 : i32 to vector<16xi32>
      %add3A_676 = arith.addi %add3A_675, %mul3A_674 : vector<16xi32>
      %swap3A_677 = arith.index_cast %add3A_464 : i32 to index
      %swap3A_678 = arith.constant 48 : index
      %swap3A_679 = tpu.vector_load %arg8[%swap3A_677, %swap3A_678] {strides = array<i32>} : memref<32x128xi32, #tpu.memory_space<vmem>>, vector<16xi32>,
      tpu.vector_store %arg8[%swap3A_677, %swap3A_678], %add3A_676 {strides = array<i32>} : memref<32x128xi32, #tpu.memory_space<vmem>>, vector<16xi32>,
      %slice3A_680 = vector.extract_strided_slice %get3A_40 {offsets = [12], sizes = [1], strides = [1]} : vector<16xi32> to vector<1xi32>
      %squeeze3A_681 = vector.extract %slice3A_680[0] : i32 from vector<1xi32>
      %jit3A_682 = arith.constant 128 : i32
      %div3A_683 = arith.divsi %squeeze3A_681, %jit3A_682 : i32
      %sign3A_684 = arith.constant 0 : i32
      %sign3A_685 = arith.cmpi sgt, %squeeze3A_681, %sign3A_684 : i32
      %sign3A_686 = arith.extui %sign3A_685 : i1 to i32
      %sign3A_687 = arith.constant 0 : i32
      %sign3A_688 = arith.cmpi slt, %squeeze3A_681, %sign3A_687 : i32
      %sign3A_689 = arith.extui %sign3A_688 : i1 to i32
      %sign3A_690 = arith.subi %sign3A_686, %sign3A_689 : i32
      %sign3A_691 = arith.constant 0 : i32
      %sign3A_692 = arith.cmpi sgt, %jit3A_682, %sign3A_691 : i32
      %sign3A_693 = arith.extui %sign3A_692 : i1 to i32
      %sign3A_694 = arith.constant 0 : i32
      %sign3A_695 = arith.cmpi slt, %jit3A_682, %sign3A_694 : i32
      %sign3A_696 = arith.extui %sign3A_695 : i1 to i32
      %sign3A_697 = arith.subi %sign3A_693, %sign3A_696 : i32
      %ne3A_698 = arith.cmpi ne, %sign3A_690, %sign3A_697 : i32
      %rem3A_699 = arith.remsi %squeeze3A_681, %jit3A_682 : i32
      %ne3A_700 = arith.constant 0 : i32
      %ne3A_701 = arith.cmpi ne, %rem3A_699, %ne3A_700 : i32
      %and3A_702 = arith.andi %ne3A_698, %ne3A_701 : i1
      %sub3A_703 = arith.constant 1 : i32
      %sub3A_704 = arith.subi %div3A_683, %sub3A_703 : i32
      %select_n3A_705 = arith.select %and3A_702, %sub3A_704, %div3A_683 : i32
      %rem3A_706 = arith.constant 128 : i32
      %rem3A_707 = arith.remsi %squeeze3A_681, %rem3A_706 : i32
      %mul3A_708 = arith.constant 2048 : i32
      %mul3A_709 = arith.muli %select_n3A_705, %mul3A_708 : i32
      %add3A_710 = arith.addi %mul3A_709, %rem3A_707 : i32
      %mul3A_711 = arith.constant 128 : i32
      %mul3A_712 = vector.broadcast %mul3A_711 : i32 to vector<16xi32>
      %mul3A_713 = arith.muli %iota3A, %mul3A_712 : vector<16xi32>
      %add3A_714 = vector.broadcast %add3A_710 : i32 to vector<16xi32>
      %add3A_715 = arith.addi %add3A_714, %mul3A_713 : vector<16xi32>
      %swap3A_716 = arith.index_cast %add3A_464 : i32 to index
      %swap3A_717 = arith.constant 64 : index
      %swap3A_718 = tpu.vector_load %arg7[%swap3A_716, %swap3A_717] {strides = array<i32>} : memref<32x128xi32, #tpu.memory_space<vmem>>, vector<16xi32>,
      tpu.vector_store %arg7[%swap3A_716, %swap3A_717], %add3A_715 {strides = array<i32>} : memref<32x128xi32, #tpu.memory_space<vmem>>, vector<16xi32>,
      %mul3A_719 = arith.constant 2097152 : i32
      %mul3A_720 = arith.muli %select_n3A_705, %mul3A_719 : i32
      %mul3A_721 = arith.constant 128 : i32
      %mul3A_722 = arith.muli %add3A_467, %mul3A_721 : i32
      %add3A_723 = arith.addi %mul3A_720, %mul3A_722 : i32
      %add3A_724 = arith.addi %add3A_723, %rem3A_707 : i32
      %mul3A_725 = arith.constant 131072 : i32
      %mul3A_726 = vector.broadcast %mul3A_725 : i32 to vector<16xi32>
      %mul3A_727 = arith.muli %iota3A, %mul3A_726 : vector<16xi32>
      %add3A_728 = vector.broadcast %add3A_724 : i32 to vector<16xi32>
      %add3A_729 = arith.addi %add3A_728, %mul3A_727 : vector<16xi32>
      %swap3A_730 = arith.index_cast %add3A_464 : i32 to index
      %swap3A_731 = arith.constant 64 : index
      %swap3A_732 = tpu.vector_load %arg8[%swap3A_730, %swap3A_731] {strides = array<i32>} : memref<32x128xi32, #tpu.memory_space<vmem>>, vector<16xi32>,
      tpu.vector_store %arg8[%swap3A_730, %swap3A_731], %add3A_729 {strides = array<i32>} : memref<32x128xi32, #tpu.memory_space<vmem>>, vector<16xi32>,
      %slice3A_733 = vector.extract_strided_slice %get3A_40 {offsets = [13], sizes = [1], strides = [1]} : vector<16xi32> to vector<1xi32>
      %squeeze3A_734 = vector.extract %slice3A_733[0] : i32 from vector<1xi32>
      %jit3A_735 = arith.constant 128 : i32
      %div3A_736 = arith.divsi %squeeze3A_734, %jit3A_735 : i32
      %sign3A_737 = arith.constant 0 : i32
      %sign3A_738 = arith.cmpi sgt, %squeeze3A_734, %sign3A_737 : i32
      %sign3A_739 = arith.extui %sign3A_738 : i1 to i32
      %sign3A_740 = arith.constant 0 : i32
      %sign3A_741 = arith.cmpi slt, %squeeze3A_734, %sign3A_740 : i32
      %sign3A_742 = arith.extui %sign3A_741 : i1 to i32
      %sign3A_743 = arith.subi %sign3A_739, %sign3A_742 : i32
      %sign3A_744 = arith.constant 0 : i32
      %sign3A_745 = arith.cmpi sgt, %jit3A_735, %sign3A_744 : i32
      %sign3A_746 = arith.extui %sign3A_745 : i1 to i32
      %sign3A_747 = arith.constant 0 : i32
      %sign3A_748 = arith.cmpi slt, %jit3A_735, %sign3A_747 : i32
      %sign3A_749 = arith.extui %sign3A_748 : i1 to i32
      %sign3A_750 = arith.subi %sign3A_746, %sign3A_749 : i32
      %ne3A_751 = arith.cmpi ne, %sign3A_743, %sign3A_750 : i32
      %rem3A_752 = arith.remsi %squeeze3A_734, %jit3A_735 : i32
      %ne3A_753 = arith.constant 0 : i32
      %ne3A_754 = arith.cmpi ne, %rem3A_752, %ne3A_753 : i32
      %and3A_755 = arith.andi %ne3A_751, %ne3A_754 : i1
      %sub3A_756 = arith.constant 1 : i32
      %sub3A_757 = arith.subi %div3A_736, %sub3A_756 : i32
      %select_n3A_758 = arith.select %and3A_755, %sub3A_757, %div3A_736 : i32
      %rem3A_759 = arith.constant 128 : i32
      %rem3A_760 = arith.remsi %squeeze3A_734, %rem3A_759 : i32
      %mul3A_761 = arith.constant 2048 : i32
      %mul3A_762 = arith.muli %select_n3A_758, %mul3A_761 : i32
      %add3A_763 = arith.addi %mul3A_762, %rem3A_760 : i32
      %mul3A_764 = arith.constant 128 : i32
      %mul3A_765 = vector.broadcast %mul3A_764 : i32 to vector<16xi32>
      %mul3A_766 = arith.muli %iota3A, %mul3A_765 : vector<16xi32>
      %add3A_767 = vector.broadcast %add3A_763 : i32 to vector<16xi32>
      %add3A_768 = arith.addi %add3A_767, %mul3A_766 : vector<16xi32>
      %swap3A_769 = arith.index_cast %add3A_464 : i32 to index
      %swap3A_770 = arith.constant 80 : index
      %swap3A_771 = tpu.vector_load %arg7[%swap3A_769, %swap3A_770] {strides = array<i32>} : memref<32x128xi32, #tpu.memory_space<vmem>>, vector<16xi32>,
      tpu.vector_store %arg7[%swap3A_769, %swap3A_770], %add3A_768 {strides = array<i32>} : memref<32x128xi32, #tpu.memory_space<vmem>>, vector<16xi32>,
      %mul3A_772 = arith.constant 2097152 : i32
      %mul3A_773 = arith.muli %select_n3A_758, %mul3A_772 : i32
      %mul3A_774 = arith.constant 128 : i32
      %mul3A_775 = arith.muli %add3A_467, %mul3A_774 : i32
      %add3A_776 = arith.addi %mul3A_773, %mul3A_775 : i32
      %add3A_777 = arith.addi %add3A_776, %rem3A_760 : i32
      %mul3A_778 = arith.constant 131072 : i32
      %mul3A_779 = vector.broadcast %mul3A_778 : i32 to vector<16xi32>
      %mul3A_780 = arith.muli %iota3A, %mul3A_779 : vector<16xi32>
      %add3A_781 = vector.broadcast %add3A_777 : i32 to vector<16xi32>
      %add3A_782 = arith.addi %add3A_781, %mul3A_780 : vector<16xi32>
      %swap3A_783 = arith.index_cast %add3A_464 : i32 to index
      %swap3A_784 = arith.constant 80 : index
      %swap3A_785 = tpu.vector_load %arg8[%swap3A_783, %swap3A_784] {strides = array<i32>} : memref<32x128xi32, #tpu.memory_space<vmem>>, vector<16xi32>,
      tpu.vector_store %arg8[%swap3A_783, %swap3A_784], %add3A_782 {strides = array<i32>} : memref<32x128xi32, #tpu.memory_space<vmem>>, vector<16xi32>,
      %slice3A_786 = vector.extract_strided_slice %get3A_40 {offsets = [14], sizes = [1], strides = [1]} : vector<16xi32> to vector<1xi32>
      %squeeze3A_787 = vector.extract %slice3A_786[0] : i32 from vector<1xi32>
      %jit3A_788 = arith.constant 128 : i32
      %div3A_789 = arith.divsi %squeeze3A_787, %jit3A_788 : i32
      %sign3A_790 = arith.constant 0 : i32
      %sign3A_791 = arith.cmpi sgt, %squeeze3A_787, %sign3A_790 : i32
      %sign3A_792 = arith.extui %sign3A_791 : i1 to i32
      %sign3A_793 = arith.constant 0 : i32
      %sign3A_794 = arith.cmpi slt, %squeeze3A_787, %sign3A_793 : i32
      %sign3A_795 = arith.extui %sign3A_794 : i1 to i32
      %sign3A_796 = arith.subi %sign3A_792, %sign3A_795 : i32
      %sign3A_797 = arith.constant 0 : i32
      %sign3A_798 = arith.cmpi sgt, %jit3A_788, %sign3A_797 : i32
      %sign3A_799 = arith.extui %sign3A_798 : i1 to i32
      %sign3A_800 = arith.constant 0 : i32
      %sign3A_801 = arith.cmpi slt, %jit3A_788, %sign3A_800 : i32
      %sign3A_802 = arith.extui %sign3A_801 : i1 to i32
      %sign3A_803 = arith.subi %sign3A_799, %sign3A_802 : i32
      %ne3A_804 = arith.cmpi ne, %sign3A_796, %sign3A_803 : i32
      %rem3A_805 = arith.remsi %squeeze3A_787, %jit3A_788 : i32
      %ne3A_806 = arith.constant 0 : i32
      %ne3A_807 = arith.cmpi ne, %rem3A_805, %ne3A_806 : i32
      %and3A_808 = arith.andi %ne3A_804, %ne3A_807 : i1
      %sub3A_809 = arith.constant 1 : i32
      %sub3A_810 = arith.subi %div3A_789, %sub3A_809 : i32
      %select_n3A_811 = arith.select %and3A_808, %sub3A_810, %div3A_789 : i32
      %rem3A_812 = arith.constant 128 : i32
      %rem3A_813 = arith.remsi %squeeze3A_787, %rem3A_812 : i32
      %mul3A_814 = arith.constant 2048 : i32
      %mul3A_815 = arith.muli %select_n3A_811, %mul3A_814 : i32
      %add3A_816 = arith.addi %mul3A_815, %rem3A_813 : i32
      %mul3A_817 = arith.constant 128 : i32
      %mul3A_818 = vector.broadcast %mul3A_817 : i32 to vector<16xi32>
      %mul3A_819 = arith.muli %iota3A, %mul3A_818 : vector<16xi32>
      %add3A_820 = vector.broadcast %add3A_816 : i32 to vector<16xi32>
      %add3A_821 = arith.addi %add3A_820, %mul3A_819 : vector<16xi32>
      %swap3A_822 = arith.index_cast %add3A_464 : i32 to index
      %swap3A_823 = arith.constant 96 : index
      %swap3A_824 = tpu.vector_load %arg7[%swap3A_822, %swap3A_823] {strides = array<i32>} : memref<32x128xi32, #tpu.memory_space<vmem>>, vector<16xi32>,
      tpu.vector_store %arg7[%swap3A_822, %swap3A_823], %add3A_821 {strides = array<i32>} : memref<32x128xi32, #tpu.memory_space<vmem>>, vector<16xi32>,
      %mul3A_825 = arith.constant 2097152 : i32
      %mul3A_826 = arith.muli %select_n3A_811, %mul3A_825 : i32
      %mul3A_827 = arith.constant 128 : i32
      %mul3A_828 = arith.muli %add3A_467, %mul3A_827 : i32
      %add3A_829 = arith.addi %mul3A_826, %mul3A_828 : i32
      %add3A_830 = arith.addi %add3A_829, %rem3A_813 : i32
      %mul3A_831 = arith.constant 131072 : i32
      %mul3A_832 = vector.broadcast %mul3A_831 : i32 to vector<16xi32>
      %mul3A_833 = arith.muli %iota3A, %mul3A_832 : vector<16xi32>
      %add3A_834 = vector.broadcast %add3A_830 : i32 to vector<16xi32>
      %add3A_835 = arith.addi %add3A_834, %mul3A_833 : vector<16xi32>
      %swap3A_836 = arith.index_cast %add3A_464 : i32 to index
      %swap3A_837 = arith.constant 96 : index
      %swap3A_838 = tpu.vector_load %arg8[%swap3A_836, %swap3A_837] {strides = array<i32>} : memref<32x128xi32, #tpu.memory_space<vmem>>, vector<16xi32>,
      tpu.vector_store %arg8[%swap3A_836, %swap3A_837], %add3A_835 {strides = array<i32>} : memref<32x128xi32, #tpu.memory_space<vmem>>, vector<16xi32>,
      %slice3A_839 = vector.extract_strided_slice %get3A_40 {offsets = [15], sizes = [1], strides = [1]} : vector<16xi32> to vector<1xi32>
      %squeeze3A_840 = vector.extract %slice3A_839[0] : i32 from vector<1xi32>
      %jit3A_841 = arith.constant 128 : i32
      %div3A_842 = arith.divsi %squeeze3A_840, %jit3A_841 : i32
      %sign3A_843 = arith.constant 0 : i32
      %sign3A_844 = arith.cmpi sgt, %squeeze3A_840, %sign3A_843 : i32
      %sign3A_845 = arith.extui %sign3A_844 : i1 to i32
      %sign3A_846 = arith.constant 0 : i32
      %sign3A_847 = arith.cmpi slt, %squeeze3A_840, %sign3A_846 : i32
      %sign3A_848 = arith.extui %sign3A_847 : i1 to i32
      %sign3A_849 = arith.subi %sign3A_845, %sign3A_848 : i32
      %sign3A_850 = arith.constant 0 : i32
      %sign3A_851 = arith.cmpi sgt, %jit3A_841, %sign3A_850 : i32
      %sign3A_852 = arith.extui %sign3A_851 : i1 to i32
      %sign3A_853 = arith.constant 0 : i32
      %sign3A_854 = arith.cmpi slt, %jit3A_841, %sign3A_853 : i32
      %sign3A_855 = arith.extui %sign3A_854 : i1 to i32
      %sign3A_856 = arith.subi %sign3A_852, %sign3A_855 : i32
      %ne3A_857 = arith.cmpi ne, %sign3A_849, %sign3A_856 : i32
      %rem3A_858 = arith.remsi %squeeze3A_840, %jit3A_841 : i32
      %ne3A_859 = arith.constant 0 : i32
      %ne3A_860 = arith.cmpi ne, %rem3A_858, %ne3A_859 : i32
      %and3A_861 = arith.andi %ne3A_857, %ne3A_860 : i1
      %sub3A_862 = arith.constant 1 : i32
      %sub3A_863 = arith.subi %div3A_842, %sub3A_862 : i32
      %select_n3A_864 = arith.select %and3A_861, %sub3A_863, %div3A_842 : i32
      %rem3A_865 = arith.constant 128 : i32
      %rem3A_866 = arith.remsi %squeeze3A_840, %rem3A_865 : i32
      %mul3A_867 = arith.constant 2048 : i32
      %mul3A_868 = arith.muli %select_n3A_864, %mul3A_867 : i32
      %add3A_869 = arith.addi %mul3A_868, %rem3A_866 : i32
      %mul3A_870 = arith.constant 128 : i32
      %mul3A_871 = vector.broadcast %mul3A_870 : i32 to vector<16xi32>
      %mul3A_872 = arith.muli %iota3A, %mul3A_871 : vector<16xi32>
      %add3A_873 = vector.broadcast %add3A_869 : i32 to vector<16xi32>
      %add3A_874 = arith.addi %add3A_873, %mul3A_872 : vector<16xi32>
      %swap3A_875 = arith.index_cast %add3A_464 : i32 to index
      %swap3A_876 = arith.constant 112 : index
      %swap3A_877 = tpu.vector_load %arg7[%swap3A_875, %swap3A_876] {strides = array<i32>} : memref<32x128xi32, #tpu.memory_space<vmem>>, vector<16xi32>,
      tpu.vector_store %arg7[%swap3A_875, %swap3A_876], %add3A_874 {strides = array<i32>} : memref<32x128xi32, #tpu.memory_space<vmem>>, vector<16xi32>,
      %mul3A_878 = arith.constant 2097152 : i32
      %mul3A_879 = arith.muli %select_n3A_864, %mul3A_878 : i32
      %mul3A_880 = arith.constant 128 : i32
      %mul3A_881 = arith.muli %add3A_467, %mul3A_880 : i32
      %add3A_882 = arith.addi %mul3A_879, %mul3A_881 : i32
      %add3A_883 = arith.addi %add3A_882, %rem3A_866 : i32
      %mul3A_884 = arith.constant 131072 : i32
      %mul3A_885 = vector.broadcast %mul3A_884 : i32 to vector<16xi32>
      %mul3A_886 = arith.muli %iota3A, %mul3A_885 : vector<16xi32>
      %add3A_887 = vector.broadcast %add3A_883 : i32 to vector<16xi32>
      %add3A_888 = arith.addi %add3A_887, %mul3A_886 : vector<16xi32>
      %swap3A_889 = arith.index_cast %add3A_464 : i32 to index
      %swap3A_890 = arith.constant 112 : index
      %swap3A_891 = tpu.vector_load %arg8[%swap3A_889, %swap3A_890] {strides = array<i32>} : memref<32x128xi32, #tpu.memory_space<vmem>>, vector<16xi32>,
      tpu.vector_store %arg8[%swap3A_889, %swap3A_890], %add3A_888 {strides = array<i32>} : memref<32x128xi32, #tpu.memory_space<vmem>>, vector<16xi32>,
    }
    %scan3A_4 = arith.constant 16 : i32
    "tpu.trace_stop"() : () -> ()
    "tpu.trace_start"() <{level = 10 : i32, message = "p2_simgather"}> : () -> ()
    %scan3A_5 = arith.constant 0 : i32
    %scan3A_6 = arith.constant 32 : i32
    %scan3A_7 = arith.addi %scan3A_5, %scan3A_6 : i32
    %scan3A_8 = arith.constant 1 : i32
    scf.for %scan3A_37 = %scan3A_5 to %scan3A_7 step %scan3A_8  : i32 {
      %dma_start3A = arith.constant 0 : i32
      %dma_start3A_38 = tpu.memref_slice %arg9[%scan3A_37, %dma_start3A] : memref<32x128xf32, #tpu.memory_space<vmem>> -> memref<1x128xf32, #tpu.memory_space<vmem>>
      %dma_start3A_39 = tpu.memref_squeeze %dma_start3A_38 : memref<1x128xf32, #tpu.memory_space<vmem>> -> memref<128xf32, #tpu.memory_space<vmem>>
      %dma_start3A_40 = arith.constant 0 : i32
      %dma_start3A_41 = tpu.memref_slice %arg8[%scan3A_37, %dma_start3A_40] : memref<32x128xi32, #tpu.memory_space<vmem>> -> memref<1x128xi32, #tpu.memory_space<vmem>>
      %dma_start3A_42 = tpu.memref_squeeze %dma_start3A_41 : memref<1x128xi32, #tpu.memory_space<vmem>> -> memref<128xi32, #tpu.memory_space<vmem>>
      %dma_start3A_43 = arith.constant 0 : i32
      %dma_start3A_44 = tpu.memref_slice %arg2[%dma_start3A_43] : memref<102760448xf32, #tpu.memory_space<hbm>> -> memref<102760448xf32, #tpu.memory_space<hbm>>
      tpu.enqueue_indirect_dma source(%dma_start3A_44 : memref<102760448xf32, #tpu.memory_space<hbm>>) target(%dma_start3A_39 : memref<128xf32, #tpu.memory_space<vmem>>) offsets(%dma_start3A_42 : memref<128xi32, #tpu.memory_space<vmem>>) semaphore(%arg14 : memref<!tpu.dma_semaphore, #tpu.memory_space<semaphore_mem>>)
    }
    %scan3A_9 = arith.constant 32 : i32
    %scan3A_10 = arith.constant 0 : i32
    %scan3A_11 = arith.constant 32 : i32
    %scan3A_12 = arith.addi %scan3A_10, %scan3A_11 : i32
    %scan3A_13 = arith.constant 1 : i32
    scf.for %scan3A_37 = %scan3A_10 to %scan3A_12 step %scan3A_13  : i32 {
      %dma_wait3A = arith.constant 0 : i32
      %dma_wait3A_38 = tpu.memref_slice %arg9[%scan3A_37, %dma_wait3A] : memref<32x128xf32, #tpu.memory_space<vmem>> -> memref<1x128xf32, #tpu.memory_space<vmem>>
      %dma_wait3A_39 = tpu.memref_squeeze %dma_wait3A_38 : memref<1x128xf32, #tpu.memory_space<vmem>> -> memref<128xf32, #tpu.memory_space<vmem>>
      %dma_wait3A_40 = arith.constant 0 : i32
      %dma_wait3A_41 = tpu.memref_slice %arg2[%dma_wait3A_40] : memref<102760448xf32, #tpu.memory_space<hbm>> -> memref<128xf32, #tpu.memory_space<hbm>>
      %dma_wait3A_42 = arith.constant 0 : i32
      %dma_wait3A_43 = tpu.memref_slice %arg9[%scan3A_37, %dma_wait3A_42] : memref<32x128xf32, #tpu.memory_space<vmem>> -> memref<1x128xf32, #tpu.memory_space<vmem>>
      %dma_wait3A_44 = tpu.memref_squeeze %dma_wait3A_43 : memref<1x128xf32, #tpu.memory_space<vmem>> -> memref<128xf32, #tpu.memory_space<vmem>>
      %dma_wait3A_45 = arith.constant 0 : i32
      %dma_wait3A_46 = tpu.memref_slice %arg2[%dma_wait3A_45] : memref<102760448xf32, #tpu.memory_space<hbm>> -> memref<128xf32, #tpu.memory_space<hbm>>
      tpu.wait_dma2 semaphore(%arg14 : memref<!tpu.dma_semaphore, #tpu.memory_space<semaphore_mem>>) src(%dma_wait3A_46 : memref<128xf32, #tpu.memory_space<hbm>>) dst(%dma_wait3A_44 : memref<128xf32, #tpu.memory_space<vmem>>)
    }
    %scan3A_14 = arith.constant 32 : i32
    "tpu.trace_stop"() : () -> ()
    "tpu.trace_start"() <{level = 10 : i32, message = "p3_topk"}> : () -> ()
    %scan3A_15 = arith.constant 0 : i32
    %scan3A_16 = arith.constant 32 : i32
    %scan3A_17 = arith.addi %scan3A_15, %scan3A_16 : i32
    %scan3A_18 = arith.constant 1 : i32
    scf.for %scan3A_37 = %scan3A_15 to %scan3A_17 step %scan3A_18  : i32 {
      %get3A = arith.index_cast %scan3A_37 : i32 to index
      %get3A_38 = arith.constant 0 : index
      %get3A_39 = tpu.vector_load %arg9[%get3A, %get3A_38] {strides = array<i32>} : memref<32x128xf32, #tpu.memory_space<vmem>>, vector<16xf32>,
      %get3A_40 = arith.index_cast %scan3A_37 : i32 to index
      %get3A_41 = arith.constant 16 : index
      %get3A_42 = tpu.vector_load %arg9[%get3A_40, %get3A_41] {strides = array<i32>} : memref<32x128xf32, #tpu.memory_space<vmem>>, vector<16xf32>,
      %get3A_43 = arith.index_cast %scan3A_37 : i32 to index
      %get3A_44 = arith.constant 32 : index
      %get3A_45 = tpu.vector_load %arg9[%get3A_43, %get3A_44] {strides = array<i32>} : memref<32x128xf32, #tpu.memory_space<vmem>>, vector<16xf32>,
      %get3A_46 = arith.index_cast %scan3A_37 : i32 to index
      %get3A_47 = arith.constant 48 : index
      %get3A_48 = tpu.vector_load %arg9[%get3A_46, %get3A_47] {strides = array<i32>} : memref<32x128xf32, #tpu.memory_space<vmem>>, vector<16xf32>,
      %get3A_49 = arith.index_cast %scan3A_37 : i32 to index
      %get3A_50 = arith.constant 64 : index
      %get3A_51 = tpu.vector_load %arg9[%get3A_49, %get3A_50] {strides = array<i32>} : memref<32x128xf32, #tpu.memory_space<vmem>>, vector<16xf32>,
      %get3A_52 = arith.index_cast %scan3A_37 : i32 to index
      %get3A_53 = arith.constant 80 : index
      %get3A_54 = tpu.vector_load %arg9[%get3A_52, %get3A_53] {strides = array<i32>} : memref<32x128xf32, #tpu.memory_space<vmem>>, vector<16xf32>,
      %get3A_55 = arith.index_cast %scan3A_37 : i32 to index
      %get3A_56 = arith.constant 96 : index
      %get3A_57 = tpu.vector_load %arg9[%get3A_55, %get3A_56] {strides = array<i32>} : memref<32x128xf32, #tpu.memory_space<vmem>>, vector<16xf32>,
      %get3A_58 = arith.index_cast %scan3A_37 : i32 to index
      %get3A_59 = arith.constant 112 : index
      %get3A_60 = tpu.vector_load %arg9[%get3A_58, %get3A_59] {strides = array<i32>} : memref<32x128xf32, #tpu.memory_space<vmem>>, vector<16xf32>,
      %get3A_61 = arith.index_cast %scan3A_37 : i32 to index
      %get3A_62 = arith.constant 0 : index
      %get3A_63 = tpu.vector_load %arg7[%get3A_61, %get3A_62] {strides = array<i32>} : memref<32x128xi32, #tpu.memory_space<vmem>>, vector<16xi32>,
      %get3A_64 = arith.index_cast %scan3A_37 : i32 to index
      %get3A_65 = arith.constant 16 : index
      %get3A_66 = tpu.vector_load %arg7[%get3A_64, %get3A_65] {strides = array<i32>} : memref<32x128xi32, #tpu.memory_space<vmem>>, vector<16xi32>,
      %get3A_67 = arith.index_cast %scan3A_37 : i32 to index
      %get3A_68 = arith.constant 32 : index
      %get3A_69 = tpu.vector_load %arg7[%get3A_67, %get3A_68] {strides = array<i32>} : memref<32x128xi32, #tpu.memory_space<vmem>>, vector<16xi32>,
      %get3A_70 = arith.index_cast %scan3A_37 : i32 to index
      %get3A_71 = arith.constant 48 : index
      %get3A_72 = tpu.vector_load %arg7[%get3A_70, %get3A_71] {strides = array<i32>} : memref<32x128xi32, #tpu.memory_space<vmem>>, vector<16xi32>,
      %get3A_73 = arith.index_cast %scan3A_37 : i32 to index
      %get3A_74 = arith.constant 64 : index
      %get3A_75 = tpu.vector_load %arg7[%get3A_73, %get3A_74] {strides = array<i32>} : memref<32x128xi32, #tpu.memory_space<vmem>>, vector<16xi32>,
      %get3A_76 = arith.index_cast %scan3A_37 : i32 to index
      %get3A_77 = arith.constant 80 : index
      %get3A_78 = tpu.vector_load %arg7[%get3A_76, %get3A_77] {strides = array<i32>} : memref<32x128xi32, #tpu.memory_space<vmem>>, vector<16xi32>,
      %get3A_79 = arith.index_cast %scan3A_37 : i32 to index
      %get3A_80 = arith.constant 96 : index
      %get3A_81 = tpu.vector_load %arg7[%get3A_79, %get3A_80] {strides = array<i32>} : memref<32x128xi32, #tpu.memory_space<vmem>>, vector<16xi32>,
      %get3A_82 = arith.index_cast %scan3A_37 : i32 to index
      %get3A_83 = arith.constant 112 : index
      %get3A_84 = tpu.vector_load %arg7[%get3A_82, %get3A_83] {strides = array<i32>} : memref<32x128xi32, #tpu.memory_space<vmem>>, vector<16xi32>,
      %broadcast_in_dim3A = arith.constant -3.400000e+38 : f32
      %broadcast_in_dim3A_85 = vector.broadcast %broadcast_in_dim3A : f32 to vector<16xf32>
      %broadcast_in_dim3A_86 = arith.constant 0 : i32
      %broadcast_in_dim3A_87 = vector.broadcast %broadcast_in_dim3A_86 : i32 to vector<16xi32>
      %max3A = arith.maximumf %get3A_39, %get3A_42 : vector<16xf32>
      %max3A_88 = arith.maximumf %max3A, %get3A_45 : vector<16xf32>
      %max3A_89 = arith.maximumf %max3A_88, %get3A_48 : vector<16xf32>
      %max3A_90 = arith.maximumf %max3A_89, %get3A_51 : vector<16xf32>
      %max3A_91 = arith.maximumf %max3A_90, %get3A_54 : vector<16xf32>
      %max3A_92 = arith.maximumf %max3A_91, %get3A_57 : vector<16xf32>
      %max3A_93 = arith.maximumf %max3A_92, %get3A_60 : vector<16xf32>
      %reduce_max3A = arith.constant true
      %reduce_max3A_94 = vector.broadcast %reduce_max3A : i1 to vector<16xi1>
      %reduce_max3A_95 = tpu.scan <max>, %max3A_93 masked %reduce_max3A_94 : vector<16xf32>, vector<16xi1> -> vector<16xf32>
      %reduce_max3A_96 = vector.extract %reduce_max3A_95[15] : f32 from vector<16xf32>
      %broadcast_in_dim3A_97 = vector.broadcast %reduce_max3A_96 : f32 to vector<16xf32>
      %broadcast_in_dim3A_98 = arith.constant 2147483647 : i32
      %broadcast_in_dim3A_99 = vector.broadcast %broadcast_in_dim3A_98 : i32 to vector<16xi32>
      %ge3A = arith.cmpf oge, %get3A_39, %broadcast_in_dim3A_97 : vector<16xf32>
      %jit3A = arith.constant 2147483647 : i32
      %broadcast_in_dim3A_100 = vector.broadcast %jit3A : i32 to vector<16xi32>
      %select_n3A = arith.select %ge3A, %get3A_63, %broadcast_in_dim3A_100 : vector<16xi1>, vector<16xi32>
      %min3A = arith.minsi %broadcast_in_dim3A_99, %select_n3A : vector<16xi32>
      %ge3A_101 = arith.cmpf oge, %get3A_42, %broadcast_in_dim3A_97 : vector<16xf32>
      %jit3A_102 = arith.constant 2147483647 : i32
      %broadcast_in_dim3A_103 = vector.broadcast %jit3A_102 : i32 to vector<16xi32>
      %select_n3A_104 = arith.select %ge3A_101, %get3A_66, %broadcast_in_dim3A_103 : vector<16xi1>, vector<16xi32>
      %min3A_105 = arith.minsi %min3A, %select_n3A_104 : vector<16xi32>
      %ge3A_106 = arith.cmpf oge, %get3A_45, %broadcast_in_dim3A_97 : vector<16xf32>
      %jit3A_107 = arith.constant 2147483647 : i32
      %broadcast_in_dim3A_108 = vector.broadcast %jit3A_107 : i32 to vector<16xi32>
      %select_n3A_109 = arith.select %ge3A_106, %get3A_69, %broadcast_in_dim3A_108 : vector<16xi1>, vector<16xi32>
      %min3A_110 = arith.minsi %min3A_105, %select_n3A_109 : vector<16xi32>
      %ge3A_111 = arith.cmpf oge, %get3A_48, %broadcast_in_dim3A_97 : vector<16xf32>
      %jit3A_112 = arith.constant 2147483647 : i32
      %broadcast_in_dim3A_113 = vector.broadcast %jit3A_112 : i32 to vector<16xi32>
      %select_n3A_114 = arith.select %ge3A_111, %get3A_72, %broadcast_in_dim3A_113 : vector<16xi1>, vector<16xi32>
      %min3A_115 = arith.minsi %min3A_110, %select_n3A_114 : vector<16xi32>
      %ge3A_116 = arith.cmpf oge, %get3A_51, %broadcast_in_dim3A_97 : vector<16xf32>
      %jit3A_117 = arith.constant 2147483647 : i32
      %broadcast_in_dim3A_118 = vector.broadcast %jit3A_117 : i32 to vector<16xi32>
      %select_n3A_119 = arith.select %ge3A_116, %get3A_75, %broadcast_in_dim3A_118 : vector<16xi1>, vector<16xi32>
      %min3A_120 = arith.minsi %min3A_115, %select_n3A_119 : vector<16xi32>
      %ge3A_121 = arith.cmpf oge, %get3A_54, %broadcast_in_dim3A_97 : vector<16xf32>
      %jit3A_122 = arith.constant 2147483647 : i32
      %broadcast_in_dim3A_123 = vector.broadcast %jit3A_122 : i32 to vector<16xi32>
      %select_n3A_124 = arith.select %ge3A_121, %get3A_78, %broadcast_in_dim3A_123 : vector<16xi1>, vector<16xi32>
      %min3A_125 = arith.minsi %min3A_120, %select_n3A_124 : vector<16xi32>
      %ge3A_126 = arith.cmpf oge, %get3A_57, %broadcast_in_dim3A_97 : vector<16xf32>
      %jit3A_127 = arith.constant 2147483647 : i32
      %broadcast_in_dim3A_128 = vector.broadcast %jit3A_127 : i32 to vector<16xi32>
      %select_n3A_129 = arith.select %ge3A_126, %get3A_81, %broadcast_in_dim3A_128 : vector<16xi1>, vector<16xi32>
      %min3A_130 = arith.minsi %min3A_125, %select_n3A_129 : vector<16xi32>
      %ge3A_131 = arith.cmpf oge, %get3A_60, %broadcast_in_dim3A_97 : vector<16xf32>
      %jit3A_132 = arith.constant 2147483647 : i32
      %broadcast_in_dim3A_133 = vector.broadcast %jit3A_132 : i32 to vector<16xi32>
      %select_n3A_134 = arith.select %ge3A_131, %get3A_84, %broadcast_in_dim3A_133 : vector<16xi1>, vector<16xi32>
      %min3A_135 = arith.minsi %min3A_130, %select_n3A_134 : vector<16xi32>
      %reduce_min3A = arith.constant true
      %reduce_min3A_136 = vector.broadcast %reduce_min3A : i1 to vector<16xi1>
      %reduce_min3A_137 = arith.constant -2147483648 : i32
      %reduce_min3A_138 = vector.broadcast %reduce_min3A_137 : i32 to vector<16xi32>
      %reduce_min3A_139 = arith.xori %min3A_135, %reduce_min3A_138 : vector<16xi32>
      %reduce_min3A_140 = tpu.scan <min>, %reduce_min3A_139 masked %reduce_min3A_136 : vector<16xi32>, vector<16xi1> -> vector<16xi32>
      %reduce_min3A_141 = arith.xori %reduce_min3A_140, %reduce_min3A_138 : vector<16xi32>
      %reduce_min3A_142 = vector.extract %reduce_min3A_141[15] : i32 from vector<16xi32>
      %broadcast_in_dim3A_143 = vector.broadcast %reduce_min3A_142 : i32 to vector<16xi32>
      %eq3A = arith.cmpi eq, %get3A_63, %broadcast_in_dim3A_143 : vector<16xi32>
      %jit3A_144 = arith.constant -3.400000e+38 : f32
      %broadcast_in_dim3A_145 = vector.broadcast %jit3A_144 : f32 to vector<16xf32>
      %select_n3A_146 = arith.select %eq3A, %broadcast_in_dim3A_145, %get3A_39 : vector<16xi1>, vector<16xf32>
      %eq3A_147 = arith.cmpi eq, %get3A_66, %broadcast_in_dim3A_143 : vector<16xi32>
      %jit3A_148 = arith.constant -3.400000e+38 : f32
      %broadcast_in_dim3A_149 = vector.broadcast %jit3A_148 : f32 to vector<16xf32>
      %select_n3A_150 = arith.select %eq3A_147, %broadcast_in_dim3A_149, %get3A_42 : vector<16xi1>, vector<16xf32>
      %eq3A_151 = arith.cmpi eq, %get3A_69, %broadcast_in_dim3A_143 : vector<16xi32>
      %jit3A_152 = arith.constant -3.400000e+38 : f32
      %broadcast_in_dim3A_153 = vector.broadcast %jit3A_152 : f32 to vector<16xf32>
      %select_n3A_154 = arith.select %eq3A_151, %broadcast_in_dim3A_153, %get3A_45 : vector<16xi1>, vector<16xf32>
      %eq3A_155 = arith.cmpi eq, %get3A_72, %broadcast_in_dim3A_143 : vector<16xi32>
      %jit3A_156 = arith.constant -3.400000e+38 : f32
      %broadcast_in_dim3A_157 = vector.broadcast %jit3A_156 : f32 to vector<16xf32>
      %select_n3A_158 = arith.select %eq3A_155, %broadcast_in_dim3A_157, %get3A_48 : vector<16xi1>, vector<16xf32>
      %eq3A_159 = arith.cmpi eq, %get3A_75, %broadcast_in_dim3A_143 : vector<16xi32>
      %jit3A_160 = arith.constant -3.400000e+38 : f32
      %broadcast_in_dim3A_161 = vector.broadcast %jit3A_160 : f32 to vector<16xf32>
      %select_n3A_162 = arith.select %eq3A_159, %broadcast_in_dim3A_161, %get3A_51 : vector<16xi1>, vector<16xf32>
      %eq3A_163 = arith.cmpi eq, %get3A_78, %broadcast_in_dim3A_143 : vector<16xi32>
      %jit3A_164 = arith.constant -3.400000e+38 : f32
      %broadcast_in_dim3A_165 = vector.broadcast %jit3A_164 : f32 to vector<16xf32>
      %select_n3A_166 = arith.select %eq3A_163, %broadcast_in_dim3A_165, %get3A_54 : vector<16xi1>, vector<16xf32>
      %eq3A_167 = arith.cmpi eq, %get3A_81, %broadcast_in_dim3A_143 : vector<16xi32>
      %jit3A_168 = arith.constant -3.400000e+38 : f32
      %broadcast_in_dim3A_169 = vector.broadcast %jit3A_168 : f32 to vector<16xf32>
      %select_n3A_170 = arith.select %eq3A_167, %broadcast_in_dim3A_169, %get3A_57 : vector<16xi1>, vector<16xf32>
      %eq3A_171 = arith.cmpi eq, %get3A_84, %broadcast_in_dim3A_143 : vector<16xi32>
      %jit3A_172 = arith.constant -3.400000e+38 : f32
      %broadcast_in_dim3A_173 = vector.broadcast %jit3A_172 : f32 to vector<16xf32>
      %select_n3A_174 = arith.select %eq3A_171, %broadcast_in_dim3A_173, %get3A_60 : vector<16xi1>, vector<16xf32>
      %eq3A_175 = arith.constant 0 : i32
      %eq3A_176 = vector.broadcast %eq3A_175 : i32 to vector<16xi32>
      %eq3A_177 = arith.cmpi eq, %iota3A, %eq3A_176 : vector<16xi32>
      %select_n3A_178 = arith.select %eq3A_177, %broadcast_in_dim3A_97, %broadcast_in_dim3A_85 : vector<16xi1>, vector<16xf32>
      %eq3A_179 = arith.constant 0 : i32
      %eq3A_180 = vector.broadcast %eq3A_179 : i32 to vector<16xi32>
      %eq3A_181 = arith.cmpi eq, %iota3A, %eq3A_180 : vector<16xi32>
      %select_n3A_182 = arith.select %eq3A_181, %broadcast_in_dim3A_143, %broadcast_in_dim3A_87 : vector<16xi1>, vector<16xi32>
      %max3A_183 = arith.maximumf %select_n3A_146, %select_n3A_150 : vector<16xf32>
      %max3A_184 = arith.maximumf %max3A_183, %select_n3A_154 : vector<16xf32>
      %max3A_185 = arith.maximumf %max3A_184, %select_n3A_158 : vector<16xf32>
      %max3A_186 = arith.maximumf %max3A_185, %select_n3A_162 : vector<16xf32>
      %max3A_187 = arith.maximumf %max3A_186, %select_n3A_166 : vector<16xf32>
      %max3A_188 = arith.maximumf %max3A_187, %select_n3A_170 : vector<16xf32>
      %max3A_189 = arith.maximumf %max3A_188, %select_n3A_174 : vector<16xf32>
      %reduce_max3A_190 = arith.constant true
      %reduce_max3A_191 = vector.broadcast %reduce_max3A_190 : i1 to vector<16xi1>
      %reduce_max3A_192 = tpu.scan <max>, %max3A_189 masked %reduce_max3A_191 : vector<16xf32>, vector<16xi1> -> vector<16xf32>
      %reduce_max3A_193 = vector.extract %reduce_max3A_192[15] : f32 from vector<16xf32>
      %broadcast_in_dim3A_194 = vector.broadcast %reduce_max3A_193 : f32 to vector<16xf32>
      %broadcast_in_dim3A_195 = arith.constant 2147483647 : i32
      %broadcast_in_dim3A_196 = vector.broadcast %broadcast_in_dim3A_195 : i32 to vector<16xi32>
      %ge3A_197 = arith.cmpf oge, %select_n3A_146, %broadcast_in_dim3A_194 : vector<16xf32>
      %jit3A_198 = arith.constant 2147483647 : i32
      %broadcast_in_dim3A_199 = vector.broadcast %jit3A_198 : i32 to vector<16xi32>
      %select_n3A_200 = arith.select %ge3A_197, %get3A_63, %broadcast_in_dim3A_199 : vector<16xi1>, vector<16xi32>
      %min3A_201 = arith.minsi %broadcast_in_dim3A_196, %select_n3A_200 : vector<16xi32>
      %ge3A_202 = arith.cmpf oge, %select_n3A_150, %broadcast_in_dim3A_194 : vector<16xf32>
      %jit3A_203 = arith.constant 2147483647 : i32
      %broadcast_in_dim3A_204 = vector.broadcast %jit3A_203 : i32 to vector<16xi32>
      %select_n3A_205 = arith.select %ge3A_202, %get3A_66, %broadcast_in_dim3A_204 : vector<16xi1>, vector<16xi32>
      %min3A_206 = arith.minsi %min3A_201, %select_n3A_205 : vector<16xi32>
      %ge3A_207 = arith.cmpf oge, %select_n3A_154, %broadcast_in_dim3A_194 : vector<16xf32>
      %jit3A_208 = arith.constant 2147483647 : i32
      %broadcast_in_dim3A_209 = vector.broadcast %jit3A_208 : i32 to vector<16xi32>
      %select_n3A_210 = arith.select %ge3A_207, %get3A_69, %broadcast_in_dim3A_209 : vector<16xi1>, vector<16xi32>
      %min3A_211 = arith.minsi %min3A_206, %select_n3A_210 : vector<16xi32>
      %ge3A_212 = arith.cmpf oge, %select_n3A_158, %broadcast_in_dim3A_194 : vector<16xf32>
      %jit3A_213 = arith.constant 2147483647 : i32
      %broadcast_in_dim3A_214 = vector.broadcast %jit3A_213 : i32 to vector<16xi32>
      %select_n3A_215 = arith.select %ge3A_212, %get3A_72, %broadcast_in_dim3A_214 : vector<16xi1>, vector<16xi32>
      %min3A_216 = arith.minsi %min3A_211, %select_n3A_215 : vector<16xi32>
      %ge3A_217 = arith.cmpf oge, %select_n3A_162, %broadcast_in_dim3A_194 : vector<16xf32>
      %jit3A_218 = arith.constant 2147483647 : i32
      %broadcast_in_dim3A_219 = vector.broadcast %jit3A_218 : i32 to vector<16xi32>
      %select_n3A_220 = arith.select %ge3A_217, %get3A_75, %broadcast_in_dim3A_219 : vector<16xi1>, vector<16xi32>
      %min3A_221 = arith.minsi %min3A_216, %select_n3A_220 : vector<16xi32>
      %ge3A_222 = arith.cmpf oge, %select_n3A_166, %broadcast_in_dim3A_194 : vector<16xf32>
      %jit3A_223 = arith.constant 2147483647 : i32
      %broadcast_in_dim3A_224 = vector.broadcast %jit3A_223 : i32 to vector<16xi32>
      %select_n3A_225 = arith.select %ge3A_222, %get3A_78, %broadcast_in_dim3A_224 : vector<16xi1>, vector<16xi32>
      %min3A_226 = arith.minsi %min3A_221, %select_n3A_225 : vector<16xi32>
      %ge3A_227 = arith.cmpf oge, %select_n3A_170, %broadcast_in_dim3A_194 : vector<16xf32>
      %jit3A_228 = arith.constant 2147483647 : i32
      %broadcast_in_dim3A_229 = vector.broadcast %jit3A_228 : i32 to vector<16xi32>
      %select_n3A_230 = arith.select %ge3A_227, %get3A_81, %broadcast_in_dim3A_229 : vector<16xi1>, vector<16xi32>
      %min3A_231 = arith.minsi %min3A_226, %select_n3A_230 : vector<16xi32>
      %ge3A_232 = arith.cmpf oge, %select_n3A_174, %broadcast_in_dim3A_194 : vector<16xf32>
      %jit3A_233 = arith.constant 2147483647 : i32
      %broadcast_in_dim3A_234 = vector.broadcast %jit3A_233 : i32 to vector<16xi32>
      %select_n3A_235 = arith.select %ge3A_232, %get3A_84, %broadcast_in_dim3A_234 : vector<16xi1>, vector<16xi32>
      %min3A_236 = arith.minsi %min3A_231, %select_n3A_235 : vector<16xi32>
      %reduce_min3A_237 = arith.constant true
      %reduce_min3A_238 = vector.broadcast %reduce_min3A_237 : i1 to vector<16xi1>
      %reduce_min3A_239 = arith.constant -2147483648 : i32
      %reduce_min3A_240 = vector.broadcast %reduce_min3A_239 : i32 to vector<16xi32>
      %reduce_min3A_241 = arith.xori %min3A_236, %reduce_min3A_240 : vector<16xi32>
      %reduce_min3A_242 = tpu.scan <min>, %reduce_min3A_241 masked %reduce_min3A_238 : vector<16xi32>, vector<16xi1> -> vector<16xi32>
      %reduce_min3A_243 = arith.xori %reduce_min3A_242, %reduce_min3A_240 : vector<16xi32>
      %reduce_min3A_244 = vector.extract %reduce_min3A_243[15] : i32 from vector<16xi32>
      %broadcast_in_dim3A_245 = vector.broadcast %reduce_min3A_244 : i32 to vector<16xi32>
      %eq3A_246 = arith.cmpi eq, %get3A_63, %broadcast_in_dim3A_245 : vector<16xi32>
      %jit3A_247 = arith.constant -3.400000e+38 : f32
      %broadcast_in_dim3A_248 = vector.broadcast %jit3A_247 : f32 to vector<16xf32>
      %select_n3A_249 = arith.select %eq3A_246, %broadcast_in_dim3A_248, %select_n3A_146 : vector<16xi1>, vector<16xf32>
      %eq3A_250 = arith.cmpi eq, %get3A_66, %broadcast_in_dim3A_245 : vector<16xi32>
      %jit3A_251 = arith.constant -3.400000e+38 : f32
      %broadcast_in_dim3A_252 = vector.broadcast %jit3A_251 : f32 to vector<16xf32>
      %select_n3A_253 = arith.select %eq3A_250, %broadcast_in_dim3A_252, %select_n3A_150 : vector<16xi1>, vector<16xf32>
      %eq3A_254 = arith.cmpi eq, %get3A_69, %broadcast_in_dim3A_245 : vector<16xi32>
      %jit3A_255 = arith.constant -3.400000e+38 : f32
      %broadcast_in_dim3A_256 = vector.broadcast %jit3A_255 : f32 to vector<16xf32>
      %select_n3A_257 = arith.select %eq3A_254, %broadcast_in_dim3A_256, %select_n3A_154 : vector<16xi1>, vector<16xf32>
      %eq3A_258 = arith.cmpi eq, %get3A_72, %broadcast_in_dim3A_245 : vector<16xi32>
      %jit3A_259 = arith.constant -3.400000e+38 : f32
      %broadcast_in_dim3A_260 = vector.broadcast %jit3A_259 : f32 to vector<16xf32>
      %select_n3A_261 = arith.select %eq3A_258, %broadcast_in_dim3A_260, %select_n3A_158 : vector<16xi1>, vector<16xf32>
      %eq3A_262 = arith.cmpi eq, %get3A_75, %broadcast_in_dim3A_245 : vector<16xi32>
      %jit3A_263 = arith.constant -3.400000e+38 : f32
      %broadcast_in_dim3A_264 = vector.broadcast %jit3A_263 : f32 to vector<16xf32>
      %select_n3A_265 = arith.select %eq3A_262, %broadcast_in_dim3A_264, %select_n3A_162 : vector<16xi1>, vector<16xf32>
      %eq3A_266 = arith.cmpi eq, %get3A_78, %broadcast_in_dim3A_245 : vector<16xi32>
      %jit3A_267 = arith.constant -3.400000e+38 : f32
      %broadcast_in_dim3A_268 = vector.broadcast %jit3A_267 : f32 to vector<16xf32>
      %select_n3A_269 = arith.select %eq3A_266, %broadcast_in_dim3A_268, %select_n3A_166 : vector<16xi1>, vector<16xf32>
      %eq3A_270 = arith.cmpi eq, %get3A_81, %broadcast_in_dim3A_245 : vector<16xi32>
      %jit3A_271 = arith.constant -3.400000e+38 : f32
      %broadcast_in_dim3A_272 = vector.broadcast %jit3A_271 : f32 to vector<16xf32>
      %select_n3A_273 = arith.select %eq3A_270, %broadcast_in_dim3A_272, %select_n3A_170 : vector<16xi1>, vector<16xf32>
      %eq3A_274 = arith.cmpi eq, %get3A_84, %broadcast_in_dim3A_245 : vector<16xi32>
      %jit3A_275 = arith.constant -3.400000e+38 : f32
      %broadcast_in_dim3A_276 = vector.broadcast %jit3A_275 : f32 to vector<16xf32>
      %select_n3A_277 = arith.select %eq3A_274, %broadcast_in_dim3A_276, %select_n3A_174 : vector<16xi1>, vector<16xf32>
      %eq3A_278 = arith.constant 1 : i32
      %eq3A_279 = vector.broadcast %eq3A_278 : i32 to vector<16xi32>
      %eq3A_280 = arith.cmpi eq, %iota3A, %eq3A_279 : vector<16xi32>
      %select_n3A_281 = arith.select %eq3A_280, %broadcast_in_dim3A_194, %select_n3A_178 : vector<16xi1>, vector<16xf32>
      %eq3A_282 = arith.constant 1 : i32
      %eq3A_283 = vector.broadcast %eq3A_282 : i32 to vector<16xi32>
      %eq3A_284 = arith.cmpi eq, %iota3A, %eq3A_283 : vector<16xi32>
      %select_n3A_285 = arith.select %eq3A_284, %broadcast_in_dim3A_245, %select_n3A_182 : vector<16xi1>, vector<16xi32>
      %max3A_286 = arith.maximumf %select_n3A_249, %select_n3A_253 : vector<16xf32>
      %max3A_287 = arith.maximumf %max3A_286, %select_n3A_257 : vector<16xf32>
      %max3A_288 = arith.maximumf %max3A_287, %select_n3A_261 : vector<16xf32>
      %max3A_289 = arith.maximumf %max3A_288, %select_n3A_265 : vector<16xf32>
      %max3A_290 = arith.maximumf %max3A_289, %select_n3A_269 : vector<16xf32>
      %max3A_291 = arith.maximumf %max3A_290, %select_n3A_273 : vector<16xf32>
      %max3A_292 = arith.maximumf %max3A_291, %select_n3A_277 : vector<16xf32>
      %reduce_max3A_293 = arith.constant true
      %reduce_max3A_294 = vector.broadcast %reduce_max3A_293 : i1 to vector<16xi1>
      %reduce_max3A_295 = tpu.scan <max>, %max3A_292 masked %reduce_max3A_294 : vector<16xf32>, vector<16xi1> -> vector<16xf32>
      %reduce_max3A_296 = vector.extract %reduce_max3A_295[15] : f32 from vector<16xf32>
      %broadcast_in_dim3A_297 = vector.broadcast %reduce_max3A_296 : f32 to vector<16xf32>
      %broadcast_in_dim3A_298 = arith.constant 2147483647 : i32
      %broadcast_in_dim3A_299 = vector.broadcast %broadcast_in_dim3A_298 : i32 to vector<16xi32>
      %ge3A_300 = arith.cmpf oge, %select_n3A_249, %broadcast_in_dim3A_297 : vector<16xf32>
      %jit3A_301 = arith.constant 2147483647 : i32
      %broadcast_in_dim3A_302 = vector.broadcast %jit3A_301 : i32 to vector<16xi32>
      %select_n3A_303 = arith.select %ge3A_300, %get3A_63, %broadcast_in_dim3A_302 : vector<16xi1>, vector<16xi32>
      %min3A_304 = arith.minsi %broadcast_in_dim3A_299, %select_n3A_303 : vector<16xi32>
      %ge3A_305 = arith.cmpf oge, %select_n3A_253, %broadcast_in_dim3A_297 : vector<16xf32>
      %jit3A_306 = arith.constant 2147483647 : i32
      %broadcast_in_dim3A_307 = vector.broadcast %jit3A_306 : i32 to vector<16xi32>
      %select_n3A_308 = arith.select %ge3A_305, %get3A_66, %broadcast_in_dim3A_307 : vector<16xi1>, vector<16xi32>
      %min3A_309 = arith.minsi %min3A_304, %select_n3A_308 : vector<16xi32>
      %ge3A_310 = arith.cmpf oge, %select_n3A_257, %broadcast_in_dim3A_297 : vector<16xf32>
      %jit3A_311 = arith.constant 2147483647 : i32
      %broadcast_in_dim3A_312 = vector.broadcast %jit3A_311 : i32 to vector<16xi32>
      %select_n3A_313 = arith.select %ge3A_310, %get3A_69, %broadcast_in_dim3A_312 : vector<16xi1>, vector<16xi32>
      %min3A_314 = arith.minsi %min3A_309, %select_n3A_313 : vector<16xi32>
      %ge3A_315 = arith.cmpf oge, %select_n3A_261, %broadcast_in_dim3A_297 : vector<16xf32>
      %jit3A_316 = arith.constant 2147483647 : i32
      %broadcast_in_dim3A_317 = vector.broadcast %jit3A_316 : i32 to vector<16xi32>
      %select_n3A_318 = arith.select %ge3A_315, %get3A_72, %broadcast_in_dim3A_317 : vector<16xi1>, vector<16xi32>
      %min3A_319 = arith.minsi %min3A_314, %select_n3A_318 : vector<16xi32>
      %ge3A_320 = arith.cmpf oge, %select_n3A_265, %broadcast_in_dim3A_297 : vector<16xf32>
      %jit3A_321 = arith.constant 2147483647 : i32
      %broadcast_in_dim3A_322 = vector.broadcast %jit3A_321 : i32 to vector<16xi32>
      %select_n3A_323 = arith.select %ge3A_320, %get3A_75, %broadcast_in_dim3A_322 : vector<16xi1>, vector<16xi32>
      %min3A_324 = arith.minsi %min3A_319, %select_n3A_323 : vector<16xi32>
      %ge3A_325 = arith.cmpf oge, %select_n3A_269, %broadcast_in_dim3A_297 : vector<16xf32>
      %jit3A_326 = arith.constant 2147483647 : i32
      %broadcast_in_dim3A_327 = vector.broadcast %jit3A_326 : i32 to vector<16xi32>
      %select_n3A_328 = arith.select %ge3A_325, %get3A_78, %broadcast_in_dim3A_327 : vector<16xi1>, vector<16xi32>
      %min3A_329 = arith.minsi %min3A_324, %select_n3A_328 : vector<16xi32>
      %ge3A_330 = arith.cmpf oge, %select_n3A_273, %broadcast_in_dim3A_297 : vector<16xf32>
      %jit3A_331 = arith.constant 2147483647 : i32
      %broadcast_in_dim3A_332 = vector.broadcast %jit3A_331 : i32 to vector<16xi32>
      %select_n3A_333 = arith.select %ge3A_330, %get3A_81, %broadcast_in_dim3A_332 : vector<16xi1>, vector<16xi32>
      %min3A_334 = arith.minsi %min3A_329, %select_n3A_333 : vector<16xi32>
      %ge3A_335 = arith.cmpf oge, %select_n3A_277, %broadcast_in_dim3A_297 : vector<16xf32>
      %jit3A_336 = arith.constant 2147483647 : i32
      %broadcast_in_dim3A_337 = vector.broadcast %jit3A_336 : i32 to vector<16xi32>
      %select_n3A_338 = arith.select %ge3A_335, %get3A_84, %broadcast_in_dim3A_337 : vector<16xi1>, vector<16xi32>
      %min3A_339 = arith.minsi %min3A_334, %select_n3A_338 : vector<16xi32>
      %reduce_min3A_340 = arith.constant true
      %reduce_min3A_341 = vector.broadcast %reduce_min3A_340 : i1 to vector<16xi1>
      %reduce_min3A_342 = arith.constant -2147483648 : i32
      %reduce_min3A_343 = vector.broadcast %reduce_min3A_342 : i32 to vector<16xi32>
      %reduce_min3A_344 = arith.xori %min3A_339, %reduce_min3A_343 : vector<16xi32>
      %reduce_min3A_345 = tpu.scan <min>, %reduce_min3A_344 masked %reduce_min3A_341 : vector<16xi32>, vector<16xi1> -> vector<16xi32>
      %reduce_min3A_346 = arith.xori %reduce_min3A_345, %reduce_min3A_343 : vector<16xi32>
      %reduce_min3A_347 = vector.extract %reduce_min3A_346[15] : i32 from vector<16xi32>
      %broadcast_in_dim3A_348 = vector.broadcast %reduce_min3A_347 : i32 to vector<16xi32>
      %eq3A_349 = arith.cmpi eq, %get3A_63, %broadcast_in_dim3A_348 : vector<16xi32>
      %jit3A_350 = arith.constant -3.400000e+38 : f32
      %broadcast_in_dim3A_351 = vector.broadcast %jit3A_350 : f32 to vector<16xf32>
      %select_n3A_352 = arith.select %eq3A_349, %broadcast_in_dim3A_351, %select_n3A_249 : vector<16xi1>, vector<16xf32>
      %eq3A_353 = arith.cmpi eq, %get3A_66, %broadcast_in_dim3A_348 : vector<16xi32>
      %jit3A_354 = arith.constant -3.400000e+38 : f32
      %broadcast_in_dim3A_355 = vector.broadcast %jit3A_354 : f32 to vector<16xf32>
      %select_n3A_356 = arith.select %eq3A_353, %broadcast_in_dim3A_355, %select_n3A_253 : vector<16xi1>, vector<16xf32>
      %eq3A_357 = arith.cmpi eq, %get3A_69, %broadcast_in_dim3A_348 : vector<16xi32>
      %jit3A_358 = arith.constant -3.400000e+38 : f32
      %broadcast_in_dim3A_359 = vector.broadcast %jit3A_358 : f32 to vector<16xf32>
      %select_n3A_360 = arith.select %eq3A_357, %broadcast_in_dim3A_359, %select_n3A_257 : vector<16xi1>, vector<16xf32>
      %eq3A_361 = arith.cmpi eq, %get3A_72, %broadcast_in_dim3A_348 : vector<16xi32>
      %jit3A_362 = arith.constant -3.400000e+38 : f32
      %broadcast_in_dim3A_363 = vector.broadcast %jit3A_362 : f32 to vector<16xf32>
      %select_n3A_364 = arith.select %eq3A_361, %broadcast_in_dim3A_363, %select_n3A_261 : vector<16xi1>, vector<16xf32>
      %eq3A_365 = arith.cmpi eq, %get3A_75, %broadcast_in_dim3A_348 : vector<16xi32>
      %jit3A_366 = arith.constant -3.400000e+38 : f32
      %broadcast_in_dim3A_367 = vector.broadcast %jit3A_366 : f32 to vector<16xf32>
      %select_n3A_368 = arith.select %eq3A_365, %broadcast_in_dim3A_367, %select_n3A_265 : vector<16xi1>, vector<16xf32>
      %eq3A_369 = arith.cmpi eq, %get3A_78, %broadcast_in_dim3A_348 : vector<16xi32>
      %jit3A_370 = arith.constant -3.400000e+38 : f32
      %broadcast_in_dim3A_371 = vector.broadcast %jit3A_370 : f32 to vector<16xf32>
      %select_n3A_372 = arith.select %eq3A_369, %broadcast_in_dim3A_371, %select_n3A_269 : vector<16xi1>, vector<16xf32>
      %eq3A_373 = arith.cmpi eq, %get3A_81, %broadcast_in_dim3A_348 : vector<16xi32>
      %jit3A_374 = arith.constant -3.400000e+38 : f32
      %broadcast_in_dim3A_375 = vector.broadcast %jit3A_374 : f32 to vector<16xf32>
      %select_n3A_376 = arith.select %eq3A_373, %broadcast_in_dim3A_375, %select_n3A_273 : vector<16xi1>, vector<16xf32>
      %eq3A_377 = arith.cmpi eq, %get3A_84, %broadcast_in_dim3A_348 : vector<16xi32>
      %jit3A_378 = arith.constant -3.400000e+38 : f32
      %broadcast_in_dim3A_379 = vector.broadcast %jit3A_378 : f32 to vector<16xf32>
      %select_n3A_380 = arith.select %eq3A_377, %broadcast_in_dim3A_379, %select_n3A_277 : vector<16xi1>, vector<16xf32>
      %eq3A_381 = arith.constant 2 : i32
      %eq3A_382 = vector.broadcast %eq3A_381 : i32 to vector<16xi32>
      %eq3A_383 = arith.cmpi eq, %iota3A, %eq3A_382 : vector<16xi32>
      %select_n3A_384 = arith.select %eq3A_383, %broadcast_in_dim3A_297, %select_n3A_281 : vector<16xi1>, vector<16xf32>
      %eq3A_385 = arith.constant 2 : i32
      %eq3A_386 = vector.broadcast %eq3A_385 : i32 to vector<16xi32>
      %eq3A_387 = arith.cmpi eq, %iota3A, %eq3A_386 : vector<16xi32>
      %select_n3A_388 = arith.select %eq3A_387, %broadcast_in_dim3A_348, %select_n3A_285 : vector<16xi1>, vector<16xi32>
      %max3A_389 = arith.maximumf %select_n3A_352, %select_n3A_356 : vector<16xf32>
      %max3A_390 = arith.maximumf %max3A_389, %select_n3A_360 : vector<16xf32>
      %max3A_391 = arith.maximumf %max3A_390, %select_n3A_364 : vector<16xf32>
      %max3A_392 = arith.maximumf %max3A_391, %select_n3A_368 : vector<16xf32>
      %max3A_393 = arith.maximumf %max3A_392, %select_n3A_372 : vector<16xf32>
      %max3A_394 = arith.maximumf %max3A_393, %select_n3A_376 : vector<16xf32>
      %max3A_395 = arith.maximumf %max3A_394, %select_n3A_380 : vector<16xf32>
      %reduce_max3A_396 = arith.constant true
      %reduce_max3A_397 = vector.broadcast %reduce_max3A_396 : i1 to vector<16xi1>
      %reduce_max3A_398 = tpu.scan <max>, %max3A_395 masked %reduce_max3A_397 : vector<16xf32>, vector<16xi1> -> vector<16xf32>
      %reduce_max3A_399 = vector.extract %reduce_max3A_398[15] : f32 from vector<16xf32>
      %broadcast_in_dim3A_400 = vector.broadcast %reduce_max3A_399 : f32 to vector<16xf32>
      %broadcast_in_dim3A_401 = arith.constant 2147483647 : i32
      %broadcast_in_dim3A_402 = vector.broadcast %broadcast_in_dim3A_401 : i32 to vector<16xi32>
      %ge3A_403 = arith.cmpf oge, %select_n3A_352, %broadcast_in_dim3A_400 : vector<16xf32>
      %jit3A_404 = arith.constant 2147483647 : i32
      %broadcast_in_dim3A_405 = vector.broadcast %jit3A_404 : i32 to vector<16xi32>
      %select_n3A_406 = arith.select %ge3A_403, %get3A_63, %broadcast_in_dim3A_405 : vector<16xi1>, vector<16xi32>
      %min3A_407 = arith.minsi %broadcast_in_dim3A_402, %select_n3A_406 : vector<16xi32>
      %ge3A_408 = arith.cmpf oge, %select_n3A_356, %broadcast_in_dim3A_400 : vector<16xf32>
      %jit3A_409 = arith.constant 2147483647 : i32
      %broadcast_in_dim3A_410 = vector.broadcast %jit3A_409 : i32 to vector<16xi32>
      %select_n3A_411 = arith.select %ge3A_408, %get3A_66, %broadcast_in_dim3A_410 : vector<16xi1>, vector<16xi32>
      %min3A_412 = arith.minsi %min3A_407, %select_n3A_411 : vector<16xi32>
      %ge3A_413 = arith.cmpf oge, %select_n3A_360, %broadcast_in_dim3A_400 : vector<16xf32>
      %jit3A_414 = arith.constant 2147483647 : i32
      %broadcast_in_dim3A_415 = vector.broadcast %jit3A_414 : i32 to vector<16xi32>
      %select_n3A_416 = arith.select %ge3A_413, %get3A_69, %broadcast_in_dim3A_415 : vector<16xi1>, vector<16xi32>
      %min3A_417 = arith.minsi %min3A_412, %select_n3A_416 : vector<16xi32>
      %ge3A_418 = arith.cmpf oge, %select_n3A_364, %broadcast_in_dim3A_400 : vector<16xf32>
      %jit3A_419 = arith.constant 2147483647 : i32
      %broadcast_in_dim3A_420 = vector.broadcast %jit3A_419 : i32 to vector<16xi32>
      %select_n3A_421 = arith.select %ge3A_418, %get3A_72, %broadcast_in_dim3A_420 : vector<16xi1>, vector<16xi32>
      %min3A_422 = arith.minsi %min3A_417, %select_n3A_421 : vector<16xi32>
      %ge3A_423 = arith.cmpf oge, %select_n3A_368, %broadcast_in_dim3A_400 : vector<16xf32>
      %jit3A_424 = arith.constant 2147483647 : i32
      %broadcast_in_dim3A_425 = vector.broadcast %jit3A_424 : i32 to vector<16xi32>
      %select_n3A_426 = arith.select %ge3A_423, %get3A_75, %broadcast_in_dim3A_425 : vector<16xi1>, vector<16xi32>
      %min3A_427 = arith.minsi %min3A_422, %select_n3A_426 : vector<16xi32>
      %ge3A_428 = arith.cmpf oge, %select_n3A_372, %broadcast_in_dim3A_400 : vector<16xf32>
      %jit3A_429 = arith.constant 2147483647 : i32
      %broadcast_in_dim3A_430 = vector.broadcast %jit3A_429 : i32 to vector<16xi32>
      %select_n3A_431 = arith.select %ge3A_428, %get3A_78, %broadcast_in_dim3A_430 : vector<16xi1>, vector<16xi32>
      %min3A_432 = arith.minsi %min3A_427, %select_n3A_431 : vector<16xi32>
      %ge3A_433 = arith.cmpf oge, %select_n3A_376, %broadcast_in_dim3A_400 : vector<16xf32>
      %jit3A_434 = arith.constant 2147483647 : i32
      %broadcast_in_dim3A_435 = vector.broadcast %jit3A_434 : i32 to vector<16xi32>
      %select_n3A_436 = arith.select %ge3A_433, %get3A_81, %broadcast_in_dim3A_435 : vector<16xi1>, vector<16xi32>
      %min3A_437 = arith.minsi %min3A_432, %select_n3A_436 : vector<16xi32>
      %ge3A_438 = arith.cmpf oge, %select_n3A_380, %broadcast_in_dim3A_400 : vector<16xf32>
      %jit3A_439 = arith.constant 2147483647 : i32
      %broadcast_in_dim3A_440 = vector.broadcast %jit3A_439 : i32 to vector<16xi32>
      %select_n3A_441 = arith.select %ge3A_438, %get3A_84, %broadcast_in_dim3A_440 : vector<16xi1>, vector<16xi32>
      %min3A_442 = arith.minsi %min3A_437, %select_n3A_441 : vector<16xi32>
      %reduce_min3A_443 = arith.constant true
      %reduce_min3A_444 = vector.broadcast %reduce_min3A_443 : i1 to vector<16xi1>
      %reduce_min3A_445 = arith.constant -2147483648 : i32
      %reduce_min3A_446 = vector.broadcast %reduce_min3A_445 : i32 to vector<16xi32>
      %reduce_min3A_447 = arith.xori %min3A_442, %reduce_min3A_446 : vector<16xi32>
      %reduce_min3A_448 = tpu.scan <min>, %reduce_min3A_447 masked %reduce_min3A_444 : vector<16xi32>, vector<16xi1> -> vector<16xi32>
      %reduce_min3A_449 = arith.xori %reduce_min3A_448, %reduce_min3A_446 : vector<16xi32>
      %reduce_min3A_450 = vector.extract %reduce_min3A_449[15] : i32 from vector<16xi32>
      %broadcast_in_dim3A_451 = vector.broadcast %reduce_min3A_450 : i32 to vector<16xi32>
      %eq3A_452 = arith.cmpi eq, %get3A_63, %broadcast_in_dim3A_451 : vector<16xi32>
      %jit3A_453 = arith.constant -3.400000e+38 : f32
      %broadcast_in_dim3A_454 = vector.broadcast %jit3A_453 : f32 to vector<16xf32>
      %select_n3A_455 = arith.select %eq3A_452, %broadcast_in_dim3A_454, %select_n3A_352 : vector<16xi1>, vector<16xf32>
      %eq3A_456 = arith.cmpi eq, %get3A_66, %broadcast_in_dim3A_451 : vector<16xi32>
      %jit3A_457 = arith.constant -3.400000e+38 : f32
      %broadcast_in_dim3A_458 = vector.broadcast %jit3A_457 : f32 to vector<16xf32>
      %select_n3A_459 = arith.select %eq3A_456, %broadcast_in_dim3A_458, %select_n3A_356 : vector<16xi1>, vector<16xf32>
      %eq3A_460 = arith.cmpi eq, %get3A_69, %broadcast_in_dim3A_451 : vector<16xi32>
      %jit3A_461 = arith.constant -3.400000e+38 : f32
      %broadcast_in_dim3A_462 = vector.broadcast %jit3A_461 : f32 to vector<16xf32>
      %select_n3A_463 = arith.select %eq3A_460, %broadcast_in_dim3A_462, %select_n3A_360 : vector<16xi1>, vector<16xf32>
      %eq3A_464 = arith.cmpi eq, %get3A_72, %broadcast_in_dim3A_451 : vector<16xi32>
      %jit3A_465 = arith.constant -3.400000e+38 : f32
      %broadcast_in_dim3A_466 = vector.broadcast %jit3A_465 : f32 to vector<16xf32>
      %select_n3A_467 = arith.select %eq3A_464, %broadcast_in_dim3A_466, %select_n3A_364 : vector<16xi1>, vector<16xf32>
      %eq3A_468 = arith.cmpi eq, %get3A_75, %broadcast_in_dim3A_451 : vector<16xi32>
      %jit3A_469 = arith.constant -3.400000e+38 : f32
      %broadcast_in_dim3A_470 = vector.broadcast %jit3A_469 : f32 to vector<16xf32>
      %select_n3A_471 = arith.select %eq3A_468, %broadcast_in_dim3A_470, %select_n3A_368 : vector<16xi1>, vector<16xf32>
      %eq3A_472 = arith.cmpi eq, %get3A_78, %broadcast_in_dim3A_451 : vector<16xi32>
      %jit3A_473 = arith.constant -3.400000e+38 : f32
      %broadcast_in_dim3A_474 = vector.broadcast %jit3A_473 : f32 to vector<16xf32>
      %select_n3A_475 = arith.select %eq3A_472, %broadcast_in_dim3A_474, %select_n3A_372 : vector<16xi1>, vector<16xf32>
      %eq3A_476 = arith.cmpi eq, %get3A_81, %broadcast_in_dim3A_451 : vector<16xi32>
      %jit3A_477 = arith.constant -3.400000e+38 : f32
      %broadcast_in_dim3A_478 = vector.broadcast %jit3A_477 : f32 to vector<16xf32>
      %select_n3A_479 = arith.select %eq3A_476, %broadcast_in_dim3A_478, %select_n3A_376 : vector<16xi1>, vector<16xf32>
      %eq3A_480 = arith.cmpi eq, %get3A_84, %broadcast_in_dim3A_451 : vector<16xi32>
      %jit3A_481 = arith.constant -3.400000e+38 : f32
      %broadcast_in_dim3A_482 = vector.broadcast %jit3A_481 : f32 to vector<16xf32>
      %select_n3A_483 = arith.select %eq3A_480, %broadcast_in_dim3A_482, %select_n3A_380 : vector<16xi1>, vector<16xf32>
      %eq3A_484 = arith.constant 3 : i32
      %eq3A_485 = vector.broadcast %eq3A_484 : i32 to vector<16xi32>
      %eq3A_486 = arith.cmpi eq, %iota3A, %eq3A_485 : vector<16xi32>
      %select_n3A_487 = arith.select %eq3A_486, %broadcast_in_dim3A_400, %select_n3A_384 : vector<16xi1>, vector<16xf32>
      %eq3A_488 = arith.constant 3 : i32
      %eq3A_489 = vector.broadcast %eq3A_488 : i32 to vector<16xi32>
      %eq3A_490 = arith.cmpi eq, %iota3A, %eq3A_489 : vector<16xi32>
      %select_n3A_491 = arith.select %eq3A_490, %broadcast_in_dim3A_451, %select_n3A_388 : vector<16xi1>, vector<16xi32>
      %max3A_492 = arith.maximumf %select_n3A_455, %select_n3A_459 : vector<16xf32>
      %max3A_493 = arith.maximumf %max3A_492, %select_n3A_463 : vector<16xf32>
      %max3A_494 = arith.maximumf %max3A_493, %select_n3A_467 : vector<16xf32>
      %max3A_495 = arith.maximumf %max3A_494, %select_n3A_471 : vector<16xf32>
      %max3A_496 = arith.maximumf %max3A_495, %select_n3A_475 : vector<16xf32>
      %max3A_497 = arith.maximumf %max3A_496, %select_n3A_479 : vector<16xf32>
      %max3A_498 = arith.maximumf %max3A_497, %select_n3A_483 : vector<16xf32>
      %reduce_max3A_499 = arith.constant true
      %reduce_max3A_500 = vector.broadcast %reduce_max3A_499 : i1 to vector<16xi1>
      %reduce_max3A_501 = tpu.scan <max>, %max3A_498 masked %reduce_max3A_500 : vector<16xf32>, vector<16xi1> -> vector<16xf32>
      %reduce_max3A_502 = vector.extract %reduce_max3A_501[15] : f32 from vector<16xf32>
      %broadcast_in_dim3A_503 = vector.broadcast %reduce_max3A_502 : f32 to vector<16xf32>
      %broadcast_in_dim3A_504 = arith.constant 2147483647 : i32
      %broadcast_in_dim3A_505 = vector.broadcast %broadcast_in_dim3A_504 : i32 to vector<16xi32>
      %ge3A_506 = arith.cmpf oge, %select_n3A_455, %broadcast_in_dim3A_503 : vector<16xf32>
      %jit3A_507 = arith.constant 2147483647 : i32
      %broadcast_in_dim3A_508 = vector.broadcast %jit3A_507 : i32 to vector<16xi32>
      %select_n3A_509 = arith.select %ge3A_506, %get3A_63, %broadcast_in_dim3A_508 : vector<16xi1>, vector<16xi32>
      %min3A_510 = arith.minsi %broadcast_in_dim3A_505, %select_n3A_509 : vector<16xi32>
      %ge3A_511 = arith.cmpf oge, %select_n3A_459, %broadcast_in_dim3A_503 : vector<16xf32>
      %jit3A_512 = arith.constant 2147483647 : i32
      %broadcast_in_dim3A_513 = vector.broadcast %jit3A_512 : i32 to vector<16xi32>
      %select_n3A_514 = arith.select %ge3A_511, %get3A_66, %broadcast_in_dim3A_513 : vector<16xi1>, vector<16xi32>
      %min3A_515 = arith.minsi %min3A_510, %select_n3A_514 : vector<16xi32>
      %ge3A_516 = arith.cmpf oge, %select_n3A_463, %broadcast_in_dim3A_503 : vector<16xf32>
      %jit3A_517 = arith.constant 2147483647 : i32
      %broadcast_in_dim3A_518 = vector.broadcast %jit3A_517 : i32 to vector<16xi32>
      %select_n3A_519 = arith.select %ge3A_516, %get3A_69, %broadcast_in_dim3A_518 : vector<16xi1>, vector<16xi32>
      %min3A_520 = arith.minsi %min3A_515, %select_n3A_519 : vector<16xi32>
      %ge3A_521 = arith.cmpf oge, %select_n3A_467, %broadcast_in_dim3A_503 : vector<16xf32>
      %jit3A_522 = arith.constant 2147483647 : i32
      %broadcast_in_dim3A_523 = vector.broadcast %jit3A_522 : i32 to vector<16xi32>
      %select_n3A_524 = arith.select %ge3A_521, %get3A_72, %broadcast_in_dim3A_523 : vector<16xi1>, vector<16xi32>
      %min3A_525 = arith.minsi %min3A_520, %select_n3A_524 : vector<16xi32>
      %ge3A_526 = arith.cmpf oge, %select_n3A_471, %broadcast_in_dim3A_503 : vector<16xf32>
      %jit3A_527 = arith.constant 2147483647 : i32
      %broadcast_in_dim3A_528 = vector.broadcast %jit3A_527 : i32 to vector<16xi32>
      %select_n3A_529 = arith.select %ge3A_526, %get3A_75, %broadcast_in_dim3A_528 : vector<16xi1>, vector<16xi32>
      %min3A_530 = arith.minsi %min3A_525, %select_n3A_529 : vector<16xi32>
      %ge3A_531 = arith.cmpf oge, %select_n3A_475, %broadcast_in_dim3A_503 : vector<16xf32>
      %jit3A_532 = arith.constant 2147483647 : i32
      %broadcast_in_dim3A_533 = vector.broadcast %jit3A_532 : i32 to vector<16xi32>
      %select_n3A_534 = arith.select %ge3A_531, %get3A_78, %broadcast_in_dim3A_533 : vector<16xi1>, vector<16xi32>
      %min3A_535 = arith.minsi %min3A_530, %select_n3A_534 : vector<16xi32>
      %ge3A_536 = arith.cmpf oge, %select_n3A_479, %broadcast_in_dim3A_503 : vector<16xf32>
      %jit3A_537 = arith.constant 2147483647 : i32
      %broadcast_in_dim3A_538 = vector.broadcast %jit3A_537 : i32 to vector<16xi32>
      %select_n3A_539 = arith.select %ge3A_536, %get3A_81, %broadcast_in_dim3A_538 : vector<16xi1>, vector<16xi32>
      %min3A_540 = arith.minsi %min3A_535, %select_n3A_539 : vector<16xi32>
      %ge3A_541 = arith.cmpf oge, %select_n3A_483, %broadcast_in_dim3A_503 : vector<16xf32>
      %jit3A_542 = arith.constant 2147483647 : i32
      %broadcast_in_dim3A_543 = vector.broadcast %jit3A_542 : i32 to vector<16xi32>
      %select_n3A_544 = arith.select %ge3A_541, %get3A_84, %broadcast_in_dim3A_543 : vector<16xi1>, vector<16xi32>
      %min3A_545 = arith.minsi %min3A_540, %select_n3A_544 : vector<16xi32>
      %reduce_min3A_546 = arith.constant true
      %reduce_min3A_547 = vector.broadcast %reduce_min3A_546 : i1 to vector<16xi1>
      %reduce_min3A_548 = arith.constant -2147483648 : i32
      %reduce_min3A_549 = vector.broadcast %reduce_min3A_548 : i32 to vector<16xi32>
      %reduce_min3A_550 = arith.xori %min3A_545, %reduce_min3A_549 : vector<16xi32>
      %reduce_min3A_551 = tpu.scan <min>, %reduce_min3A_550 masked %reduce_min3A_547 : vector<16xi32>, vector<16xi1> -> vector<16xi32>
      %reduce_min3A_552 = arith.xori %reduce_min3A_551, %reduce_min3A_549 : vector<16xi32>
      %reduce_min3A_553 = vector.extract %reduce_min3A_552[15] : i32 from vector<16xi32>
      %broadcast_in_dim3A_554 = vector.broadcast %reduce_min3A_553 : i32 to vector<16xi32>
      %eq3A_555 = arith.cmpi eq, %get3A_63, %broadcast_in_dim3A_554 : vector<16xi32>
      %jit3A_556 = arith.constant -3.400000e+38 : f32
      %broadcast_in_dim3A_557 = vector.broadcast %jit3A_556 : f32 to vector<16xf32>
      %select_n3A_558 = arith.select %eq3A_555, %broadcast_in_dim3A_557, %select_n3A_455 : vector<16xi1>, vector<16xf32>
      %eq3A_559 = arith.cmpi eq, %get3A_66, %broadcast_in_dim3A_554 : vector<16xi32>
      %jit3A_560 = arith.constant -3.400000e+38 : f32
      %broadcast_in_dim3A_561 = vector.broadcast %jit3A_560 : f32 to vector<16xf32>
      %select_n3A_562 = arith.select %eq3A_559, %broadcast_in_dim3A_561, %select_n3A_459 : vector<16xi1>, vector<16xf32>
      %eq3A_563 = arith.cmpi eq, %get3A_69, %broadcast_in_dim3A_554 : vector<16xi32>
      %jit3A_564 = arith.constant -3.400000e+38 : f32
      %broadcast_in_dim3A_565 = vector.broadcast %jit3A_564 : f32 to vector<16xf32>
      %select_n3A_566 = arith.select %eq3A_563, %broadcast_in_dim3A_565, %select_n3A_463 : vector<16xi1>, vector<16xf32>
      %eq3A_567 = arith.cmpi eq, %get3A_72, %broadcast_in_dim3A_554 : vector<16xi32>
      %jit3A_568 = arith.constant -3.400000e+38 : f32
      %broadcast_in_dim3A_569 = vector.broadcast %jit3A_568 : f32 to vector<16xf32>
      %select_n3A_570 = arith.select %eq3A_567, %broadcast_in_dim3A_569, %select_n3A_467 : vector<16xi1>, vector<16xf32>
      %eq3A_571 = arith.cmpi eq, %get3A_75, %broadcast_in_dim3A_554 : vector<16xi32>
      %jit3A_572 = arith.constant -3.400000e+38 : f32
      %broadcast_in_dim3A_573 = vector.broadcast %jit3A_572 : f32 to vector<16xf32>
      %select_n3A_574 = arith.select %eq3A_571, %broadcast_in_dim3A_573, %select_n3A_471 : vector<16xi1>, vector<16xf32>
      %eq3A_575 = arith.cmpi eq, %get3A_78, %broadcast_in_dim3A_554 : vector<16xi32>
      %jit3A_576 = arith.constant -3.400000e+38 : f32
      %broadcast_in_dim3A_577 = vector.broadcast %jit3A_576 : f32 to vector<16xf32>
      %select_n3A_578 = arith.select %eq3A_575, %broadcast_in_dim3A_577, %select_n3A_475 : vector<16xi1>, vector<16xf32>
      %eq3A_579 = arith.cmpi eq, %get3A_81, %broadcast_in_dim3A_554 : vector<16xi32>
      %jit3A_580 = arith.constant -3.400000e+38 : f32
      %broadcast_in_dim3A_581 = vector.broadcast %jit3A_580 : f32 to vector<16xf32>
      %select_n3A_582 = arith.select %eq3A_579, %broadcast_in_dim3A_581, %select_n3A_479 : vector<16xi1>, vector<16xf32>
      %eq3A_583 = arith.cmpi eq, %get3A_84, %broadcast_in_dim3A_554 : vector<16xi32>
      %jit3A_584 = arith.constant -3.400000e+38 : f32
      %broadcast_in_dim3A_585 = vector.broadcast %jit3A_584 : f32 to vector<16xf32>
      %select_n3A_586 = arith.select %eq3A_583, %broadcast_in_dim3A_585, %select_n3A_483 : vector<16xi1>, vector<16xf32>
      %eq3A_587 = arith.constant 4 : i32
      %eq3A_588 = vector.broadcast %eq3A_587 : i32 to vector<16xi32>
      %eq3A_589 = arith.cmpi eq, %iota3A, %eq3A_588 : vector<16xi32>
      %select_n3A_590 = arith.select %eq3A_589, %broadcast_in_dim3A_503, %select_n3A_487 : vector<16xi1>, vector<16xf32>
      %eq3A_591 = arith.constant 4 : i32
      %eq3A_592 = vector.broadcast %eq3A_591 : i32 to vector<16xi32>
      %eq3A_593 = arith.cmpi eq, %iota3A, %eq3A_592 : vector<16xi32>
      %select_n3A_594 = arith.select %eq3A_593, %broadcast_in_dim3A_554, %select_n3A_491 : vector<16xi1>, vector<16xi32>
      %max3A_595 = arith.maximumf %select_n3A_558, %select_n3A_562 : vector<16xf32>
      %max3A_596 = arith.maximumf %max3A_595, %select_n3A_566 : vector<16xf32>
      %max3A_597 = arith.maximumf %max3A_596, %select_n3A_570 : vector<16xf32>
      %max3A_598 = arith.maximumf %max3A_597, %select_n3A_574 : vector<16xf32>
      %max3A_599 = arith.maximumf %max3A_598, %select_n3A_578 : vector<16xf32>
      %max3A_600 = arith.maximumf %max3A_599, %select_n3A_582 : vector<16xf32>
      %max3A_601 = arith.maximumf %max3A_600, %select_n3A_586 : vector<16xf32>
      %reduce_max3A_602 = arith.constant true
      %reduce_max3A_603 = vector.broadcast %reduce_max3A_602 : i1 to vector<16xi1>
      %reduce_max3A_604 = tpu.scan <max>, %max3A_601 masked %reduce_max3A_603 : vector<16xf32>, vector<16xi1> -> vector<16xf32>
      %reduce_max3A_605 = vector.extract %reduce_max3A_604[15] : f32 from vector<16xf32>
      %broadcast_in_dim3A_606 = vector.broadcast %reduce_max3A_605 : f32 to vector<16xf32>
      %broadcast_in_dim3A_607 = arith.constant 2147483647 : i32
      %broadcast_in_dim3A_608 = vector.broadcast %broadcast_in_dim3A_607 : i32 to vector<16xi32>
      %ge3A_609 = arith.cmpf oge, %select_n3A_558, %broadcast_in_dim3A_606 : vector<16xf32>
      %jit3A_610 = arith.constant 2147483647 : i32
      %broadcast_in_dim3A_611 = vector.broadcast %jit3A_610 : i32 to vector<16xi32>
      %select_n3A_612 = arith.select %ge3A_609, %get3A_63, %broadcast_in_dim3A_611 : vector<16xi1>, vector<16xi32>
      %min3A_613 = arith.minsi %broadcast_in_dim3A_608, %select_n3A_612 : vector<16xi32>
      %ge3A_614 = arith.cmpf oge, %select_n3A_562, %broadcast_in_dim3A_606 : vector<16xf32>
      %jit3A_615 = arith.constant 2147483647 : i32
      %broadcast_in_dim3A_616 = vector.broadcast %jit3A_615 : i32 to vector<16xi32>
      %select_n3A_617 = arith.select %ge3A_614, %get3A_66, %broadcast_in_dim3A_616 : vector<16xi1>, vector<16xi32>
      %min3A_618 = arith.minsi %min3A_613, %select_n3A_617 : vector<16xi32>
      %ge3A_619 = arith.cmpf oge, %select_n3A_566, %broadcast_in_dim3A_606 : vector<16xf32>
      %jit3A_620 = arith.constant 2147483647 : i32
      %broadcast_in_dim3A_621 = vector.broadcast %jit3A_620 : i32 to vector<16xi32>
      %select_n3A_622 = arith.select %ge3A_619, %get3A_69, %broadcast_in_dim3A_621 : vector<16xi1>, vector<16xi32>
      %min3A_623 = arith.minsi %min3A_618, %select_n3A_622 : vector<16xi32>
      %ge3A_624 = arith.cmpf oge, %select_n3A_570, %broadcast_in_dim3A_606 : vector<16xf32>
      %jit3A_625 = arith.constant 2147483647 : i32
      %broadcast_in_dim3A_626 = vector.broadcast %jit3A_625 : i32 to vector<16xi32>
      %select_n3A_627 = arith.select %ge3A_624, %get3A_72, %broadcast_in_dim3A_626 : vector<16xi1>, vector<16xi32>
      %min3A_628 = arith.minsi %min3A_623, %select_n3A_627 : vector<16xi32>
      %ge3A_629 = arith.cmpf oge, %select_n3A_574, %broadcast_in_dim3A_606 : vector<16xf32>
      %jit3A_630 = arith.constant 2147483647 : i32
      %broadcast_in_dim3A_631 = vector.broadcast %jit3A_630 : i32 to vector<16xi32>
      %select_n3A_632 = arith.select %ge3A_629, %get3A_75, %broadcast_in_dim3A_631 : vector<16xi1>, vector<16xi32>
      %min3A_633 = arith.minsi %min3A_628, %select_n3A_632 : vector<16xi32>
      %ge3A_634 = arith.cmpf oge, %select_n3A_578, %broadcast_in_dim3A_606 : vector<16xf32>
      %jit3A_635 = arith.constant 2147483647 : i32
      %broadcast_in_dim3A_636 = vector.broadcast %jit3A_635 : i32 to vector<16xi32>
      %select_n3A_637 = arith.select %ge3A_634, %get3A_78, %broadcast_in_dim3A_636 : vector<16xi1>, vector<16xi32>
      %min3A_638 = arith.minsi %min3A_633, %select_n3A_637 : vector<16xi32>
      %ge3A_639 = arith.cmpf oge, %select_n3A_582, %broadcast_in_dim3A_606 : vector<16xf32>
      %jit3A_640 = arith.constant 2147483647 : i32
      %broadcast_in_dim3A_641 = vector.broadcast %jit3A_640 : i32 to vector<16xi32>
      %select_n3A_642 = arith.select %ge3A_639, %get3A_81, %broadcast_in_dim3A_641 : vector<16xi1>, vector<16xi32>
      %min3A_643 = arith.minsi %min3A_638, %select_n3A_642 : vector<16xi32>
      %ge3A_644 = arith.cmpf oge, %select_n3A_586, %broadcast_in_dim3A_606 : vector<16xf32>
      %jit3A_645 = arith.constant 2147483647 : i32
      %broadcast_in_dim3A_646 = vector.broadcast %jit3A_645 : i32 to vector<16xi32>
      %select_n3A_647 = arith.select %ge3A_644, %get3A_84, %broadcast_in_dim3A_646 : vector<16xi1>, vector<16xi32>
      %min3A_648 = arith.minsi %min3A_643, %select_n3A_647 : vector<16xi32>
      %reduce_min3A_649 = arith.constant true
      %reduce_min3A_650 = vector.broadcast %reduce_min3A_649 : i1 to vector<16xi1>
      %reduce_min3A_651 = arith.constant -2147483648 : i32
      %reduce_min3A_652 = vector.broadcast %reduce_min3A_651 : i32 to vector<16xi32>
      %reduce_min3A_653 = arith.xori %min3A_648, %reduce_min3A_652 : vector<16xi32>
      %reduce_min3A_654 = tpu.scan <min>, %reduce_min3A_653 masked %reduce_min3A_650 : vector<16xi32>, vector<16xi1> -> vector<16xi32>
      %reduce_min3A_655 = arith.xori %reduce_min3A_654, %reduce_min3A_652 : vector<16xi32>
      %reduce_min3A_656 = vector.extract %reduce_min3A_655[15] : i32 from vector<16xi32>
      %broadcast_in_dim3A_657 = vector.broadcast %reduce_min3A_656 : i32 to vector<16xi32>
      %eq3A_658 = arith.cmpi eq, %get3A_63, %broadcast_in_dim3A_657 : vector<16xi32>
      %jit3A_659 = arith.constant -3.400000e+38 : f32
      %broadcast_in_dim3A_660 = vector.broadcast %jit3A_659 : f32 to vector<16xf32>
      %select_n3A_661 = arith.select %eq3A_658, %broadcast_in_dim3A_660, %select_n3A_558 : vector<16xi1>, vector<16xf32>
      %eq3A_662 = arith.cmpi eq, %get3A_66, %broadcast_in_dim3A_657 : vector<16xi32>
      %jit3A_663 = arith.constant -3.400000e+38 : f32
      %broadcast_in_dim3A_664 = vector.broadcast %jit3A_663 : f32 to vector<16xf32>
      %select_n3A_665 = arith.select %eq3A_662, %broadcast_in_dim3A_664, %select_n3A_562 : vector<16xi1>, vector<16xf32>
      %eq3A_666 = arith.cmpi eq, %get3A_69, %broadcast_in_dim3A_657 : vector<16xi32>
      %jit3A_667 = arith.constant -3.400000e+38 : f32
      %broadcast_in_dim3A_668 = vector.broadcast %jit3A_667 : f32 to vector<16xf32>
      %select_n3A_669 = arith.select %eq3A_666, %broadcast_in_dim3A_668, %select_n3A_566 : vector<16xi1>, vector<16xf32>
      %eq3A_670 = arith.cmpi eq, %get3A_72, %broadcast_in_dim3A_657 : vector<16xi32>
      %jit3A_671 = arith.constant -3.400000e+38 : f32
      %broadcast_in_dim3A_672 = vector.broadcast %jit3A_671 : f32 to vector<16xf32>
      %select_n3A_673 = arith.select %eq3A_670, %broadcast_in_dim3A_672, %select_n3A_570 : vector<16xi1>, vector<16xf32>
      %eq3A_674 = arith.cmpi eq, %get3A_75, %broadcast_in_dim3A_657 : vector<16xi32>
      %jit3A_675 = arith.constant -3.400000e+38 : f32
      %broadcast_in_dim3A_676 = vector.broadcast %jit3A_675 : f32 to vector<16xf32>
      %select_n3A_677 = arith.select %eq3A_674, %broadcast_in_dim3A_676, %select_n3A_574 : vector<16xi1>, vector<16xf32>
      %eq3A_678 = arith.cmpi eq, %get3A_78, %broadcast_in_dim3A_657 : vector<16xi32>
      %jit3A_679 = arith.constant -3.400000e+38 : f32
      %broadcast_in_dim3A_680 = vector.broadcast %jit3A_679 : f32 to vector<16xf32>
      %select_n3A_681 = arith.select %eq3A_678, %broadcast_in_dim3A_680, %select_n3A_578 : vector<16xi1>, vector<16xf32>
      %eq3A_682 = arith.cmpi eq, %get3A_81, %broadcast_in_dim3A_657 : vector<16xi32>
      %jit3A_683 = arith.constant -3.400000e+38 : f32
      %broadcast_in_dim3A_684 = vector.broadcast %jit3A_683 : f32 to vector<16xf32>
      %select_n3A_685 = arith.select %eq3A_682, %broadcast_in_dim3A_684, %select_n3A_582 : vector<16xi1>, vector<16xf32>
      %eq3A_686 = arith.cmpi eq, %get3A_84, %broadcast_in_dim3A_657 : vector<16xi32>
      %jit3A_687 = arith.constant -3.400000e+38 : f32
      %broadcast_in_dim3A_688 = vector.broadcast %jit3A_687 : f32 to vector<16xf32>
      %select_n3A_689 = arith.select %eq3A_686, %broadcast_in_dim3A_688, %select_n3A_586 : vector<16xi1>, vector<16xf32>
      %eq3A_690 = arith.constant 5 : i32
      %eq3A_691 = vector.broadcast %eq3A_690 : i32 to vector<16xi32>
      %eq3A_692 = arith.cmpi eq, %iota3A, %eq3A_691 : vector<16xi32>
      %select_n3A_693 = arith.select %eq3A_692, %broadcast_in_dim3A_606, %select_n3A_590 : vector<16xi1>, vector<16xf32>
      %eq3A_694 = arith.constant 5 : i32
      %eq3A_695 = vector.broadcast %eq3A_694 : i32 to vector<16xi32>
      %eq3A_696 = arith.cmpi eq, %iota3A, %eq3A_695 : vector<16xi32>
      %select_n3A_697 = arith.select %eq3A_696, %broadcast_in_dim3A_657, %select_n3A_594 : vector<16xi1>, vector<16xi32>
      %max3A_698 = arith.maximumf %select_n3A_661, %select_n3A_665 : vector<16xf32>
      %max3A_699 = arith.maximumf %max3A_698, %select_n3A_669 : vector<16xf32>
      %max3A_700 = arith.maximumf %max3A_699, %select_n3A_673 : vector<16xf32>
      %max3A_701 = arith.maximumf %max3A_700, %select_n3A_677 : vector<16xf32>
      %max3A_702 = arith.maximumf %max3A_701, %select_n3A_681 : vector<16xf32>
      %max3A_703 = arith.maximumf %max3A_702, %select_n3A_685 : vector<16xf32>
      %max3A_704 = arith.maximumf %max3A_703, %select_n3A_689 : vector<16xf32>
      %reduce_max3A_705 = arith.constant true
      %reduce_max3A_706 = vector.broadcast %reduce_max3A_705 : i1 to vector<16xi1>
      %reduce_max3A_707 = tpu.scan <max>, %max3A_704 masked %reduce_max3A_706 : vector<16xf32>, vector<16xi1> -> vector<16xf32>
      %reduce_max3A_708 = vector.extract %reduce_max3A_707[15] : f32 from vector<16xf32>
      %broadcast_in_dim3A_709 = vector.broadcast %reduce_max3A_708 : f32 to vector<16xf32>
      %broadcast_in_dim3A_710 = arith.constant 2147483647 : i32
      %broadcast_in_dim3A_711 = vector.broadcast %broadcast_in_dim3A_710 : i32 to vector<16xi32>
      %ge3A_712 = arith.cmpf oge, %select_n3A_661, %broadcast_in_dim3A_709 : vector<16xf32>
      %jit3A_713 = arith.constant 2147483647 : i32
      %broadcast_in_dim3A_714 = vector.broadcast %jit3A_713 : i32 to vector<16xi32>
      %select_n3A_715 = arith.select %ge3A_712, %get3A_63, %broadcast_in_dim3A_714 : vector<16xi1>, vector<16xi32>
      %min3A_716 = arith.minsi %broadcast_in_dim3A_711, %select_n3A_715 : vector<16xi32>
      %ge3A_717 = arith.cmpf oge, %select_n3A_665, %broadcast_in_dim3A_709 : vector<16xf32>
      %jit3A_718 = arith.constant 2147483647 : i32
      %broadcast_in_dim3A_719 = vector.broadcast %jit3A_718 : i32 to vector<16xi32>
      %select_n3A_720 = arith.select %ge3A_717, %get3A_66, %broadcast_in_dim3A_719 : vector<16xi1>, vector<16xi32>
      %min3A_721 = arith.minsi %min3A_716, %select_n3A_720 : vector<16xi32>
      %ge3A_722 = arith.cmpf oge, %select_n3A_669, %broadcast_in_dim3A_709 : vector<16xf32>
      %jit3A_723 = arith.constant 2147483647 : i32
      %broadcast_in_dim3A_724 = vector.broadcast %jit3A_723 : i32 to vector<16xi32>
      %select_n3A_725 = arith.select %ge3A_722, %get3A_69, %broadcast_in_dim3A_724 : vector<16xi1>, vector<16xi32>
      %min3A_726 = arith.minsi %min3A_721, %select_n3A_725 : vector<16xi32>
      %ge3A_727 = arith.cmpf oge, %select_n3A_673, %broadcast_in_dim3A_709 : vector<16xf32>
      %jit3A_728 = arith.constant 2147483647 : i32
      %broadcast_in_dim3A_729 = vector.broadcast %jit3A_728 : i32 to vector<16xi32>
      %select_n3A_730 = arith.select %ge3A_727, %get3A_72, %broadcast_in_dim3A_729 : vector<16xi1>, vector<16xi32>
      %min3A_731 = arith.minsi %min3A_726, %select_n3A_730 : vector<16xi32>
      %ge3A_732 = arith.cmpf oge, %select_n3A_677, %broadcast_in_dim3A_709 : vector<16xf32>
      %jit3A_733 = arith.constant 2147483647 : i32
      %broadcast_in_dim3A_734 = vector.broadcast %jit3A_733 : i32 to vector<16xi32>
      %select_n3A_735 = arith.select %ge3A_732, %get3A_75, %broadcast_in_dim3A_734 : vector<16xi1>, vector<16xi32>
      %min3A_736 = arith.minsi %min3A_731, %select_n3A_735 : vector<16xi32>
      %ge3A_737 = arith.cmpf oge, %select_n3A_681, %broadcast_in_dim3A_709 : vector<16xf32>
      %jit3A_738 = arith.constant 2147483647 : i32
      %broadcast_in_dim3A_739 = vector.broadcast %jit3A_738 : i32 to vector<16xi32>
      %select_n3A_740 = arith.select %ge3A_737, %get3A_78, %broadcast_in_dim3A_739 : vector<16xi1>, vector<16xi32>
      %min3A_741 = arith.minsi %min3A_736, %select_n3A_740 : vector<16xi32>
      %ge3A_742 = arith.cmpf oge, %select_n3A_685, %broadcast_in_dim3A_709 : vector<16xf32>
      %jit3A_743 = arith.constant 2147483647 : i32
      %broadcast_in_dim3A_744 = vector.broadcast %jit3A_743 : i32 to vector<16xi32>
      %select_n3A_745 = arith.select %ge3A_742, %get3A_81, %broadcast_in_dim3A_744 : vector<16xi1>, vector<16xi32>
      %min3A_746 = arith.minsi %min3A_741, %select_n3A_745 : vector<16xi32>
      %ge3A_747 = arith.cmpf oge, %select_n3A_689, %broadcast_in_dim3A_709 : vector<16xf32>
      %jit3A_748 = arith.constant 2147483647 : i32
      %broadcast_in_dim3A_749 = vector.broadcast %jit3A_748 : i32 to vector<16xi32>
      %select_n3A_750 = arith.select %ge3A_747, %get3A_84, %broadcast_in_dim3A_749 : vector<16xi1>, vector<16xi32>
      %min3A_751 = arith.minsi %min3A_746, %select_n3A_750 : vector<16xi32>
      %reduce_min3A_752 = arith.constant true
      %reduce_min3A_753 = vector.broadcast %reduce_min3A_752 : i1 to vector<16xi1>
      %reduce_min3A_754 = arith.constant -2147483648 : i32
      %reduce_min3A_755 = vector.broadcast %reduce_min3A_754 : i32 to vector<16xi32>
      %reduce_min3A_756 = arith.xori %min3A_751, %reduce_min3A_755 : vector<16xi32>
      %reduce_min3A_757 = tpu.scan <min>, %reduce_min3A_756 masked %reduce_min3A_753 : vector<16xi32>, vector<16xi1> -> vector<16xi32>
      %reduce_min3A_758 = arith.xori %reduce_min3A_757, %reduce_min3A_755 : vector<16xi32>
      %reduce_min3A_759 = vector.extract %reduce_min3A_758[15] : i32 from vector<16xi32>
      %broadcast_in_dim3A_760 = vector.broadcast %reduce_min3A_759 : i32 to vector<16xi32>
      %eq3A_761 = arith.cmpi eq, %get3A_63, %broadcast_in_dim3A_760 : vector<16xi32>
      %jit3A_762 = arith.constant -3.400000e+38 : f32
      %broadcast_in_dim3A_763 = vector.broadcast %jit3A_762 : f32 to vector<16xf32>
      %select_n3A_764 = arith.select %eq3A_761, %broadcast_in_dim3A_763, %select_n3A_661 : vector<16xi1>, vector<16xf32>
      %eq3A_765 = arith.cmpi eq, %get3A_66, %broadcast_in_dim3A_760 : vector<16xi32>
      %jit3A_766 = arith.constant -3.400000e+38 : f32
      %broadcast_in_dim3A_767 = vector.broadcast %jit3A_766 : f32 to vector<16xf32>
      %select_n3A_768 = arith.select %eq3A_765, %broadcast_in_dim3A_767, %select_n3A_665 : vector<16xi1>, vector<16xf32>
      %eq3A_769 = arith.cmpi eq, %get3A_69, %broadcast_in_dim3A_760 : vector<16xi32>
      %jit3A_770 = arith.constant -3.400000e+38 : f32
      %broadcast_in_dim3A_771 = vector.broadcast %jit3A_770 : f32 to vector<16xf32>
      %select_n3A_772 = arith.select %eq3A_769, %broadcast_in_dim3A_771, %select_n3A_669 : vector<16xi1>, vector<16xf32>
      %eq3A_773 = arith.cmpi eq, %get3A_72, %broadcast_in_dim3A_760 : vector<16xi32>
      %jit3A_774 = arith.constant -3.400000e+38 : f32
      %broadcast_in_dim3A_775 = vector.broadcast %jit3A_774 : f32 to vector<16xf32>
      %select_n3A_776 = arith.select %eq3A_773, %broadcast_in_dim3A_775, %select_n3A_673 : vector<16xi1>, vector<16xf32>
      %eq3A_777 = arith.cmpi eq, %get3A_75, %broadcast_in_dim3A_760 : vector<16xi32>
      %jit3A_778 = arith.constant -3.400000e+38 : f32
      %broadcast_in_dim3A_779 = vector.broadcast %jit3A_778 : f32 to vector<16xf32>
      %select_n3A_780 = arith.select %eq3A_777, %broadcast_in_dim3A_779, %select_n3A_677 : vector<16xi1>, vector<16xf32>
      %eq3A_781 = arith.cmpi eq, %get3A_78, %broadcast_in_dim3A_760 : vector<16xi32>
      %jit3A_782 = arith.constant -3.400000e+38 : f32
      %broadcast_in_dim3A_783 = vector.broadcast %jit3A_782 : f32 to vector<16xf32>
      %select_n3A_784 = arith.select %eq3A_781, %broadcast_in_dim3A_783, %select_n3A_681 : vector<16xi1>, vector<16xf32>
      %eq3A_785 = arith.cmpi eq, %get3A_81, %broadcast_in_dim3A_760 : vector<16xi32>
      %jit3A_786 = arith.constant -3.400000e+38 : f32
      %broadcast_in_dim3A_787 = vector.broadcast %jit3A_786 : f32 to vector<16xf32>
      %select_n3A_788 = arith.select %eq3A_785, %broadcast_in_dim3A_787, %select_n3A_685 : vector<16xi1>, vector<16xf32>
      %eq3A_789 = arith.cmpi eq, %get3A_84, %broadcast_in_dim3A_760 : vector<16xi32>
      %jit3A_790 = arith.constant -3.400000e+38 : f32
      %broadcast_in_dim3A_791 = vector.broadcast %jit3A_790 : f32 to vector<16xf32>
      %select_n3A_792 = arith.select %eq3A_789, %broadcast_in_dim3A_791, %select_n3A_689 : vector<16xi1>, vector<16xf32>
      %eq3A_793 = arith.constant 6 : i32
      %eq3A_794 = vector.broadcast %eq3A_793 : i32 to vector<16xi32>
      %eq3A_795 = arith.cmpi eq, %iota3A, %eq3A_794 : vector<16xi32>
      %select_n3A_796 = arith.select %eq3A_795, %broadcast_in_dim3A_709, %select_n3A_693 : vector<16xi1>, vector<16xf32>
      %eq3A_797 = arith.constant 6 : i32
      %eq3A_798 = vector.broadcast %eq3A_797 : i32 to vector<16xi32>
      %eq3A_799 = arith.cmpi eq, %iota3A, %eq3A_798 : vector<16xi32>
      %select_n3A_800 = arith.select %eq3A_799, %broadcast_in_dim3A_760, %select_n3A_697 : vector<16xi1>, vector<16xi32>
      %max3A_801 = arith.maximumf %select_n3A_764, %select_n3A_768 : vector<16xf32>
      %max3A_802 = arith.maximumf %max3A_801, %select_n3A_772 : vector<16xf32>
      %max3A_803 = arith.maximumf %max3A_802, %select_n3A_776 : vector<16xf32>
      %max3A_804 = arith.maximumf %max3A_803, %select_n3A_780 : vector<16xf32>
      %max3A_805 = arith.maximumf %max3A_804, %select_n3A_784 : vector<16xf32>
      %max3A_806 = arith.maximumf %max3A_805, %select_n3A_788 : vector<16xf32>
      %max3A_807 = arith.maximumf %max3A_806, %select_n3A_792 : vector<16xf32>
      %reduce_max3A_808 = arith.constant true
      %reduce_max3A_809 = vector.broadcast %reduce_max3A_808 : i1 to vector<16xi1>
      %reduce_max3A_810 = tpu.scan <max>, %max3A_807 masked %reduce_max3A_809 : vector<16xf32>, vector<16xi1> -> vector<16xf32>
      %reduce_max3A_811 = vector.extract %reduce_max3A_810[15] : f32 from vector<16xf32>
      %broadcast_in_dim3A_812 = vector.broadcast %reduce_max3A_811 : f32 to vector<16xf32>
      %broadcast_in_dim3A_813 = arith.constant 2147483647 : i32
      %broadcast_in_dim3A_814 = vector.broadcast %broadcast_in_dim3A_813 : i32 to vector<16xi32>
      %ge3A_815 = arith.cmpf oge, %select_n3A_764, %broadcast_in_dim3A_812 : vector<16xf32>
      %jit3A_816 = arith.constant 2147483647 : i32
      %broadcast_in_dim3A_817 = vector.broadcast %jit3A_816 : i32 to vector<16xi32>
      %select_n3A_818 = arith.select %ge3A_815, %get3A_63, %broadcast_in_dim3A_817 : vector<16xi1>, vector<16xi32>
      %min3A_819 = arith.minsi %broadcast_in_dim3A_814, %select_n3A_818 : vector<16xi32>
      %ge3A_820 = arith.cmpf oge, %select_n3A_768, %broadcast_in_dim3A_812 : vector<16xf32>
      %jit3A_821 = arith.constant 2147483647 : i32
      %broadcast_in_dim3A_822 = vector.broadcast %jit3A_821 : i32 to vector<16xi32>
      %select_n3A_823 = arith.select %ge3A_820, %get3A_66, %broadcast_in_dim3A_822 : vector<16xi1>, vector<16xi32>
      %min3A_824 = arith.minsi %min3A_819, %select_n3A_823 : vector<16xi32>
      %ge3A_825 = arith.cmpf oge, %select_n3A_772, %broadcast_in_dim3A_812 : vector<16xf32>
      %jit3A_826 = arith.constant 2147483647 : i32
      %broadcast_in_dim3A_827 = vector.broadcast %jit3A_826 : i32 to vector<16xi32>
      %select_n3A_828 = arith.select %ge3A_825, %get3A_69, %broadcast_in_dim3A_827 : vector<16xi1>, vector<16xi32>
      %min3A_829 = arith.minsi %min3A_824, %select_n3A_828 : vector<16xi32>
      %ge3A_830 = arith.cmpf oge, %select_n3A_776, %broadcast_in_dim3A_812 : vector<16xf32>
      %jit3A_831 = arith.constant 2147483647 : i32
      %broadcast_in_dim3A_832 = vector.broadcast %jit3A_831 : i32 to vector<16xi32>
      %select_n3A_833 = arith.select %ge3A_830, %get3A_72, %broadcast_in_dim3A_832 : vector<16xi1>, vector<16xi32>
      %min3A_834 = arith.minsi %min3A_829, %select_n3A_833 : vector<16xi32>
      %ge3A_835 = arith.cmpf oge, %select_n3A_780, %broadcast_in_dim3A_812 : vector<16xf32>
      %jit3A_836 = arith.constant 2147483647 : i32
      %broadcast_in_dim3A_837 = vector.broadcast %jit3A_836 : i32 to vector<16xi32>
      %select_n3A_838 = arith.select %ge3A_835, %get3A_75, %broadcast_in_dim3A_837 : vector<16xi1>, vector<16xi32>
      %min3A_839 = arith.minsi %min3A_834, %select_n3A_838 : vector<16xi32>
      %ge3A_840 = arith.cmpf oge, %select_n3A_784, %broadcast_in_dim3A_812 : vector<16xf32>
      %jit3A_841 = arith.constant 2147483647 : i32
      %broadcast_in_dim3A_842 = vector.broadcast %jit3A_841 : i32 to vector<16xi32>
      %select_n3A_843 = arith.select %ge3A_840, %get3A_78, %broadcast_in_dim3A_842 : vector<16xi1>, vector<16xi32>
      %min3A_844 = arith.minsi %min3A_839, %select_n3A_843 : vector<16xi32>
      %ge3A_845 = arith.cmpf oge, %select_n3A_788, %broadcast_in_dim3A_812 : vector<16xf32>
      %jit3A_846 = arith.constant 2147483647 : i32
      %broadcast_in_dim3A_847 = vector.broadcast %jit3A_846 : i32 to vector<16xi32>
      %select_n3A_848 = arith.select %ge3A_845, %get3A_81, %broadcast_in_dim3A_847 : vector<16xi1>, vector<16xi32>
      %min3A_849 = arith.minsi %min3A_844, %select_n3A_848 : vector<16xi32>
      %ge3A_850 = arith.cmpf oge, %select_n3A_792, %broadcast_in_dim3A_812 : vector<16xf32>
      %jit3A_851 = arith.constant 2147483647 : i32
      %broadcast_in_dim3A_852 = vector.broadcast %jit3A_851 : i32 to vector<16xi32>
      %select_n3A_853 = arith.select %ge3A_850, %get3A_84, %broadcast_in_dim3A_852 : vector<16xi1>, vector<16xi32>
      %min3A_854 = arith.minsi %min3A_849, %select_n3A_853 : vector<16xi32>
      %reduce_min3A_855 = arith.constant true
      %reduce_min3A_856 = vector.broadcast %reduce_min3A_855 : i1 to vector<16xi1>
      %reduce_min3A_857 = arith.constant -2147483648 : i32
      %reduce_min3A_858 = vector.broadcast %reduce_min3A_857 : i32 to vector<16xi32>
      %reduce_min3A_859 = arith.xori %min3A_854, %reduce_min3A_858 : vector<16xi32>
      %reduce_min3A_860 = tpu.scan <min>, %reduce_min3A_859 masked %reduce_min3A_856 : vector<16xi32>, vector<16xi1> -> vector<16xi32>
      %reduce_min3A_861 = arith.xori %reduce_min3A_860, %reduce_min3A_858 : vector<16xi32>
      %reduce_min3A_862 = vector.extract %reduce_min3A_861[15] : i32 from vector<16xi32>
      %broadcast_in_dim3A_863 = vector.broadcast %reduce_min3A_862 : i32 to vector<16xi32>
      %eq3A_864 = arith.cmpi eq, %get3A_63, %broadcast_in_dim3A_863 : vector<16xi32>
      %jit3A_865 = arith.constant -3.400000e+38 : f32
      %broadcast_in_dim3A_866 = vector.broadcast %jit3A_865 : f32 to vector<16xf32>
      %select_n3A_867 = arith.select %eq3A_864, %broadcast_in_dim3A_866, %select_n3A_764 : vector<16xi1>, vector<16xf32>
      %eq3A_868 = arith.cmpi eq, %get3A_66, %broadcast_in_dim3A_863 : vector<16xi32>
      %jit3A_869 = arith.constant -3.400000e+38 : f32
      %broadcast_in_dim3A_870 = vector.broadcast %jit3A_869 : f32 to vector<16xf32>
      %select_n3A_871 = arith.select %eq3A_868, %broadcast_in_dim3A_870, %select_n3A_768 : vector<16xi1>, vector<16xf32>
      %eq3A_872 = arith.cmpi eq, %get3A_69, %broadcast_in_dim3A_863 : vector<16xi32>
      %jit3A_873 = arith.constant -3.400000e+38 : f32
      %broadcast_in_dim3A_874 = vector.broadcast %jit3A_873 : f32 to vector<16xf32>
      %select_n3A_875 = arith.select %eq3A_872, %broadcast_in_dim3A_874, %select_n3A_772 : vector<16xi1>, vector<16xf32>
      %eq3A_876 = arith.cmpi eq, %get3A_72, %broadcast_in_dim3A_863 : vector<16xi32>
      %jit3A_877 = arith.constant -3.400000e+38 : f32
      %broadcast_in_dim3A_878 = vector.broadcast %jit3A_877 : f32 to vector<16xf32>
      %select_n3A_879 = arith.select %eq3A_876, %broadcast_in_dim3A_878, %select_n3A_776 : vector<16xi1>, vector<16xf32>
      %eq3A_880 = arith.cmpi eq, %get3A_75, %broadcast_in_dim3A_863 : vector<16xi32>
      %jit3A_881 = arith.constant -3.400000e+38 : f32
      %broadcast_in_dim3A_882 = vector.broadcast %jit3A_881 : f32 to vector<16xf32>
      %select_n3A_883 = arith.select %eq3A_880, %broadcast_in_dim3A_882, %select_n3A_780 : vector<16xi1>, vector<16xf32>
      %eq3A_884 = arith.cmpi eq, %get3A_78, %broadcast_in_dim3A_863 : vector<16xi32>
      %jit3A_885 = arith.constant -3.400000e+38 : f32
      %broadcast_in_dim3A_886 = vector.broadcast %jit3A_885 : f32 to vector<16xf32>
      %select_n3A_887 = arith.select %eq3A_884, %broadcast_in_dim3A_886, %select_n3A_784 : vector<16xi1>, vector<16xf32>
      %eq3A_888 = arith.cmpi eq, %get3A_81, %broadcast_in_dim3A_863 : vector<16xi32>
      %jit3A_889 = arith.constant -3.400000e+38 : f32
      %broadcast_in_dim3A_890 = vector.broadcast %jit3A_889 : f32 to vector<16xf32>
      %select_n3A_891 = arith.select %eq3A_888, %broadcast_in_dim3A_890, %select_n3A_788 : vector<16xi1>, vector<16xf32>
      %eq3A_892 = arith.cmpi eq, %get3A_84, %broadcast_in_dim3A_863 : vector<16xi32>
      %jit3A_893 = arith.constant -3.400000e+38 : f32
      %broadcast_in_dim3A_894 = vector.broadcast %jit3A_893 : f32 to vector<16xf32>
      %select_n3A_895 = arith.select %eq3A_892, %broadcast_in_dim3A_894, %select_n3A_792 : vector<16xi1>, vector<16xf32>
      %eq3A_896 = arith.constant 7 : i32
      %eq3A_897 = vector.broadcast %eq3A_896 : i32 to vector<16xi32>
      %eq3A_898 = arith.cmpi eq, %iota3A, %eq3A_897 : vector<16xi32>
      %select_n3A_899 = arith.select %eq3A_898, %broadcast_in_dim3A_812, %select_n3A_796 : vector<16xi1>, vector<16xf32>
      %eq3A_900 = arith.constant 7 : i32
      %eq3A_901 = vector.broadcast %eq3A_900 : i32 to vector<16xi32>
      %eq3A_902 = arith.cmpi eq, %iota3A, %eq3A_901 : vector<16xi32>
      %select_n3A_903 = arith.select %eq3A_902, %broadcast_in_dim3A_863, %select_n3A_800 : vector<16xi1>, vector<16xi32>
      %lt3A = arith.constant 8 : i32
      %lt3A_904 = vector.broadcast %lt3A : i32 to vector<16xi32>
      %lt3A_905 = arith.cmpi slt, %iota3A, %lt3A_904 : vector<16xi32>
      %jit3A_906 = arith.constant -3.400000e+38 : f32
      %broadcast_in_dim3A_907 = vector.broadcast %jit3A_906 : f32 to vector<16xf32>
      %select_n3A_908 = arith.select %lt3A_905, %select_n3A_899, %broadcast_in_dim3A_907 : vector<16xi1>, vector<16xf32>
      %reduce_max3A_909 = arith.constant true
      %reduce_max3A_910 = vector.broadcast %reduce_max3A_909 : i1 to vector<16xi1>
      %reduce_max3A_911 = tpu.scan <max>, %select_n3A_908 masked %reduce_max3A_910 : vector<16xf32>, vector<16xi1> -> vector<16xf32>
      %reduce_max3A_912 = vector.extract %reduce_max3A_911[15] : f32 from vector<16xf32>
      %broadcast_in_dim3A_913 = vector.broadcast %reduce_max3A_912 : f32 to vector<16xf32>
      %sub3A = arith.subf %select_n3A_899, %broadcast_in_dim3A_913 : vector<16xf32>
      %exp3A = math.exp %sub3A : vector<16xf32>
      %lt3A_914 = arith.constant 8 : i32
      %lt3A_915 = vector.broadcast %lt3A_914 : i32 to vector<16xi32>
      %lt3A_916 = arith.cmpi slt, %iota3A, %lt3A_915 : vector<16xi32>
      %jit3A_917 = arith.constant 0.000000e+00 : f32
      %broadcast_in_dim3A_918 = vector.broadcast %jit3A_917 : f32 to vector<16xf32>
      %select_n3A_919 = arith.select %lt3A_916, %exp3A, %broadcast_in_dim3A_918 : vector<16xi1>, vector<16xf32>
      %reduce_sum3A = arith.constant true
      %reduce_sum3A_920 = vector.broadcast %reduce_sum3A : i1 to vector<16xi1>
      %reduce_sum3A_921 = tpu.scan <sum>, %select_n3A_919 masked %reduce_sum3A_920 : vector<16xf32>, vector<16xi1> -> vector<16xf32>
      %reduce_sum3A_922 = vector.extract %reduce_sum3A_921[15] : f32 from vector<16xf32>
      %broadcast_in_dim3A_923 = vector.broadcast %reduce_sum3A_922 : f32 to vector<16xf32>
      %div3A = arith.divf %select_n3A_919, %broadcast_in_dim3A_923 : vector<16xf32>
      %swap3A = arith.index_cast %scan3A_37 : i32 to index
      %swap3A_924 = arith.constant 0 : index
      %swap3A_925 = tpu.vector_load %arg10[%swap3A, %swap3A_924] {strides = array<i32>} : memref<32x16xf32, #tpu.memory_space<vmem>>, vector<16xf32>,
      tpu.vector_store %arg10[%swap3A, %swap3A_924], %div3A {strides = array<i32>} : memref<32x16xf32, #tpu.memory_space<vmem>>, vector<16xf32>,
      %mul3A_926 = arith.constant 1000 : i32
      %mul3A_927 = vector.broadcast %mul3A_926 : i32 to vector<16xi32>
      %mul3A_928 = arith.muli %iota3A, %mul3A_927 : vector<16xi32>
      %add3A_929 = arith.constant 80000 : i32
      %add3A_930 = vector.broadcast %add3A_929 : i32 to vector<16xi32>
      %add3A_931 = arith.addi %add3A_930, %mul3A_928 : vector<16xi32>
      %mul3A_932 = arith.constant 31 : i32
      %mul3A_933 = arith.muli %scan3A_37, %mul3A_932 : i32
      %add3A_934 = vector.broadcast %mul3A_933 : i32 to vector<16xi32>
      %add3A_935 = arith.addi %add3A_931, %add3A_934 : vector<16xi32>
      %lt3A_936 = arith.constant 8 : i32
      %lt3A_937 = vector.broadcast %lt3A_936 : i32 to vector<16xi32>
      %lt3A_938 = arith.cmpi slt, %iota3A, %lt3A_937 : vector<16xi32>
      %select_n3A_939 = arith.select %lt3A_938, %select_n3A_903, %add3A_935 : vector<16xi1>, vector<16xi32>
      %swap3A_940 = arith.index_cast %scan3A_37 : i32 to index
      %swap3A_941 = arith.constant 0 : index
      %swap3A_942 = tpu.vector_load %arg11[%swap3A_940, %swap3A_941] {strides = array<i32>} : memref<32x16xi32, #tpu.memory_space<vmem>>, vector<16xi32>,
      tpu.vector_store %arg11[%swap3A_940, %swap3A_941], %select_n3A_939 {strides = array<i32>} : memref<32x16xi32, #tpu.memory_space<vmem>>, vector<16xi32>,
    }
    %scan3A_19 = arith.constant 32 : i32
    "tpu.trace_stop"() : () -> ()
    "tpu.trace_start"() <{level = 10 : i32, message = "p4_valgather"}> : () -> ()
    %scan3A_20 = arith.constant 0 : i32
    %scan3A_21 = arith.constant 32 : i32
    %scan3A_22 = arith.addi %scan3A_20, %scan3A_21 : i32
    %scan3A_23 = arith.constant 1 : i32
    scf.for %scan3A_37 = %scan3A_20 to %scan3A_22 step %scan3A_23  : i32 {
      %dma_start3A = arith.constant 0 : i32
      %dma_start3A_38 = arith.constant 0 : i32
      %dma_start3A_39 = tpu.memref_slice %arg12[%scan3A_37, %dma_start3A, %dma_start3A_38] : memref<32x16x64xf32, #tpu.memory_space<vmem>> -> memref<1x16x64xf32, #tpu.memory_space<vmem>>
      %dma_start3A_40 = tpu.memref_squeeze %dma_start3A_39 : memref<1x16x64xf32, #tpu.memory_space<vmem>> -> memref<16x64xf32, #tpu.memory_space<vmem>>
      %dma_start3A_41 = arith.constant 0 : i32
      %dma_start3A_42 = tpu.memref_slice %arg11[%scan3A_37, %dma_start3A_41] : memref<32x16xi32, #tpu.memory_space<vmem>> -> memref<1x16xi32, #tpu.memory_space<vmem>>
      %dma_start3A_43 = tpu.memref_squeeze %dma_start3A_42 : memref<1x16xi32, #tpu.memory_space<vmem>> -> memref<16xi32, #tpu.memory_space<vmem>>
      %dma_start3A_44 = arith.constant 0 : i32
      %dma_start3A_45 = arith.constant 0 : i32
      %dma_start3A_46 = tpu.memref_slice %arg4[%dma_start3A_44, %dma_start3A_45] : memref<100000x64xf32, #tpu.memory_space<hbm>> -> memref<100000x64xf32, #tpu.memory_space<hbm>>
      tpu.enqueue_indirect_dma source(%dma_start3A_46 : memref<100000x64xf32, #tpu.memory_space<hbm>>) target(%dma_start3A_40 : memref<16x64xf32, #tpu.memory_space<vmem>>) offsets(%dma_start3A_43 : memref<16xi32, #tpu.memory_space<vmem>>) semaphore(%arg14 : memref<!tpu.dma_semaphore, #tpu.memory_space<semaphore_mem>>)
    }
    %scan3A_24 = arith.constant 32 : i32
    %scan3A_25 = arith.constant 0 : i32
    %scan3A_26 = arith.constant 32 : i32
    %scan3A_27 = arith.addi %scan3A_25, %scan3A_26 : i32
    %scan3A_28 = arith.constant 1 : i32
    scf.for %scan3A_37 = %scan3A_25 to %scan3A_27 step %scan3A_28  : i32 {
      %dma_wait3A = arith.constant 0 : i32
      %dma_wait3A_38 = arith.constant 0 : i32
      %dma_wait3A_39 = tpu.memref_slice %arg12[%scan3A_37, %dma_wait3A, %dma_wait3A_38] : memref<32x16x64xf32, #tpu.memory_space<vmem>> -> memref<1x16x64xf32, #tpu.memory_space<vmem>>
      %dma_wait3A_40 = tpu.memref_squeeze %dma_wait3A_39 : memref<1x16x64xf32, #tpu.memory_space<vmem>> -> memref<16x64xf32, #tpu.memory_space<vmem>>
      %dma_wait3A_41 = arith.constant 0 : i32
      %dma_wait3A_42 = arith.constant 0 : i32
      %dma_wait3A_43 = tpu.memref_slice %arg4[%dma_wait3A_41, %dma_wait3A_42] : memref<100000x64xf32, #tpu.memory_space<hbm>> -> memref<16x64xf32, #tpu.memory_space<hbm>>
      %dma_wait3A_44 = arith.constant 0 : i32
      %dma_wait3A_45 = arith.constant 0 : i32
      %dma_wait3A_46 = tpu.memref_slice %arg12[%scan3A_37, %dma_wait3A_44, %dma_wait3A_45] : memref<32x16x64xf32, #tpu.memory_space<vmem>> -> memref<1x16x64xf32, #tpu.memory_space<vmem>>
      %dma_wait3A_47 = tpu.memref_squeeze %dma_wait3A_46 : memref<1x16x64xf32, #tpu.memory_space<vmem>> -> memref<16x64xf32, #tpu.memory_space<vmem>>
      %dma_wait3A_48 = arith.constant 0 : i32
      %dma_wait3A_49 = arith.constant 0 : i32
      %dma_wait3A_50 = tpu.memref_slice %arg4[%dma_wait3A_48, %dma_wait3A_49] : memref<100000x64xf32, #tpu.memory_space<hbm>> -> memref<16x64xf32, #tpu.memory_space<hbm>>
      tpu.wait_dma2 semaphore(%arg14 : memref<!tpu.dma_semaphore, #tpu.memory_space<semaphore_mem>>) src(%dma_wait3A_50 : memref<16x64xf32, #tpu.memory_space<hbm>>) dst(%dma_wait3A_47 : memref<16x64xf32, #tpu.memory_space<vmem>>)
    }
    %scan3A_29 = arith.constant 32 : i32
    "tpu.trace_stop"() : () -> ()
    "tpu.trace_start"() <{level = 10 : i32, message = "p5_wsum"}> : () -> ()
    %scan3A_30 = arith.constant 0 : i32
    %scan3A_31 = arith.constant 32 : i32
    %scan3A_32 = arith.addi %scan3A_30, %scan3A_31 : i32
    %scan3A_33 = arith.constant 1 : i32
    scf.for %scan3A_37 = %scan3A_30 to %scan3A_32 step %scan3A_33  : i32 {
      %get3A = arith.index_cast %scan3A_37 : i32 to index
      %get3A_38 = arith.constant 0 : index
      %get3A_39 = tpu.vector_load %arg10[%get3A, %get3A_38] {strides = array<i32>} : memref<32x16xf32, #tpu.memory_space<vmem>>, vector<16xf32>,
      %broadcast_in_dim3A = arith.constant 0.000000e+00 : f32
      %broadcast_in_dim3A_40 = vector.broadcast %broadcast_in_dim3A : f32 to vector<16xf32>
      %get3A_41 = arith.constant 0 : i32
      %get3A_42 = arith.index_cast %scan3A_37 : i32 to index
      %get3A_43 = arith.index_cast %get3A_41 : i32 to index
      %get3A_44 = arith.constant 0 : index
      %get3A_45 = tpu.vector_load %arg12[%get3A_42, %get3A_43, %get3A_44] {strides = array<i32>} : memref<32x16x64xf32, #tpu.memory_space<vmem>>, vector<16xf32>,
      %slice3A = vector.extract_strided_slice %get3A_39 {offsets = [0], sizes = [1], strides = [1]} : vector<16xf32> to vector<1xf32>
      %squeeze3A = vector.extract %slice3A[0] : f32 from vector<1xf32>
      %broadcast_in_dim3A_46 = vector.broadcast %squeeze3A : f32 to vector<16xf32>
      %mul3A_47 = arith.mulf %get3A_45, %broadcast_in_dim3A_46 : vector<16xf32>
      %add3A_48 = arith.addf %broadcast_in_dim3A_40, %mul3A_47 : vector<16xf32>
      %get3A_49 = arith.constant 1 : i32
      %get3A_50 = arith.index_cast %scan3A_37 : i32 to index
      %get3A_51 = arith.index_cast %get3A_49 : i32 to index
      %get3A_52 = arith.constant 0 : index
      %get3A_53 = tpu.vector_load %arg12[%get3A_50, %get3A_51, %get3A_52] {strides = array<i32>} : memref<32x16x64xf32, #tpu.memory_space<vmem>>, vector<16xf32>,
      %slice3A_54 = vector.extract_strided_slice %get3A_39 {offsets = [1], sizes = [1], strides = [1]} : vector<16xf32> to vector<1xf32>
      %squeeze3A_55 = vector.extract %slice3A_54[0] : f32 from vector<1xf32>
      %broadcast_in_dim3A_56 = vector.broadcast %squeeze3A_55 : f32 to vector<16xf32>
      %mul3A_57 = arith.mulf %get3A_53, %broadcast_in_dim3A_56 : vector<16xf32>
      %add3A_58 = arith.addf %add3A_48, %mul3A_57 : vector<16xf32>
      %get3A_59 = arith.constant 2 : i32
      %get3A_60 = arith.index_cast %scan3A_37 : i32 to index
      %get3A_61 = arith.index_cast %get3A_59 : i32 to index
      %get3A_62 = arith.constant 0 : index
      %get3A_63 = tpu.vector_load %arg12[%get3A_60, %get3A_61, %get3A_62] {strides = array<i32>} : memref<32x16x64xf32, #tpu.memory_space<vmem>>, vector<16xf32>,
      %slice3A_64 = vector.extract_strided_slice %get3A_39 {offsets = [2], sizes = [1], strides = [1]} : vector<16xf32> to vector<1xf32>
      %squeeze3A_65 = vector.extract %slice3A_64[0] : f32 from vector<1xf32>
      %broadcast_in_dim3A_66 = vector.broadcast %squeeze3A_65 : f32 to vector<16xf32>
      %mul3A_67 = arith.mulf %get3A_63, %broadcast_in_dim3A_66 : vector<16xf32>
      %add3A_68 = arith.addf %add3A_58, %mul3A_67 : vector<16xf32>
      %get3A_69 = arith.constant 3 : i32
      %get3A_70 = arith.index_cast %scan3A_37 : i32 to index
      %get3A_71 = arith.index_cast %get3A_69 : i32 to index
      %get3A_72 = arith.constant 0 : index
      %get3A_73 = tpu.vector_load %arg12[%get3A_70, %get3A_71, %get3A_72] {strides = array<i32>} : memref<32x16x64xf32, #tpu.memory_space<vmem>>, vector<16xf32>,
      %slice3A_74 = vector.extract_strided_slice %get3A_39 {offsets = [3], sizes = [1], strides = [1]} : vector<16xf32> to vector<1xf32>
      %squeeze3A_75 = vector.extract %slice3A_74[0] : f32 from vector<1xf32>
      %broadcast_in_dim3A_76 = vector.broadcast %squeeze3A_75 : f32 to vector<16xf32>
      %mul3A_77 = arith.mulf %get3A_73, %broadcast_in_dim3A_76 : vector<16xf32>
      %add3A_78 = arith.addf %add3A_68, %mul3A_77 : vector<16xf32>
      %get3A_79 = arith.constant 4 : i32
      %get3A_80 = arith.index_cast %scan3A_37 : i32 to index
      %get3A_81 = arith.index_cast %get3A_79 : i32 to index
      %get3A_82 = arith.constant 0 : index
      %get3A_83 = tpu.vector_load %arg12[%get3A_80, %get3A_81, %get3A_82] {strides = array<i32>} : memref<32x16x64xf32, #tpu.memory_space<vmem>>, vector<16xf32>,
      %slice3A_84 = vector.extract_strided_slice %get3A_39 {offsets = [4], sizes = [1], strides = [1]} : vector<16xf32> to vector<1xf32>
      %squeeze3A_85 = vector.extract %slice3A_84[0] : f32 from vector<1xf32>
      %broadcast_in_dim3A_86 = vector.broadcast %squeeze3A_85 : f32 to vector<16xf32>
      %mul3A_87 = arith.mulf %get3A_83, %broadcast_in_dim3A_86 : vector<16xf32>
      %add3A_88 = arith.addf %add3A_78, %mul3A_87 : vector<16xf32>
      %get3A_89 = arith.constant 5 : i32
      %get3A_90 = arith.index_cast %scan3A_37 : i32 to index
      %get3A_91 = arith.index_cast %get3A_89 : i32 to index
      %get3A_92 = arith.constant 0 : index
      %get3A_93 = tpu.vector_load %arg12[%get3A_90, %get3A_91, %get3A_92] {strides = array<i32>} : memref<32x16x64xf32, #tpu.memory_space<vmem>>, vector<16xf32>,
      %slice3A_94 = vector.extract_strided_slice %get3A_39 {offsets = [5], sizes = [1], strides = [1]} : vector<16xf32> to vector<1xf32>
      %squeeze3A_95 = vector.extract %slice3A_94[0] : f32 from vector<1xf32>
      %broadcast_in_dim3A_96 = vector.broadcast %squeeze3A_95 : f32 to vector<16xf32>
      %mul3A_97 = arith.mulf %get3A_93, %broadcast_in_dim3A_96 : vector<16xf32>
      %add3A_98 = arith.addf %add3A_88, %mul3A_97 : vector<16xf32>
      %get3A_99 = arith.constant 6 : i32
      %get3A_100 = arith.index_cast %scan3A_37 : i32 to index
      %get3A_101 = arith.index_cast %get3A_99 : i32 to index
      %get3A_102 = arith.constant 0 : index
      %get3A_103 = tpu.vector_load %arg12[%get3A_100, %get3A_101, %get3A_102] {strides = array<i32>} : memref<32x16x64xf32, #tpu.memory_space<vmem>>, vector<16xf32>,
      %slice3A_104 = vector.extract_strided_slice %get3A_39 {offsets = [6], sizes = [1], strides = [1]} : vector<16xf32> to vector<1xf32>
      %squeeze3A_105 = vector.extract %slice3A_104[0] : f32 from vector<1xf32>
      %broadcast_in_dim3A_106 = vector.broadcast %squeeze3A_105 : f32 to vector<16xf32>
      %mul3A_107 = arith.mulf %get3A_103, %broadcast_in_dim3A_106 : vector<16xf32>
      %add3A_108 = arith.addf %add3A_98, %mul3A_107 : vector<16xf32>
      %get3A_109 = arith.constant 7 : i32
      %get3A_110 = arith.index_cast %scan3A_37 : i32 to index
      %get3A_111 = arith.index_cast %get3A_109 : i32 to index
      %get3A_112 = arith.constant 0 : index
      %get3A_113 = tpu.vector_load %arg12[%get3A_110, %get3A_111, %get3A_112] {strides = array<i32>} : memref<32x16x64xf32, #tpu.memory_space<vmem>>, vector<16xf32>,
      %slice3A_114 = vector.extract_strided_slice %get3A_39 {offsets = [7], sizes = [1], strides = [1]} : vector<16xf32> to vector<1xf32>
      %squeeze3A_115 = vector.extract %slice3A_114[0] : f32 from vector<1xf32>
      %broadcast_in_dim3A_116 = vector.broadcast %squeeze3A_115 : f32 to vector<16xf32>
      %mul3A_117 = arith.mulf %get3A_113, %broadcast_in_dim3A_116 : vector<16xf32>
      %add3A_118 = arith.addf %add3A_108, %mul3A_117 : vector<16xf32>
      %swap3A = arith.index_cast %scan3A_37 : i32 to index
      %swap3A_119 = arith.constant 0 : index
      %swap3A_120 = tpu.vector_load %arg13[%swap3A, %swap3A_119] {strides = array<i32>} : memref<32x64xf32, #tpu.memory_space<vmem>>, vector<16xf32>,
      tpu.vector_store %arg13[%swap3A, %swap3A_119], %add3A_118 {strides = array<i32>} : memref<32x64xf32, #tpu.memory_space<vmem>>, vector<16xf32>,
      %broadcast_in_dim3A_121 = arith.constant 0.000000e+00 : f32
      %broadcast_in_dim3A_122 = vector.broadcast %broadcast_in_dim3A_121 : f32 to vector<16xf32>
      %get3A_123 = arith.constant 0 : i32
      %get3A_124 = arith.index_cast %scan3A_37 : i32 to index
      %get3A_125 = arith.index_cast %get3A_123 : i32 to index
      %get3A_126 = arith.constant 16 : index
      %get3A_127 = tpu.vector_load %arg12[%get3A_124, %get3A_125, %get3A_126] {strides = array<i32>} : memref<32x16x64xf32, #tpu.memory_space<vmem>>, vector<16xf32>,
      %slice3A_128 = vector.extract_strided_slice %get3A_39 {offsets = [0], sizes = [1], strides = [1]} : vector<16xf32> to vector<1xf32>
      %squeeze3A_129 = vector.extract %slice3A_128[0] : f32 from vector<1xf32>
      %broadcast_in_dim3A_130 = vector.broadcast %squeeze3A_129 : f32 to vector<16xf32>
      %mul3A_131 = arith.mulf %get3A_127, %broadcast_in_dim3A_130 : vector<16xf32>
      %add3A_132 = arith.addf %broadcast_in_dim3A_122, %mul3A_131 : vector<16xf32>
      %get3A_133 = arith.constant 1 : i32
      %get3A_134 = arith.index_cast %scan3A_37 : i32 to index
      %get3A_135 = arith.index_cast %get3A_133 : i32 to index
      %get3A_136 = arith.constant 16 : index
      %get3A_137 = tpu.vector_load %arg12[%get3A_134, %get3A_135, %get3A_136] {strides = array<i32>} : memref<32x16x64xf32, #tpu.memory_space<vmem>>, vector<16xf32>,
      %slice3A_138 = vector.extract_strided_slice %get3A_39 {offsets = [1], sizes = [1], strides = [1]} : vector<16xf32> to vector<1xf32>
      %squeeze3A_139 = vector.extract %slice3A_138[0] : f32 from vector<1xf32>
      %broadcast_in_dim3A_140 = vector.broadcast %squeeze3A_139 : f32 to vector<16xf32>
      %mul3A_141 = arith.mulf %get3A_137, %broadcast_in_dim3A_140 : vector<16xf32>
      %add3A_142 = arith.addf %add3A_132, %mul3A_141 : vector<16xf32>
      %get3A_143 = arith.constant 2 : i32
      %get3A_144 = arith.index_cast %scan3A_37 : i32 to index
      %get3A_145 = arith.index_cast %get3A_143 : i32 to index
      %get3A_146 = arith.constant 16 : index
      %get3A_147 = tpu.vector_load %arg12[%get3A_144, %get3A_145, %get3A_146] {strides = array<i32>} : memref<32x16x64xf32, #tpu.memory_space<vmem>>, vector<16xf32>,
      %slice3A_148 = vector.extract_strided_slice %get3A_39 {offsets = [2], sizes = [1], strides = [1]} : vector<16xf32> to vector<1xf32>
      %squeeze3A_149 = vector.extract %slice3A_148[0] : f32 from vector<1xf32>
      %broadcast_in_dim3A_150 = vector.broadcast %squeeze3A_149 : f32 to vector<16xf32>
      %mul3A_151 = arith.mulf %get3A_147, %broadcast_in_dim3A_150 : vector<16xf32>
      %add3A_152 = arith.addf %add3A_142, %mul3A_151 : vector<16xf32>
      %get3A_153 = arith.constant 3 : i32
      %get3A_154 = arith.index_cast %scan3A_37 : i32 to index
      %get3A_155 = arith.index_cast %get3A_153 : i32 to index
      %get3A_156 = arith.constant 16 : index
      %get3A_157 = tpu.vector_load %arg12[%get3A_154, %get3A_155, %get3A_156] {strides = array<i32>} : memref<32x16x64xf32, #tpu.memory_space<vmem>>, vector<16xf32>,
      %slice3A_158 = vector.extract_strided_slice %get3A_39 {offsets = [3], sizes = [1], strides = [1]} : vector<16xf32> to vector<1xf32>
      %squeeze3A_159 = vector.extract %slice3A_158[0] : f32 from vector<1xf32>
      %broadcast_in_dim3A_160 = vector.broadcast %squeeze3A_159 : f32 to vector<16xf32>
      %mul3A_161 = arith.mulf %get3A_157, %broadcast_in_dim3A_160 : vector<16xf32>
      %add3A_162 = arith.addf %add3A_152, %mul3A_161 : vector<16xf32>
      %get3A_163 = arith.constant 4 : i32
      %get3A_164 = arith.index_cast %scan3A_37 : i32 to index
      %get3A_165 = arith.index_cast %get3A_163 : i32 to index
      %get3A_166 = arith.constant 16 : index
      %get3A_167 = tpu.vector_load %arg12[%get3A_164, %get3A_165, %get3A_166] {strides = array<i32>} : memref<32x16x64xf32, #tpu.memory_space<vmem>>, vector<16xf32>,
      %slice3A_168 = vector.extract_strided_slice %get3A_39 {offsets = [4], sizes = [1], strides = [1]} : vector<16xf32> to vector<1xf32>
      %squeeze3A_169 = vector.extract %slice3A_168[0] : f32 from vector<1xf32>
      %broadcast_in_dim3A_170 = vector.broadcast %squeeze3A_169 : f32 to vector<16xf32>
      %mul3A_171 = arith.mulf %get3A_167, %broadcast_in_dim3A_170 : vector<16xf32>
      %add3A_172 = arith.addf %add3A_162, %mul3A_171 : vector<16xf32>
      %get3A_173 = arith.constant 5 : i32
      %get3A_174 = arith.index_cast %scan3A_37 : i32 to index
      %get3A_175 = arith.index_cast %get3A_173 : i32 to index
      %get3A_176 = arith.constant 16 : index
      %get3A_177 = tpu.vector_load %arg12[%get3A_174, %get3A_175, %get3A_176] {strides = array<i32>} : memref<32x16x64xf32, #tpu.memory_space<vmem>>, vector<16xf32>,
      %slice3A_178 = vector.extract_strided_slice %get3A_39 {offsets = [5], sizes = [1], strides = [1]} : vector<16xf32> to vector<1xf32>
      %squeeze3A_179 = vector.extract %slice3A_178[0] : f32 from vector<1xf32>
      %broadcast_in_dim3A_180 = vector.broadcast %squeeze3A_179 : f32 to vector<16xf32>
      %mul3A_181 = arith.mulf %get3A_177, %broadcast_in_dim3A_180 : vector<16xf32>
      %add3A_182 = arith.addf %add3A_172, %mul3A_181 : vector<16xf32>
      %get3A_183 = arith.constant 6 : i32
      %get3A_184 = arith.index_cast %scan3A_37 : i32 to index
      %get3A_185 = arith.index_cast %get3A_183 : i32 to index
      %get3A_186 = arith.constant 16 : index
      %get3A_187 = tpu.vector_load %arg12[%get3A_184, %get3A_185, %get3A_186] {strides = array<i32>} : memref<32x16x64xf32, #tpu.memory_space<vmem>>, vector<16xf32>,
      %slice3A_188 = vector.extract_strided_slice %get3A_39 {offsets = [6], sizes = [1], strides = [1]} : vector<16xf32> to vector<1xf32>
      %squeeze3A_189 = vector.extract %slice3A_188[0] : f32 from vector<1xf32>
      %broadcast_in_dim3A_190 = vector.broadcast %squeeze3A_189 : f32 to vector<16xf32>
      %mul3A_191 = arith.mulf %get3A_187, %broadcast_in_dim3A_190 : vector<16xf32>
      %add3A_192 = arith.addf %add3A_182, %mul3A_191 : vector<16xf32>
      %get3A_193 = arith.constant 7 : i32
      %get3A_194 = arith.index_cast %scan3A_37 : i32 to index
      %get3A_195 = arith.index_cast %get3A_193 : i32 to index
      %get3A_196 = arith.constant 16 : index
      %get3A_197 = tpu.vector_load %arg12[%get3A_194, %get3A_195, %get3A_196] {strides = array<i32>} : memref<32x16x64xf32, #tpu.memory_space<vmem>>, vector<16xf32>,
      %slice3A_198 = vector.extract_strided_slice %get3A_39 {offsets = [7], sizes = [1], strides = [1]} : vector<16xf32> to vector<1xf32>
      %squeeze3A_199 = vector.extract %slice3A_198[0] : f32 from vector<1xf32>
      %broadcast_in_dim3A_200 = vector.broadcast %squeeze3A_199 : f32 to vector<16xf32>
      %mul3A_201 = arith.mulf %get3A_197, %broadcast_in_dim3A_200 : vector<16xf32>
      %add3A_202 = arith.addf %add3A_192, %mul3A_201 : vector<16xf32>
      %swap3A_203 = arith.index_cast %scan3A_37 : i32 to index
      %swap3A_204 = arith.constant 16 : index
      %swap3A_205 = tpu.vector_load %arg13[%swap3A_203, %swap3A_204] {strides = array<i32>} : memref<32x64xf32, #tpu.memory_space<vmem>>, vector<16xf32>,
      tpu.vector_store %arg13[%swap3A_203, %swap3A_204], %add3A_202 {strides = array<i32>} : memref<32x64xf32, #tpu.memory_space<vmem>>, vector<16xf32>,
      %broadcast_in_dim3A_206 = arith.constant 0.000000e+00 : f32
      %broadcast_in_dim3A_207 = vector.broadcast %broadcast_in_dim3A_206 : f32 to vector<16xf32>
      %get3A_208 = arith.constant 0 : i32
      %get3A_209 = arith.index_cast %scan3A_37 : i32 to index
      %get3A_210 = arith.index_cast %get3A_208 : i32 to index
      %get3A_211 = arith.constant 32 : index
      %get3A_212 = tpu.vector_load %arg12[%get3A_209, %get3A_210, %get3A_211] {strides = array<i32>} : memref<32x16x64xf32, #tpu.memory_space<vmem>>, vector<16xf32>,
      %slice3A_213 = vector.extract_strided_slice %get3A_39 {offsets = [0], sizes = [1], strides = [1]} : vector<16xf32> to vector<1xf32>
      %squeeze3A_214 = vector.extract %slice3A_213[0] : f32 from vector<1xf32>
      %broadcast_in_dim3A_215 = vector.broadcast %squeeze3A_214 : f32 to vector<16xf32>
      %mul3A_216 = arith.mulf %get3A_212, %broadcast_in_dim3A_215 : vector<16xf32>
      %add3A_217 = arith.addf %broadcast_in_dim3A_207, %mul3A_216 : vector<16xf32>
      %get3A_218 = arith.constant 1 : i32
      %get3A_219 = arith.index_cast %scan3A_37 : i32 to index
      %get3A_220 = arith.index_cast %get3A_218 : i32 to index
      %get3A_221 = arith.constant 32 : index
      %get3A_222 = tpu.vector_load %arg12[%get3A_219, %get3A_220, %get3A_221] {strides = array<i32>} : memref<32x16x64xf32, #tpu.memory_space<vmem>>, vector<16xf32>,
      %slice3A_223 = vector.extract_strided_slice %get3A_39 {offsets = [1], sizes = [1], strides = [1]} : vector<16xf32> to vector<1xf32>
      %squeeze3A_224 = vector.extract %slice3A_223[0] : f32 from vector<1xf32>
      %broadcast_in_dim3A_225 = vector.broadcast %squeeze3A_224 : f32 to vector<16xf32>
      %mul3A_226 = arith.mulf %get3A_222, %broadcast_in_dim3A_225 : vector<16xf32>
      %add3A_227 = arith.addf %add3A_217, %mul3A_226 : vector<16xf32>
      %get3A_228 = arith.constant 2 : i32
      %get3A_229 = arith.index_cast %scan3A_37 : i32 to index
      %get3A_230 = arith.index_cast %get3A_228 : i32 to index
      %get3A_231 = arith.constant 32 : index
      %get3A_232 = tpu.vector_load %arg12[%get3A_229, %get3A_230, %get3A_231] {strides = array<i32>} : memref<32x16x64xf32, #tpu.memory_space<vmem>>, vector<16xf32>,
      %slice3A_233 = vector.extract_strided_slice %get3A_39 {offsets = [2], sizes = [1], strides = [1]} : vector<16xf32> to vector<1xf32>
      %squeeze3A_234 = vector.extract %slice3A_233[0] : f32 from vector<1xf32>
      %broadcast_in_dim3A_235 = vector.broadcast %squeeze3A_234 : f32 to vector<16xf32>
      %mul3A_236 = arith.mulf %get3A_232, %broadcast_in_dim3A_235 : vector<16xf32>
      %add3A_237 = arith.addf %add3A_227, %mul3A_236 : vector<16xf32>
      %get3A_238 = arith.constant 3 : i32
      %get3A_239 = arith.index_cast %scan3A_37 : i32 to index
      %get3A_240 = arith.index_cast %get3A_238 : i32 to index
      %get3A_241 = arith.constant 32 : index
      %get3A_242 = tpu.vector_load %arg12[%get3A_239, %get3A_240, %get3A_241] {strides = array<i32>} : memref<32x16x64xf32, #tpu.memory_space<vmem>>, vector<16xf32>,
      %slice3A_243 = vector.extract_strided_slice %get3A_39 {offsets = [3], sizes = [1], strides = [1]} : vector<16xf32> to vector<1xf32>
      %squeeze3A_244 = vector.extract %slice3A_243[0] : f32 from vector<1xf32>
      %broadcast_in_dim3A_245 = vector.broadcast %squeeze3A_244 : f32 to vector<16xf32>
      %mul3A_246 = arith.mulf %get3A_242, %broadcast_in_dim3A_245 : vector<16xf32>
      %add3A_247 = arith.addf %add3A_237, %mul3A_246 : vector<16xf32>
      %get3A_248 = arith.constant 4 : i32
      %get3A_249 = arith.index_cast %scan3A_37 : i32 to index
      %get3A_250 = arith.index_cast %get3A_248 : i32 to index
      %get3A_251 = arith.constant 32 : index
      %get3A_252 = tpu.vector_load %arg12[%get3A_249, %get3A_250, %get3A_251] {strides = array<i32>} : memref<32x16x64xf32, #tpu.memory_space<vmem>>, vector<16xf32>,
      %slice3A_253 = vector.extract_strided_slice %get3A_39 {offsets = [4], sizes = [1], strides = [1]} : vector<16xf32> to vector<1xf32>
      %squeeze3A_254 = vector.extract %slice3A_253[0] : f32 from vector<1xf32>
      %broadcast_in_dim3A_255 = vector.broadcast %squeeze3A_254 : f32 to vector<16xf32>
      %mul3A_256 = arith.mulf %get3A_252, %broadcast_in_dim3A_255 : vector<16xf32>
      %add3A_257 = arith.addf %add3A_247, %mul3A_256 : vector<16xf32>
      %get3A_258 = arith.constant 5 : i32
      %get3A_259 = arith.index_cast %scan3A_37 : i32 to index
      %get3A_260 = arith.index_cast %get3A_258 : i32 to index
      %get3A_261 = arith.constant 32 : index
      %get3A_262 = tpu.vector_load %arg12[%get3A_259, %get3A_260, %get3A_261] {strides = array<i32>} : memref<32x16x64xf32, #tpu.memory_space<vmem>>, vector<16xf32>,
      %slice3A_263 = vector.extract_strided_slice %get3A_39 {offsets = [5], sizes = [1], strides = [1]} : vector<16xf32> to vector<1xf32>
      %squeeze3A_264 = vector.extract %slice3A_263[0] : f32 from vector<1xf32>
      %broadcast_in_dim3A_265 = vector.broadcast %squeeze3A_264 : f32 to vector<16xf32>
      %mul3A_266 = arith.mulf %get3A_262, %broadcast_in_dim3A_265 : vector<16xf32>
      %add3A_267 = arith.addf %add3A_257, %mul3A_266 : vector<16xf32>
      %get3A_268 = arith.constant 6 : i32
      %get3A_269 = arith.index_cast %scan3A_37 : i32 to index
      %get3A_270 = arith.index_cast %get3A_268 : i32 to index
      %get3A_271 = arith.constant 32 : index
      %get3A_272 = tpu.vector_load %arg12[%get3A_269, %get3A_270, %get3A_271] {strides = array<i32>} : memref<32x16x64xf32, #tpu.memory_space<vmem>>, vector<16xf32>,
      %slice3A_273 = vector.extract_strided_slice %get3A_39 {offsets = [6], sizes = [1], strides = [1]} : vector<16xf32> to vector<1xf32>
      %squeeze3A_274 = vector.extract %slice3A_273[0] : f32 from vector<1xf32>
      %broadcast_in_dim3A_275 = vector.broadcast %squeeze3A_274 : f32 to vector<16xf32>
      %mul3A_276 = arith.mulf %get3A_272, %broadcast_in_dim3A_275 : vector<16xf32>
      %add3A_277 = arith.addf %add3A_267, %mul3A_276 : vector<16xf32>
      %get3A_278 = arith.constant 7 : i32
      %get3A_279 = arith.index_cast %scan3A_37 : i32 to index
      %get3A_280 = arith.index_cast %get3A_278 : i32 to index
      %get3A_281 = arith.constant 32 : index
      %get3A_282 = tpu.vector_load %arg12[%get3A_279, %get3A_280, %get3A_281] {strides = array<i32>} : memref<32x16x64xf32, #tpu.memory_space<vmem>>, vector<16xf32>,
      %slice3A_283 = vector.extract_strided_slice %get3A_39 {offsets = [7], sizes = [1], strides = [1]} : vector<16xf32> to vector<1xf32>
      %squeeze3A_284 = vector.extract %slice3A_283[0] : f32 from vector<1xf32>
      %broadcast_in_dim3A_285 = vector.broadcast %squeeze3A_284 : f32 to vector<16xf32>
      %mul3A_286 = arith.mulf %get3A_282, %broadcast_in_dim3A_285 : vector<16xf32>
      %add3A_287 = arith.addf %add3A_277, %mul3A_286 : vector<16xf32>
      %swap3A_288 = arith.index_cast %scan3A_37 : i32 to index
      %swap3A_289 = arith.constant 32 : index
      %swap3A_290 = tpu.vector_load %arg13[%swap3A_288, %swap3A_289] {strides = array<i32>} : memref<32x64xf32, #tpu.memory_space<vmem>>, vector<16xf32>,
      tpu.vector_store %arg13[%swap3A_288, %swap3A_289], %add3A_287 {strides = array<i32>} : memref<32x64xf32, #tpu.memory_space<vmem>>, vector<16xf32>,
      %broadcast_in_dim3A_291 = arith.constant 0.000000e+00 : f32
      %broadcast_in_dim3A_292 = vector.broadcast %broadcast_in_dim3A_291 : f32 to vector<16xf32>
      %get3A_293 = arith.constant 0 : i32
      %get3A_294 = arith.index_cast %scan3A_37 : i32 to index
      %get3A_295 = arith.index_cast %get3A_293 : i32 to index
      %get3A_296 = arith.constant 48 : index
      %get3A_297 = tpu.vector_load %arg12[%get3A_294, %get3A_295, %get3A_296] {strides = array<i32>} : memref<32x16x64xf32, #tpu.memory_space<vmem>>, vector<16xf32>,
      %slice3A_298 = vector.extract_strided_slice %get3A_39 {offsets = [0], sizes = [1], strides = [1]} : vector<16xf32> to vector<1xf32>
      %squeeze3A_299 = vector.extract %slice3A_298[0] : f32 from vector<1xf32>
      %broadcast_in_dim3A_300 = vector.broadcast %squeeze3A_299 : f32 to vector<16xf32>
      %mul3A_301 = arith.mulf %get3A_297, %broadcast_in_dim3A_300 : vector<16xf32>
      %add3A_302 = arith.addf %broadcast_in_dim3A_292, %mul3A_301 : vector<16xf32>
      %get3A_303 = arith.constant 1 : i32
      %get3A_304 = arith.index_cast %scan3A_37 : i32 to index
      %get3A_305 = arith.index_cast %get3A_303 : i32 to index
      %get3A_306 = arith.constant 48 : index
      %get3A_307 = tpu.vector_load %arg12[%get3A_304, %get3A_305, %get3A_306] {strides = array<i32>} : memref<32x16x64xf32, #tpu.memory_space<vmem>>, vector<16xf32>,
      %slice3A_308 = vector.extract_strided_slice %get3A_39 {offsets = [1], sizes = [1], strides = [1]} : vector<16xf32> to vector<1xf32>
      %squeeze3A_309 = vector.extract %slice3A_308[0] : f32 from vector<1xf32>
      %broadcast_in_dim3A_310 = vector.broadcast %squeeze3A_309 : f32 to vector<16xf32>
      %mul3A_311 = arith.mulf %get3A_307, %broadcast_in_dim3A_310 : vector<16xf32>
      %add3A_312 = arith.addf %add3A_302, %mul3A_311 : vector<16xf32>
      %get3A_313 = arith.constant 2 : i32
      %get3A_314 = arith.index_cast %scan3A_37 : i32 to index
      %get3A_315 = arith.index_cast %get3A_313 : i32 to index
      %get3A_316 = arith.constant 48 : index
      %get3A_317 = tpu.vector_load %arg12[%get3A_314, %get3A_315, %get3A_316] {strides = array<i32>} : memref<32x16x64xf32, #tpu.memory_space<vmem>>, vector<16xf32>,
      %slice3A_318 = vector.extract_strided_slice %get3A_39 {offsets = [2], sizes = [1], strides = [1]} : vector<16xf32> to vector<1xf32>
      %squeeze3A_319 = vector.extract %slice3A_318[0] : f32 from vector<1xf32>
      %broadcast_in_dim3A_320 = vector.broadcast %squeeze3A_319 : f32 to vector<16xf32>
      %mul3A_321 = arith.mulf %get3A_317, %broadcast_in_dim3A_320 : vector<16xf32>
      %add3A_322 = arith.addf %add3A_312, %mul3A_321 : vector<16xf32>
      %get3A_323 = arith.constant 3 : i32
      %get3A_324 = arith.index_cast %scan3A_37 : i32 to index
      %get3A_325 = arith.index_cast %get3A_323 : i32 to index
      %get3A_326 = arith.constant 48 : index
      %get3A_327 = tpu.vector_load %arg12[%get3A_324, %get3A_325, %get3A_326] {strides = array<i32>} : memref<32x16x64xf32, #tpu.memory_space<vmem>>, vector<16xf32>,
      %slice3A_328 = vector.extract_strided_slice %get3A_39 {offsets = [3], sizes = [1], strides = [1]} : vector<16xf32> to vector<1xf32>
      %squeeze3A_329 = vector.extract %slice3A_328[0] : f32 from vector<1xf32>
      %broadcast_in_dim3A_330 = vector.broadcast %squeeze3A_329 : f32 to vector<16xf32>
      %mul3A_331 = arith.mulf %get3A_327, %broadcast_in_dim3A_330 : vector<16xf32>
      %add3A_332 = arith.addf %add3A_322, %mul3A_331 : vector<16xf32>
      %get3A_333 = arith.constant 4 : i32
      %get3A_334 = arith.index_cast %scan3A_37 : i32 to index
      %get3A_335 = arith.index_cast %get3A_333 : i32 to index
      %get3A_336 = arith.constant 48 : index
      %get3A_337 = tpu.vector_load %arg12[%get3A_334, %get3A_335, %get3A_336] {strides = array<i32>} : memref<32x16x64xf32, #tpu.memory_space<vmem>>, vector<16xf32>,
      %slice3A_338 = vector.extract_strided_slice %get3A_39 {offsets = [4], sizes = [1], strides = [1]} : vector<16xf32> to vector<1xf32>
      %squeeze3A_339 = vector.extract %slice3A_338[0] : f32 from vector<1xf32>
      %broadcast_in_dim3A_340 = vector.broadcast %squeeze3A_339 : f32 to vector<16xf32>
      %mul3A_341 = arith.mulf %get3A_337, %broadcast_in_dim3A_340 : vector<16xf32>
      %add3A_342 = arith.addf %add3A_332, %mul3A_341 : vector<16xf32>
      %get3A_343 = arith.constant 5 : i32
      %get3A_344 = arith.index_cast %scan3A_37 : i32 to index
      %get3A_345 = arith.index_cast %get3A_343 : i32 to index
      %get3A_346 = arith.constant 48 : index
      %get3A_347 = tpu.vector_load %arg12[%get3A_344, %get3A_345, %get3A_346] {strides = array<i32>} : memref<32x16x64xf32, #tpu.memory_space<vmem>>, vector<16xf32>,
      %slice3A_348 = vector.extract_strided_slice %get3A_39 {offsets = [5], sizes = [1], strides = [1]} : vector<16xf32> to vector<1xf32>
      %squeeze3A_349 = vector.extract %slice3A_348[0] : f32 from vector<1xf32>
      %broadcast_in_dim3A_350 = vector.broadcast %squeeze3A_349 : f32 to vector<16xf32>
      %mul3A_351 = arith.mulf %get3A_347, %broadcast_in_dim3A_350 : vector<16xf32>
      %add3A_352 = arith.addf %add3A_342, %mul3A_351 : vector<16xf32>
      %get3A_353 = arith.constant 6 : i32
      %get3A_354 = arith.index_cast %scan3A_37 : i32 to index
      %get3A_355 = arith.index_cast %get3A_353 : i32 to index
      %get3A_356 = arith.constant 48 : index
      %get3A_357 = tpu.vector_load %arg12[%get3A_354, %get3A_355, %get3A_356] {strides = array<i32>} : memref<32x16x64xf32, #tpu.memory_space<vmem>>, vector<16xf32>,
      %slice3A_358 = vector.extract_strided_slice %get3A_39 {offsets = [6], sizes = [1], strides = [1]} : vector<16xf32> to vector<1xf32>
      %squeeze3A_359 = vector.extract %slice3A_358[0] : f32 from vector<1xf32>
      %broadcast_in_dim3A_360 = vector.broadcast %squeeze3A_359 : f32 to vector<16xf32>
      %mul3A_361 = arith.mulf %get3A_357, %broadcast_in_dim3A_360 : vector<16xf32>
      %add3A_362 = arith.addf %add3A_352, %mul3A_361 : vector<16xf32>
      %get3A_363 = arith.constant 7 : i32
      %get3A_364 = arith.index_cast %scan3A_37 : i32 to index
      %get3A_365 = arith.index_cast %get3A_363 : i32 to index
      %get3A_366 = arith.constant 48 : index
      %get3A_367 = tpu.vector_load %arg12[%get3A_364, %get3A_365, %get3A_366] {strides = array<i32>} : memref<32x16x64xf32, #tpu.memory_space<vmem>>, vector<16xf32>,
      %slice3A_368 = vector.extract_strided_slice %get3A_39 {offsets = [7], sizes = [1], strides = [1]} : vector<16xf32> to vector<1xf32>
      %squeeze3A_369 = vector.extract %slice3A_368[0] : f32 from vector<1xf32>
      %broadcast_in_dim3A_370 = vector.broadcast %squeeze3A_369 : f32 to vector<16xf32>
      %mul3A_371 = arith.mulf %get3A_367, %broadcast_in_dim3A_370 : vector<16xf32>
      %add3A_372 = arith.addf %add3A_362, %mul3A_371 : vector<16xf32>
      %swap3A_373 = arith.index_cast %scan3A_37 : i32 to index
      %swap3A_374 = arith.constant 48 : index
      %swap3A_375 = tpu.vector_load %arg13[%swap3A_373, %swap3A_374] {strides = array<i32>} : memref<32x64xf32, #tpu.memory_space<vmem>>, vector<16xf32>,
      tpu.vector_store %arg13[%swap3A_373, %swap3A_374], %add3A_372 {strides = array<i32>} : memref<32x64xf32, #tpu.memory_space<vmem>>, vector<16xf32>,
    }
    %scan3A_34 = arith.constant 32 : i32
    "tpu.trace_stop"() : () -> ()
    %mul3A_35 = arith.constant 32 : i32
    %mul3A_36 = arith.muli %add3A, %mul3A_35 : i32
    "tpu.region"() ({
      %run_scoped3A = tpu.sem_alloc : memref<!tpu.dma_semaphore, #tpu.memory_space<semaphore_mem>>
      %dma_start3A = arith.constant 0 : i32
      %dma_start3A_37 = tpu.memref_slice %arg5[%mul3A_36, %dma_start3A] : memref<1024x64xf32, #tpu.memory_space<hbm>> -> memref<32x64xf32, #tpu.memory_space<hbm>>
      %dma_start3A_38 = arith.constant 0 : i32
      %dma_start3A_39 = tpu.memref_slice %arg5[%mul3A_36, %dma_start3A_38] : memref<1024x64xf32, #tpu.memory_space<hbm>> -> memref<32x64xf32, #tpu.memory_space<hbm>>
      tpu.enqueue_dma source(%arg13 : memref<32x64xf32, #tpu.memory_space<vmem>>) target(%dma_start3A_39 : memref<32x64xf32, #tpu.memory_space<hbm>>) target_semaphore(%run_scoped3A : memref<!tpu.dma_semaphore, #tpu.memory_space<semaphore_mem>>)
      %dma_wait3A = arith.constant 0 : i32
      %dma_wait3A_40 = tpu.memref_slice %arg5[%mul3A_36, %dma_wait3A] : memref<1024x64xf32, #tpu.memory_space<hbm>> -> memref<32x64xf32, #tpu.memory_space<hbm>>
      %dma_wait3A_41 = arith.constant 0 : i32
      %dma_wait3A_42 = tpu.memref_slice %arg5[%mul3A_36, %dma_wait3A_41] : memref<1024x64xf32, #tpu.memory_space<hbm>> -> memref<32x64xf32, #tpu.memory_space<hbm>>
      tpu.wait_dma2 semaphore(%run_scoped3A : memref<!tpu.dma_semaphore, #tpu.memory_space<semaphore_mem>>) src(%arg13 : memref<32x64xf32, #tpu.memory_space<vmem>>) dst(%dma_wait3A_42 : memref<32x64xf32, #tpu.memory_space<hbm>>)
      tpu.yield
    }) : () -> ()
    return
  }
}

module attributes {stable_mosaic.version = 14 : i64} {
  func.func @_groups_kernel(%arg0: i32, %arg1: memref<256x6272xf32, #tpu.memory_space<vmem>>, %arg2: memref<256x8xi32, #tpu.memory_space<vmem>>) attributes {dimension_semantics = [#tpu.dimension_semantics<arbitrary>], iteration_bounds = array<i64: 4>, scalar_prefetch = 0 : i64, scratch_operands = 0 : i64, tpu.core_type = #tpu.core_type<tc>, window_params = [{transform_indices = @transform_0, window_bounds = array<i64: 256, 6272>}, {transform_indices = @transform_1, window_bounds = array<i64: 256, 8>}]} {
    %iota3A = tpu.iota {dimensions = array<i32: 1>} : vector<256x6272xi32>
    %get3A = arith.constant 0 : index
    %get3A_0 = arith.constant 0 : index
    %get3A_1 = vector.load %arg1[%get3A, %get3A_0] : memref<256x6272xf32, #tpu.memory_space<vmem>>, vector<256x6272xf32>
    %reduce_max3A = arith.constant dense<0xFF800000> : vector<256xf32>
    %reduce_max3A_2 = vector.multi_reduction <maximumf>, %get3A_1, %reduce_max3A [1] : vector<256x6272xf32> to vector<256xf32>
    %broadcast_in_dim3A = vector.shape_cast %reduce_max3A_2 : vector<256xf32> to vector<256x1xf32>
    %ge3A = vector.broadcast %broadcast_in_dim3A : vector<256x1xf32> to vector<256x6272xf32>
    %ge3A_3 = arith.cmpf oge, %get3A_1, %ge3A : vector<256x6272xf32>
    %jit3A = arith.constant 2147483647 : i32
    %broadcast_in_dim3A_4 = vector.broadcast %jit3A : i32 to vector<256x6272xi32>
    %select_n3A = arith.select %ge3A_3, %iota3A, %broadcast_in_dim3A_4 : vector<256x6272xi1>, vector<256x6272xi32>
    %reduce_min3A = arith.constant dense<2147483647> : vector<256xi32>
    %reduce_min3A_5 = vector.multi_reduction <minsi>, %select_n3A, %reduce_min3A [1] : vector<256x6272xi32> to vector<256xi32>
    %broadcast_in_dim3A_6 = vector.shape_cast %reduce_min3A_5 : vector<256xi32> to vector<256x1xi32>
    %eq3A = vector.broadcast %broadcast_in_dim3A_6 : vector<256x1xi32> to vector<256x6272xi32>
    %eq3A_7 = arith.cmpi eq, %iota3A, %eq3A : vector<256x6272xi32>
    %jit3A_8 = arith.constant -3.400000e+38 : f32
    %broadcast_in_dim3A_9 = vector.broadcast %jit3A_8 : f32 to vector<256x6272xf32>
    %select_n3A_10 = arith.select %eq3A_7, %broadcast_in_dim3A_9, %get3A_1 : vector<256x6272xi1>, vector<256x6272xf32>
    %reduce_max3A_11 = arith.constant dense<0xFF800000> : vector<256xf32>
    %reduce_max3A_12 = vector.multi_reduction <maximumf>, %select_n3A_10, %reduce_max3A_11 [1] : vector<256x6272xf32> to vector<256xf32>
    %broadcast_in_dim3A_13 = vector.shape_cast %reduce_max3A_12 : vector<256xf32> to vector<256x1xf32>
    %ge3A_14 = vector.broadcast %broadcast_in_dim3A_13 : vector<256x1xf32> to vector<256x6272xf32>
    %ge3A_15 = arith.cmpf oge, %select_n3A_10, %ge3A_14 : vector<256x6272xf32>
    %jit3A_16 = arith.constant 2147483647 : i32
    %broadcast_in_dim3A_17 = vector.broadcast %jit3A_16 : i32 to vector<256x6272xi32>
    %select_n3A_18 = arith.select %ge3A_15, %iota3A, %broadcast_in_dim3A_17 : vector<256x6272xi1>, vector<256x6272xi32>
    %reduce_min3A_19 = arith.constant dense<2147483647> : vector<256xi32>
    %reduce_min3A_20 = vector.multi_reduction <minsi>, %select_n3A_18, %reduce_min3A_19 [1] : vector<256x6272xi32> to vector<256xi32>
    %broadcast_in_dim3A_21 = vector.shape_cast %reduce_min3A_20 : vector<256xi32> to vector<256x1xi32>
    %eq3A_22 = vector.broadcast %broadcast_in_dim3A_21 : vector<256x1xi32> to vector<256x6272xi32>
    %eq3A_23 = arith.cmpi eq, %iota3A, %eq3A_22 : vector<256x6272xi32>
    %jit3A_24 = arith.constant -3.400000e+38 : f32
    %broadcast_in_dim3A_25 = vector.broadcast %jit3A_24 : f32 to vector<256x6272xf32>
    %select_n3A_26 = arith.select %eq3A_23, %broadcast_in_dim3A_25, %select_n3A_10 : vector<256x6272xi1>, vector<256x6272xf32>
    %reduce_max3A_27 = arith.constant dense<0xFF800000> : vector<256xf32>
    %reduce_max3A_28 = vector.multi_reduction <maximumf>, %select_n3A_26, %reduce_max3A_27 [1] : vector<256x6272xf32> to vector<256xf32>
    %broadcast_in_dim3A_29 = vector.shape_cast %reduce_max3A_28 : vector<256xf32> to vector<256x1xf32>
    %ge3A_30 = vector.broadcast %broadcast_in_dim3A_29 : vector<256x1xf32> to vector<256x6272xf32>
    %ge3A_31 = arith.cmpf oge, %select_n3A_26, %ge3A_30 : vector<256x6272xf32>
    %jit3A_32 = arith.constant 2147483647 : i32
    %broadcast_in_dim3A_33 = vector.broadcast %jit3A_32 : i32 to vector<256x6272xi32>
    %select_n3A_34 = arith.select %ge3A_31, %iota3A, %broadcast_in_dim3A_33 : vector<256x6272xi1>, vector<256x6272xi32>
    %reduce_min3A_35 = arith.constant dense<2147483647> : vector<256xi32>
    %reduce_min3A_36 = vector.multi_reduction <minsi>, %select_n3A_34, %reduce_min3A_35 [1] : vector<256x6272xi32> to vector<256xi32>
    %broadcast_in_dim3A_37 = vector.shape_cast %reduce_min3A_36 : vector<256xi32> to vector<256x1xi32>
    %eq3A_38 = vector.broadcast %broadcast_in_dim3A_37 : vector<256x1xi32> to vector<256x6272xi32>
    %eq3A_39 = arith.cmpi eq, %iota3A, %eq3A_38 : vector<256x6272xi32>
    %jit3A_40 = arith.constant -3.400000e+38 : f32
    %broadcast_in_dim3A_41 = vector.broadcast %jit3A_40 : f32 to vector<256x6272xf32>
    %select_n3A_42 = arith.select %eq3A_39, %broadcast_in_dim3A_41, %select_n3A_26 : vector<256x6272xi1>, vector<256x6272xf32>
    %reduce_max3A_43 = arith.constant dense<0xFF800000> : vector<256xf32>
    %reduce_max3A_44 = vector.multi_reduction <maximumf>, %select_n3A_42, %reduce_max3A_43 [1] : vector<256x6272xf32> to vector<256xf32>
    %broadcast_in_dim3A_45 = vector.shape_cast %reduce_max3A_44 : vector<256xf32> to vector<256x1xf32>
    %ge3A_46 = vector.broadcast %broadcast_in_dim3A_45 : vector<256x1xf32> to vector<256x6272xf32>
    %ge3A_47 = arith.cmpf oge, %select_n3A_42, %ge3A_46 : vector<256x6272xf32>
    %jit3A_48 = arith.constant 2147483647 : i32
    %broadcast_in_dim3A_49 = vector.broadcast %jit3A_48 : i32 to vector<256x6272xi32>
    %select_n3A_50 = arith.select %ge3A_47, %iota3A, %broadcast_in_dim3A_49 : vector<256x6272xi1>, vector<256x6272xi32>
    %reduce_min3A_51 = arith.constant dense<2147483647> : vector<256xi32>
    %reduce_min3A_52 = vector.multi_reduction <minsi>, %select_n3A_50, %reduce_min3A_51 [1] : vector<256x6272xi32> to vector<256xi32>
    %broadcast_in_dim3A_53 = vector.shape_cast %reduce_min3A_52 : vector<256xi32> to vector<256x1xi32>
    %eq3A_54 = vector.broadcast %broadcast_in_dim3A_53 : vector<256x1xi32> to vector<256x6272xi32>
    %eq3A_55 = arith.cmpi eq, %iota3A, %eq3A_54 : vector<256x6272xi32>
    %jit3A_56 = arith.constant -3.400000e+38 : f32
    %broadcast_in_dim3A_57 = vector.broadcast %jit3A_56 : f32 to vector<256x6272xf32>
    %select_n3A_58 = arith.select %eq3A_55, %broadcast_in_dim3A_57, %select_n3A_42 : vector<256x6272xi1>, vector<256x6272xf32>
    %reduce_max3A_59 = arith.constant dense<0xFF800000> : vector<256xf32>
    %reduce_max3A_60 = vector.multi_reduction <maximumf>, %select_n3A_58, %reduce_max3A_59 [1] : vector<256x6272xf32> to vector<256xf32>
    %broadcast_in_dim3A_61 = vector.shape_cast %reduce_max3A_60 : vector<256xf32> to vector<256x1xf32>
    %ge3A_62 = vector.broadcast %broadcast_in_dim3A_61 : vector<256x1xf32> to vector<256x6272xf32>
    %ge3A_63 = arith.cmpf oge, %select_n3A_58, %ge3A_62 : vector<256x6272xf32>
    %jit3A_64 = arith.constant 2147483647 : i32
    %broadcast_in_dim3A_65 = vector.broadcast %jit3A_64 : i32 to vector<256x6272xi32>
    %select_n3A_66 = arith.select %ge3A_63, %iota3A, %broadcast_in_dim3A_65 : vector<256x6272xi1>, vector<256x6272xi32>
    %reduce_min3A_67 = arith.constant dense<2147483647> : vector<256xi32>
    %reduce_min3A_68 = vector.multi_reduction <minsi>, %select_n3A_66, %reduce_min3A_67 [1] : vector<256x6272xi32> to vector<256xi32>
    %broadcast_in_dim3A_69 = vector.shape_cast %reduce_min3A_68 : vector<256xi32> to vector<256x1xi32>
    %eq3A_70 = vector.broadcast %broadcast_in_dim3A_69 : vector<256x1xi32> to vector<256x6272xi32>
    %eq3A_71 = arith.cmpi eq, %iota3A, %eq3A_70 : vector<256x6272xi32>
    %jit3A_72 = arith.constant -3.400000e+38 : f32
    %broadcast_in_dim3A_73 = vector.broadcast %jit3A_72 : f32 to vector<256x6272xf32>
    %select_n3A_74 = arith.select %eq3A_71, %broadcast_in_dim3A_73, %select_n3A_58 : vector<256x6272xi1>, vector<256x6272xf32>
    %reduce_max3A_75 = arith.constant dense<0xFF800000> : vector<256xf32>
    %reduce_max3A_76 = vector.multi_reduction <maximumf>, %select_n3A_74, %reduce_max3A_75 [1] : vector<256x6272xf32> to vector<256xf32>
    %broadcast_in_dim3A_77 = vector.shape_cast %reduce_max3A_76 : vector<256xf32> to vector<256x1xf32>
    %ge3A_78 = vector.broadcast %broadcast_in_dim3A_77 : vector<256x1xf32> to vector<256x6272xf32>
    %ge3A_79 = arith.cmpf oge, %select_n3A_74, %ge3A_78 : vector<256x6272xf32>
    %jit3A_80 = arith.constant 2147483647 : i32
    %broadcast_in_dim3A_81 = vector.broadcast %jit3A_80 : i32 to vector<256x6272xi32>
    %select_n3A_82 = arith.select %ge3A_79, %iota3A, %broadcast_in_dim3A_81 : vector<256x6272xi1>, vector<256x6272xi32>
    %reduce_min3A_83 = arith.constant dense<2147483647> : vector<256xi32>
    %reduce_min3A_84 = vector.multi_reduction <minsi>, %select_n3A_82, %reduce_min3A_83 [1] : vector<256x6272xi32> to vector<256xi32>
    %broadcast_in_dim3A_85 = vector.shape_cast %reduce_min3A_84 : vector<256xi32> to vector<256x1xi32>
    %eq3A_86 = vector.broadcast %broadcast_in_dim3A_85 : vector<256x1xi32> to vector<256x6272xi32>
    %eq3A_87 = arith.cmpi eq, %iota3A, %eq3A_86 : vector<256x6272xi32>
    %jit3A_88 = arith.constant -3.400000e+38 : f32
    %broadcast_in_dim3A_89 = vector.broadcast %jit3A_88 : f32 to vector<256x6272xf32>
    %select_n3A_90 = arith.select %eq3A_87, %broadcast_in_dim3A_89, %select_n3A_74 : vector<256x6272xi1>, vector<256x6272xf32>
    %reduce_max3A_91 = arith.constant dense<0xFF800000> : vector<256xf32>
    %reduce_max3A_92 = vector.multi_reduction <maximumf>, %select_n3A_90, %reduce_max3A_91 [1] : vector<256x6272xf32> to vector<256xf32>
    %broadcast_in_dim3A_93 = vector.shape_cast %reduce_max3A_92 : vector<256xf32> to vector<256x1xf32>
    %ge3A_94 = vector.broadcast %broadcast_in_dim3A_93 : vector<256x1xf32> to vector<256x6272xf32>
    %ge3A_95 = arith.cmpf oge, %select_n3A_90, %ge3A_94 : vector<256x6272xf32>
    %jit3A_96 = arith.constant 2147483647 : i32
    %broadcast_in_dim3A_97 = vector.broadcast %jit3A_96 : i32 to vector<256x6272xi32>
    %select_n3A_98 = arith.select %ge3A_95, %iota3A, %broadcast_in_dim3A_97 : vector<256x6272xi1>, vector<256x6272xi32>
    %reduce_min3A_99 = arith.constant dense<2147483647> : vector<256xi32>
    %reduce_min3A_100 = vector.multi_reduction <minsi>, %select_n3A_98, %reduce_min3A_99 [1] : vector<256x6272xi32> to vector<256xi32>
    %broadcast_in_dim3A_101 = vector.shape_cast %reduce_min3A_100 : vector<256xi32> to vector<256x1xi32>
    %eq3A_102 = vector.broadcast %broadcast_in_dim3A_101 : vector<256x1xi32> to vector<256x6272xi32>
    %eq3A_103 = arith.cmpi eq, %iota3A, %eq3A_102 : vector<256x6272xi32>
    %jit3A_104 = arith.constant -3.400000e+38 : f32
    %broadcast_in_dim3A_105 = vector.broadcast %jit3A_104 : f32 to vector<256x6272xf32>
    %select_n3A_106 = arith.select %eq3A_103, %broadcast_in_dim3A_105, %select_n3A_90 : vector<256x6272xi1>, vector<256x6272xf32>
    %reduce_max3A_107 = arith.constant dense<0xFF800000> : vector<256xf32>
    %reduce_max3A_108 = vector.multi_reduction <maximumf>, %select_n3A_106, %reduce_max3A_107 [1] : vector<256x6272xf32> to vector<256xf32>
    %broadcast_in_dim3A_109 = vector.shape_cast %reduce_max3A_108 : vector<256xf32> to vector<256x1xf32>
    %ge3A_110 = vector.broadcast %broadcast_in_dim3A_109 : vector<256x1xf32> to vector<256x6272xf32>
    %ge3A_111 = arith.cmpf oge, %select_n3A_106, %ge3A_110 : vector<256x6272xf32>
    %jit3A_112 = arith.constant 2147483647 : i32
    %broadcast_in_dim3A_113 = vector.broadcast %jit3A_112 : i32 to vector<256x6272xi32>
    %select_n3A_114 = arith.select %ge3A_111, %iota3A, %broadcast_in_dim3A_113 : vector<256x6272xi1>, vector<256x6272xi32>
    %reduce_min3A_115 = arith.constant dense<2147483647> : vector<256xi32>
    %reduce_min3A_116 = vector.multi_reduction <minsi>, %select_n3A_114, %reduce_min3A_115 [1] : vector<256x6272xi32> to vector<256xi32>
    %broadcast_in_dim3A_117 = vector.shape_cast %reduce_min3A_116 : vector<256xi32> to vector<256x1xi32>
    %concatenate3A = tpu.concatenate %broadcast_in_dim3A_6, %broadcast_in_dim3A_21, %broadcast_in_dim3A_37, %broadcast_in_dim3A_53, %broadcast_in_dim3A_69, %broadcast_in_dim3A_85, %broadcast_in_dim3A_101, %broadcast_in_dim3A_117 in 1 : vector<256x1xi32>, vector<256x1xi32>, vector<256x1xi32>, vector<256x1xi32>, vector<256x1xi32>, vector<256x1xi32>, vector<256x1xi32>, vector<256x1xi32> -> vector<256x8xi32>
    %swap3A = arith.constant 0 : index
    %swap3A_118 = arith.constant 0 : index
    %swap3A_119 = vector.load %arg2[%swap3A, %swap3A_118] : memref<256x8xi32, #tpu.memory_space<vmem>>, vector<256x8xi32>
    tpu.vector_store %arg2[%swap3A, %swap3A_118], %concatenate3A {strides = array<i32>} : memref<256x8xi32, #tpu.memory_space<vmem>>, vector<256x8xi32>,
    return
  }
  func.func @transform_0(%arg0: i32) -> (i32, i32) {
    %c0_i32 = arith.constant 0 : i32
    %c0_i32_0 = arith.constant 0 : i32
    return %arg0, %c0_i32 : i32, i32
  }
  func.func @transform_1(%arg0: i32) -> (i32, i32) {
    %c0_i32 = arith.constant 0 : i32
    %c0_i32_0 = arith.constant 0 : i32
    return %arg0, %c0_i32 : i32, i32
  }
}

module attributes {stable_mosaic.version = 14 : i64} {
  func.func @_sim_kernel(%arg0: i32, %arg1: memref<1024x64xf32, #tpu.memory_space<vmem>>, %arg2: memref<2048x64xf32, #tpu.memory_space<vmem>>, %arg3: memref<16384x128xf32, #tpu.memory_space<vmem>>, %arg4: memref<1024x128xf32, #tpu.memory_space<vmem>>, %arg5: memref<1024x64xf32, #tpu.memory_space<vmem>>) attributes {dimension_semantics = [#tpu.dimension_semantics<arbitrary>], iteration_bounds = array<i64: 49>, scalar_prefetch = 0 : i64, scratch_operands = 1 : i64, tpu.core_type = #tpu.core_type<tc>, window_params = [{pipeline_mode = #tpu.pipeline_mode<synchronous>, transform_indices = @transform_0, window_bounds = array<i64: 1024, 64>}, {transform_indices = @transform_1, window_bounds = array<i64: 2048, 64>}, {transform_indices = @transform_2, window_bounds = array<i64: 16384, 128>}, {transform_indices = @transform_3, window_bounds = array<i64: 1024, 128>}]} {
    %eq3A = arith.constant 0 : i32
    %eq3A_0 = arith.cmpi eq, %arg0, %eq3A : i32
    %convert_element_type3A = arith.extui %eq3A_0 : i1 to i32
    %cond3A = arith.constant 0 : i32
    %cond3A_1 = arith.cmpi ne, %convert_element_type3A, %cond3A : i32
    scf.if %cond3A_1 {
      %get3A_114 = arith.constant 0 : index
      %get3A_115 = arith.constant 0 : index
      %get3A_116 = vector.load %arg1[%get3A_114, %get3A_115] : memref<1024x64xf32, #tpu.memory_space<vmem>>, vector<1024x64xf32>
      %mul3A_117 = arith.mulf %get3A_116, %get3A_116 : vector<1024x64xf32>
      %reduce_sum3A_118 = arith.constant dense<0.000000e+00> : vector<1024xf32>
      %reduce_sum3A_119 = vector.multi_reduction <add>, %mul3A_117, %reduce_sum3A_118 [1] : vector<1024x64xf32> to vector<1024xf32>
      %broadcast_in_dim3A_120 = vector.shape_cast %reduce_sum3A_119 : vector<1024xf32> to vector<1024x1xf32>
      %sqrt3A_121 = math.sqrt %broadcast_in_dim3A_120 : vector<1024x1xf32>
      %max3A_122 = arith.constant 9.99999996E-13 : f32
      %max3A_123 = vector.broadcast %max3A_122 : f32 to vector<1024x1xf32>
      %max3A_124 = arith.maximumf %sqrt3A_121, %max3A_123 : vector<1024x1xf32>
      %div3A_125 = vector.broadcast %max3A_124 : vector<1024x1xf32> to vector<1024x64xf32>
      %div3A_126 = arith.divf %get3A_116, %div3A_125 : vector<1024x64xf32>
      %swap3A_127 = arith.constant 0 : index
      %swap3A_128 = arith.constant 0 : index
      %swap3A_129 = vector.load %arg5[%swap3A_127, %swap3A_128] : memref<1024x64xf32, #tpu.memory_space<vmem>>, vector<1024x64xf32>
      tpu.vector_store %arg5[%swap3A_127, %swap3A_128], %div3A_126 {strides = array<i32>} : memref<1024x64xf32, #tpu.memory_space<vmem>>, vector<1024x64xf32>,
    } else {
    }
    %get3A = arith.constant 0 : index
    %get3A_2 = arith.constant 0 : index
    %get3A_3 = vector.load %arg2[%get3A, %get3A_2] : memref<2048x64xf32, #tpu.memory_space<vmem>>, vector<2048x64xf32>
    %mul3A = arith.mulf %get3A_3, %get3A_3 : vector<2048x64xf32>
    %reduce_sum3A = arith.constant dense<0.000000e+00> : vector<2048xf32>
    %reduce_sum3A_4 = vector.multi_reduction <add>, %mul3A, %reduce_sum3A [1] : vector<2048x64xf32> to vector<2048xf32>
    %broadcast_in_dim3A = vector.shape_cast %reduce_sum3A_4 : vector<2048xf32> to vector<2048x1xf32>
    %sqrt3A = math.sqrt %broadcast_in_dim3A : vector<2048x1xf32>
    %max3A = arith.constant 9.99999996E-13 : f32
    %max3A_5 = vector.broadcast %max3A : f32 to vector<2048x1xf32>
    %max3A_6 = arith.maximumf %sqrt3A, %max3A_5 : vector<2048x1xf32>
    %div3A = vector.broadcast %max3A_6 : vector<2048x1xf32> to vector<2048x64xf32>
    %div3A_7 = arith.divf %get3A_3, %div3A : vector<2048x64xf32>
    %get3A_8 = arith.constant 0 : index
    %get3A_9 = arith.constant 0 : index
    %get3A_10 = vector.load %arg5[%get3A_8, %get3A_9] : memref<1024x64xf32, #tpu.memory_space<vmem>>, vector<1024x64xf32>
    %dot_general3A = arith.constant dense<0.000000e+00> : vector<1024x2048xf32>
    %dot_general3A_11 = tpu.matmul %get3A_10, %div3A_7, %dot_general3A {dimension_numbers = #tpu.dot_dimension_numbers<[1], [1], [0], [0], [0, 0, 1, 0], [], []>, transpose_lhs_hint = false} : vector<1024x64xf32>, vector<2048x64xf32>, vector<1024x2048xf32> -> vector<1024x2048xf32>
    %mul3A_12 = arith.constant 2048 : i32
    %mul3A_13 = arith.muli %arg0, %mul3A_12 : i32
    %iota3A = tpu.iota {dimensions = array<i32: 1>} : vector<1024x2048xi32>
    %add3A = vector.broadcast %mul3A_13 : i32 to vector<1024x2048xi32>
    %add3A_14 = arith.addi %add3A, %iota3A : vector<1024x2048xi32>
    %lt3A = arith.constant 100000 : i32
    %lt3A_15 = vector.broadcast %lt3A : i32 to vector<1024x2048xi32>
    %lt3A_16 = arith.cmpi slt, %add3A_14, %lt3A_15 : vector<1024x2048xi32>
    %jit3A = arith.constant -3.400000e+38 : f32
    %broadcast_in_dim3A_17 = vector.broadcast %jit3A : f32 to vector<1024x2048xf32>
    %select_n3A = arith.select %lt3A_16, %dot_general3A_11, %broadcast_in_dim3A_17 : vector<1024x2048xi1>, vector<1024x2048xf32>
    %slice3A = vector.extract_strided_slice %select_n3A {offsets = [0, 0], sizes = [1024, 128], strides = [1, 1]} : vector<1024x2048xf32> to vector<1024x128xf32>
    %swap3A = arith.constant 0 : index
    %swap3A_18 = arith.constant 0 : index
    %swap3A_19 = vector.load %arg3[%swap3A, %swap3A_18] : memref<16384x128xf32, #tpu.memory_space<vmem>>, vector<1024x128xf32>
    tpu.vector_store %arg3[%swap3A, %swap3A_18], %slice3A {strides = array<i32>} : memref<16384x128xf32, #tpu.memory_space<vmem>>, vector<1024x128xf32>,
    %slice3A_20 = vector.extract_strided_slice %select_n3A {offsets = [0, 128], sizes = [1024, 128], strides = [1, 1]} : vector<1024x2048xf32> to vector<1024x128xf32>
    %swap3A_21 = arith.constant 1024 : index
    %swap3A_22 = arith.constant 0 : index
    %swap3A_23 = vector.load %arg3[%swap3A_21, %swap3A_22] : memref<16384x128xf32, #tpu.memory_space<vmem>>, vector<1024x128xf32>
    tpu.vector_store %arg3[%swap3A_21, %swap3A_22], %slice3A_20 {strides = array<i32>} : memref<16384x128xf32, #tpu.memory_space<vmem>>, vector<1024x128xf32>,
    %slice3A_24 = vector.extract_strided_slice %select_n3A {offsets = [0, 256], sizes = [1024, 128], strides = [1, 1]} : vector<1024x2048xf32> to vector<1024x128xf32>
    %swap3A_25 = arith.constant 2048 : index
    %swap3A_26 = arith.constant 0 : index
    %swap3A_27 = vector.load %arg3[%swap3A_25, %swap3A_26] : memref<16384x128xf32, #tpu.memory_space<vmem>>, vector<1024x128xf32>
    tpu.vector_store %arg3[%swap3A_25, %swap3A_26], %slice3A_24 {strides = array<i32>} : memref<16384x128xf32, #tpu.memory_space<vmem>>, vector<1024x128xf32>,
    %slice3A_28 = vector.extract_strided_slice %select_n3A {offsets = [0, 384], sizes = [1024, 128], strides = [1, 1]} : vector<1024x2048xf32> to vector<1024x128xf32>
    %swap3A_29 = arith.constant 3072 : index
    %swap3A_30 = arith.constant 0 : index
    %swap3A_31 = vector.load %arg3[%swap3A_29, %swap3A_30] : memref<16384x128xf32, #tpu.memory_space<vmem>>, vector<1024x128xf32>
    tpu.vector_store %arg3[%swap3A_29, %swap3A_30], %slice3A_28 {strides = array<i32>} : memref<16384x128xf32, #tpu.memory_space<vmem>>, vector<1024x128xf32>,
    %slice3A_32 = vector.extract_strided_slice %select_n3A {offsets = [0, 512], sizes = [1024, 128], strides = [1, 1]} : vector<1024x2048xf32> to vector<1024x128xf32>
    %swap3A_33 = arith.constant 4096 : index
    %swap3A_34 = arith.constant 0 : index
    %swap3A_35 = vector.load %arg3[%swap3A_33, %swap3A_34] : memref<16384x128xf32, #tpu.memory_space<vmem>>, vector<1024x128xf32>
    tpu.vector_store %arg3[%swap3A_33, %swap3A_34], %slice3A_32 {strides = array<i32>} : memref<16384x128xf32, #tpu.memory_space<vmem>>, vector<1024x128xf32>,
    %slice3A_36 = vector.extract_strided_slice %select_n3A {offsets = [0, 640], sizes = [1024, 128], strides = [1, 1]} : vector<1024x2048xf32> to vector<1024x128xf32>
    %swap3A_37 = arith.constant 5120 : index
    %swap3A_38 = arith.constant 0 : index
    %swap3A_39 = vector.load %arg3[%swap3A_37, %swap3A_38] : memref<16384x128xf32, #tpu.memory_space<vmem>>, vector<1024x128xf32>
    tpu.vector_store %arg3[%swap3A_37, %swap3A_38], %slice3A_36 {strides = array<i32>} : memref<16384x128xf32, #tpu.memory_space<vmem>>, vector<1024x128xf32>,
    %slice3A_40 = vector.extract_strided_slice %select_n3A {offsets = [0, 768], sizes = [1024, 128], strides = [1, 1]} : vector<1024x2048xf32> to vector<1024x128xf32>
    %swap3A_41 = arith.constant 6144 : index
    %swap3A_42 = arith.constant 0 : index
    %swap3A_43 = vector.load %arg3[%swap3A_41, %swap3A_42] : memref<16384x128xf32, #tpu.memory_space<vmem>>, vector<1024x128xf32>
    tpu.vector_store %arg3[%swap3A_41, %swap3A_42], %slice3A_40 {strides = array<i32>} : memref<16384x128xf32, #tpu.memory_space<vmem>>, vector<1024x128xf32>,
    %slice3A_44 = vector.extract_strided_slice %select_n3A {offsets = [0, 896], sizes = [1024, 128], strides = [1, 1]} : vector<1024x2048xf32> to vector<1024x128xf32>
    %swap3A_45 = arith.constant 7168 : index
    %swap3A_46 = arith.constant 0 : index
    %swap3A_47 = vector.load %arg3[%swap3A_45, %swap3A_46] : memref<16384x128xf32, #tpu.memory_space<vmem>>, vector<1024x128xf32>
    tpu.vector_store %arg3[%swap3A_45, %swap3A_46], %slice3A_44 {strides = array<i32>} : memref<16384x128xf32, #tpu.memory_space<vmem>>, vector<1024x128xf32>,
    %slice3A_48 = vector.extract_strided_slice %select_n3A {offsets = [0, 1024], sizes = [1024, 128], strides = [1, 1]} : vector<1024x2048xf32> to vector<1024x128xf32>
    %swap3A_49 = arith.constant 8192 : index
    %swap3A_50 = arith.constant 0 : index
    %swap3A_51 = vector.load %arg3[%swap3A_49, %swap3A_50] : memref<16384x128xf32, #tpu.memory_space<vmem>>, vector<1024x128xf32>
    tpu.vector_store %arg3[%swap3A_49, %swap3A_50], %slice3A_48 {strides = array<i32>} : memref<16384x128xf32, #tpu.memory_space<vmem>>, vector<1024x128xf32>,
    %slice3A_52 = vector.extract_strided_slice %select_n3A {offsets = [0, 1152], sizes = [1024, 128], strides = [1, 1]} : vector<1024x2048xf32> to vector<1024x128xf32>
    %swap3A_53 = arith.constant 9216 : index
    %swap3A_54 = arith.constant 0 : index
    %swap3A_55 = vector.load %arg3[%swap3A_53, %swap3A_54] : memref<16384x128xf32, #tpu.memory_space<vmem>>, vector<1024x128xf32>
    tpu.vector_store %arg3[%swap3A_53, %swap3A_54], %slice3A_52 {strides = array<i32>} : memref<16384x128xf32, #tpu.memory_space<vmem>>, vector<1024x128xf32>,
    %slice3A_56 = vector.extract_strided_slice %select_n3A {offsets = [0, 1280], sizes = [1024, 128], strides = [1, 1]} : vector<1024x2048xf32> to vector<1024x128xf32>
    %swap3A_57 = arith.constant 10240 : index
    %swap3A_58 = arith.constant 0 : index
    %swap3A_59 = vector.load %arg3[%swap3A_57, %swap3A_58] : memref<16384x128xf32, #tpu.memory_space<vmem>>, vector<1024x128xf32>
    tpu.vector_store %arg3[%swap3A_57, %swap3A_58], %slice3A_56 {strides = array<i32>} : memref<16384x128xf32, #tpu.memory_space<vmem>>, vector<1024x128xf32>,
    %slice3A_60 = vector.extract_strided_slice %select_n3A {offsets = [0, 1408], sizes = [1024, 128], strides = [1, 1]} : vector<1024x2048xf32> to vector<1024x128xf32>
    %swap3A_61 = arith.constant 11264 : index
    %swap3A_62 = arith.constant 0 : index
    %swap3A_63 = vector.load %arg3[%swap3A_61, %swap3A_62] : memref<16384x128xf32, #tpu.memory_space<vmem>>, vector<1024x128xf32>
    tpu.vector_store %arg3[%swap3A_61, %swap3A_62], %slice3A_60 {strides = array<i32>} : memref<16384x128xf32, #tpu.memory_space<vmem>>, vector<1024x128xf32>,
    %slice3A_64 = vector.extract_strided_slice %select_n3A {offsets = [0, 1536], sizes = [1024, 128], strides = [1, 1]} : vector<1024x2048xf32> to vector<1024x128xf32>
    %swap3A_65 = arith.constant 12288 : index
    %swap3A_66 = arith.constant 0 : index
    %swap3A_67 = vector.load %arg3[%swap3A_65, %swap3A_66] : memref<16384x128xf32, #tpu.memory_space<vmem>>, vector<1024x128xf32>
    tpu.vector_store %arg3[%swap3A_65, %swap3A_66], %slice3A_64 {strides = array<i32>} : memref<16384x128xf32, #tpu.memory_space<vmem>>, vector<1024x128xf32>,
    %slice3A_68 = vector.extract_strided_slice %select_n3A {offsets = [0, 1664], sizes = [1024, 128], strides = [1, 1]} : vector<1024x2048xf32> to vector<1024x128xf32>
    %swap3A_69 = arith.constant 13312 : index
    %swap3A_70 = arith.constant 0 : index
    %swap3A_71 = vector.load %arg3[%swap3A_69, %swap3A_70] : memref<16384x128xf32, #tpu.memory_space<vmem>>, vector<1024x128xf32>
    tpu.vector_store %arg3[%swap3A_69, %swap3A_70], %slice3A_68 {strides = array<i32>} : memref<16384x128xf32, #tpu.memory_space<vmem>>, vector<1024x128xf32>,
    %slice3A_72 = vector.extract_strided_slice %select_n3A {offsets = [0, 1792], sizes = [1024, 128], strides = [1, 1]} : vector<1024x2048xf32> to vector<1024x128xf32>
    %swap3A_73 = arith.constant 14336 : index
    %swap3A_74 = arith.constant 0 : index
    %swap3A_75 = vector.load %arg3[%swap3A_73, %swap3A_74] : memref<16384x128xf32, #tpu.memory_space<vmem>>, vector<1024x128xf32>
    tpu.vector_store %arg3[%swap3A_73, %swap3A_74], %slice3A_72 {strides = array<i32>} : memref<16384x128xf32, #tpu.memory_space<vmem>>, vector<1024x128xf32>,
    %slice3A_76 = vector.extract_strided_slice %select_n3A {offsets = [0, 1920], sizes = [1024, 128], strides = [1, 1]} : vector<1024x2048xf32> to vector<1024x128xf32>
    %swap3A_77 = arith.constant 15360 : index
    %swap3A_78 = arith.constant 0 : index
    %swap3A_79 = vector.load %arg3[%swap3A_77, %swap3A_78] : memref<16384x128xf32, #tpu.memory_space<vmem>>, vector<1024x128xf32>
    tpu.vector_store %arg3[%swap3A_77, %swap3A_78], %slice3A_76 {strides = array<i32>} : memref<16384x128xf32, #tpu.memory_space<vmem>>, vector<1024x128xf32>,
    %slice3A_80 = vector.extract_strided_slice %select_n3A {offsets = [0, 0], sizes = [1024, 128], strides = [1, 1]} : vector<1024x2048xf32> to vector<1024x128xf32>
    %slice3A_81 = vector.extract_strided_slice %select_n3A {offsets = [0, 128], sizes = [1024, 128], strides = [1, 1]} : vector<1024x2048xf32> to vector<1024x128xf32>
    %max3A_82 = arith.maximumf %slice3A_80, %slice3A_81 : vector<1024x128xf32>
    %slice3A_83 = vector.extract_strided_slice %select_n3A {offsets = [0, 256], sizes = [1024, 128], strides = [1, 1]} : vector<1024x2048xf32> to vector<1024x128xf32>
    %max3A_84 = arith.maximumf %max3A_82, %slice3A_83 : vector<1024x128xf32>
    %slice3A_85 = vector.extract_strided_slice %select_n3A {offsets = [0, 384], sizes = [1024, 128], strides = [1, 1]} : vector<1024x2048xf32> to vector<1024x128xf32>
    %max3A_86 = arith.maximumf %max3A_84, %slice3A_85 : vector<1024x128xf32>
    %slice3A_87 = vector.extract_strided_slice %select_n3A {offsets = [0, 512], sizes = [1024, 128], strides = [1, 1]} : vector<1024x2048xf32> to vector<1024x128xf32>
    %max3A_88 = arith.maximumf %max3A_86, %slice3A_87 : vector<1024x128xf32>
    %slice3A_89 = vector.extract_strided_slice %select_n3A {offsets = [0, 640], sizes = [1024, 128], strides = [1, 1]} : vector<1024x2048xf32> to vector<1024x128xf32>
    %max3A_90 = arith.maximumf %max3A_88, %slice3A_89 : vector<1024x128xf32>
    %slice3A_91 = vector.extract_strided_slice %select_n3A {offsets = [0, 768], sizes = [1024, 128], strides = [1, 1]} : vector<1024x2048xf32> to vector<1024x128xf32>
    %max3A_92 = arith.maximumf %max3A_90, %slice3A_91 : vector<1024x128xf32>
    %slice3A_93 = vector.extract_strided_slice %select_n3A {offsets = [0, 896], sizes = [1024, 128], strides = [1, 1]} : vector<1024x2048xf32> to vector<1024x128xf32>
    %max3A_94 = arith.maximumf %max3A_92, %slice3A_93 : vector<1024x128xf32>
    %slice3A_95 = vector.extract_strided_slice %select_n3A {offsets = [0, 1024], sizes = [1024, 128], strides = [1, 1]} : vector<1024x2048xf32> to vector<1024x128xf32>
    %max3A_96 = arith.maximumf %max3A_94, %slice3A_95 : vector<1024x128xf32>
    %slice3A_97 = vector.extract_strided_slice %select_n3A {offsets = [0, 1152], sizes = [1024, 128], strides = [1, 1]} : vector<1024x2048xf32> to vector<1024x128xf32>
    %max3A_98 = arith.maximumf %max3A_96, %slice3A_97 : vector<1024x128xf32>
    %slice3A_99 = vector.extract_strided_slice %select_n3A {offsets = [0, 1280], sizes = [1024, 128], strides = [1, 1]} : vector<1024x2048xf32> to vector<1024x128xf32>
    %max3A_100 = arith.maximumf %max3A_98, %slice3A_99 : vector<1024x128xf32>
    %slice3A_101 = vector.extract_strided_slice %select_n3A {offsets = [0, 1408], sizes = [1024, 128], strides = [1, 1]} : vector<1024x2048xf32> to vector<1024x128xf32>
    %max3A_102 = arith.maximumf %max3A_100, %slice3A_101 : vector<1024x128xf32>
    %slice3A_103 = vector.extract_strided_slice %select_n3A {offsets = [0, 1536], sizes = [1024, 128], strides = [1, 1]} : vector<1024x2048xf32> to vector<1024x128xf32>
    %max3A_104 = arith.maximumf %max3A_102, %slice3A_103 : vector<1024x128xf32>
    %slice3A_105 = vector.extract_strided_slice %select_n3A {offsets = [0, 1664], sizes = [1024, 128], strides = [1, 1]} : vector<1024x2048xf32> to vector<1024x128xf32>
    %max3A_106 = arith.maximumf %max3A_104, %slice3A_105 : vector<1024x128xf32>
    %slice3A_107 = vector.extract_strided_slice %select_n3A {offsets = [0, 1792], sizes = [1024, 128], strides = [1, 1]} : vector<1024x2048xf32> to vector<1024x128xf32>
    %max3A_108 = arith.maximumf %max3A_106, %slice3A_107 : vector<1024x128xf32>
    %slice3A_109 = vector.extract_strided_slice %select_n3A {offsets = [0, 1920], sizes = [1024, 128], strides = [1, 1]} : vector<1024x2048xf32> to vector<1024x128xf32>
    %max3A_110 = arith.maximumf %max3A_108, %slice3A_109 : vector<1024x128xf32>
    %swap3A_111 = arith.constant 0 : index
    %swap3A_112 = arith.constant 0 : index
    %swap3A_113 = vector.load %arg4[%swap3A_111, %swap3A_112] : memref<1024x128xf32, #tpu.memory_space<vmem>>, vector<1024x128xf32>
    tpu.vector_store %arg4[%swap3A_111, %swap3A_112], %max3A_110 {strides = array<i32>} : memref<1024x128xf32, #tpu.memory_space<vmem>>, vector<1024x128xf32>,
    return
  }
  func.func @transform_0(%arg0: i32) -> (i32, i32) {
    %c0_i32 = arith.constant 0 : i32
    %c0_i32_0 = arith.constant 0 : i32
    %c0_i32_1 = arith.constant 0 : i32
    return %c0_i32, %c0_i32_0 : i32, i32
  }
  func.func @transform_1(%arg0: i32) -> (i32, i32) {
    %c0_i32 = arith.constant 0 : i32
    %c0_i32_0 = arith.constant 0 : i32
    return %arg0, %c0_i32 : i32, i32
  }
  func.func @transform_2(%arg0: i32) -> (i32, i32) {
    %c0_i32 = arith.constant 0 : i32
    %c0_i32_0 = arith.constant 0 : i32
    return %arg0, %c0_i32 : i32, i32
  }
  func.func @transform_3(%arg0: i32) -> (i32, i32) {
    %c0_i32 = arith.constant 0 : i32
    %c0_i32_0 = arith.constant 0 : i32
    return %c0_i32, %arg0 : i32, i32
  }
}

</mosaic_0001>

<sc_bundles>
// kernel: kernel.5.cloned.1.call-start
scs
__scs_entry_jumppad:
0x0: {  	(pc) =	sbr.rel $0x88, $3  }
0x1: {  	(tag) =	ssettag $0x0;
	lr =	simm.s32 $0x1  }
0x2: {  	[smem:$0x3F9E] =	sst lr;
	_ =	strace $0xD0000000  }
0x3: {  	_ = 	snop  }
0x4: {  	_ = 	snop  }
0x5: {  	_ = 	snop  }
0x6: {  	_ = 	snop  }
0x7: {  	_ = 	snop  }
__scs_overlays_trampoline_lowered:
0x8: {  	[smem:$0x3FAD] =	sst s0  }
0x9: {  	[smem:$0x3FAE] =	sst s1  }
0xa: {  	[smem:$0x3FAF] =	sst s2  }
0xb: {  	[smem:$0x3FB0] =	sst s3  }
0xc: {  	[smem:$0x3FB1] =	sst s4  }
0xd: {  	[smem:$0x3FB2] =	sst s5  }
0xe: {  	[smem:$0x3FB3] =	sst s6  }
0xf: {  	[smem:$0x3FB4] =	sst s7  }
0x10: {  	[smem:$0x3FB5] =	sst s8  }
0x11: {  	[smem:$0x3FB6] =	sst s9;
	s0 =	simm.s32 @!p0 $0x0  }
0x12: {  	s1 =	sld [smem:$0x3F9C];
	s0 =	simm.s32 @p0 $0x1  }
0x13: {  	[smem:$0x3FB7] =	sst s0;
	s0 =	simm.s32 @!p1 $0x0  }
0x14: {  	s2 =	sld [smem:$0x3F9B];
	s0 =	simm.s32 @p1 $0x1  }
0x15: {  	[smem:$0x3FB8] =	sst s0;
	s0 =	simm.s32 @!p2 $0x0  }
0x16: {  	s3 =	sld [smem:$0x3FDB];
	s0 =	simm.s32 @p2 $0x1  }
0x17: {  	s4 =	simm.s32 $0x1BF5;
	[smem:$0x3FBA] =	sst s0  }
0x18: {  	s0 =	sld [smem:$0x3F9D];
	_ =	swait.ge [sflag:s4], $0x0  }
0x19: {  	s7 =	sld [smem:$0x3F9E]  }
0x1a: {  	s8 =	sadd.s32 $0xFFFFE003, lr  }
0x1b: {  	s9 =	sadd.s32 $0xFFFFFEF7, lr;
	s5 =	simm.s32 $0xFFFFFFFF;
	p2 =	slt.u32 s8, $0xFFFFF086  }
0x1c: {  	p1 =	slt.u32 s9, $0xF7A;
	s5 =	simm.s32 @!p2 $0x0  }
0x1d: {  	s5 =	simm.s32 @p1 $0x1;
	p0 =	seq.s32 s7, s2  }
0x1e: {  	s7 =	smul.u32 @!p0 $0xF7A, s2;
	p2 =	seq.s32 @!p0 s5, $0x0  }
0x1f: {  	s9 =	smul.u32 $0xF7A, s1;
	s8 =	simm.s32 @!p0 $0x1BF5;
	p2 =	por !p2, p0  }
0x20: {  	[sflag:s8] =	ssyncset.s32 @!p0 $0xFFFFF086;
	s6 =	sadd.s32 @!p0 s3, s7;
	s7 =	simm.s32 @!p0 $0x108  }
0x21: {  	s3 =	sadd.s32 s3, s9;
	s6 =	sadd.s32 @!p0 $0x88, s6;
	s7 =	simm.s32 @p2 $0x1082  }
0x22: {  	[simem:s7], [sflag:s8] =	dma.local @!p0 [hbm:s6], $0xF7A  }
0x23: {  	s9 =	sor.u32 $0xD0000000, s2;
	s6 =	simm.s32 $0x108;
	_ =	swait.ge @!p0 [sflag:s8], $0x0  }
0x24: {  	s3 =	sadd.s32 $0x88, s3;
	s6 =	simm.s32 @!p1 $0x1082;
	[sflag:s4] =	ssyncset.s32 $0xFFFFF086  }
0x25: {  	[simem:s6], [sflag:s4] =	dma.local [hbm:s3], $0xF7A  }
0x26: {  	[smem:$0x3F9E] =	sst s1;
	(tag) =	ssettag s2;
	_ =	strace s9  }
0x27: {  	s1 =	sld [smem:$0x3FAE]  }
0x28: {  	s2 =	sld [smem:$0x3FAF]  }
0x29: {  	s4 =	sld [smem:$0x3FB1]  }
0x2a: {  	p0 =	seq.s32 s5, $0x0;
	s5 =	sld [smem:$0x3FB2]  }
0x2b: {  	s6 =	sld [smem:$0x3FB3]  }
0x2c: {  	s7 =	sld [smem:$0x3FB4]  }
0x2d: {  	s3 =	simm.s32 $0x108;
	s8 =	sld [smem:$0x3FB5]  }
0x2e: {  	s3 =	simm.s32 @!p0 $0x1082;
	s9 =	sld [smem:$0x3FB6]  }
0x2f: {  	lr =	sadd.s32 s0, s3;
	s0 =	sld [smem:$0x3FAD]  }
0x30: {  	s3 =	sld [smem:$0x3FB0]  }
0x31: {  	[smem:$0x3FB9] =	sst s10  }
0x32: {  	s10 =	sld [smem:$0x3FB7];
	_ =	sdelay $0x3  }
0x33: {  	p0 =	seq.s32 s10, $0x1;
	s10 =	sld [smem:$0x3FB9];
	_ =	sdelay $0x3  }
0x34: {  	[smem:$0x3FB9] =	sst s10  }
0x35: {  	s10 =	sld [smem:$0x3FB8];
	_ =	sdelay $0x3  }
0x36: {  	p1 =	seq.s32 s10, $0x1;
	s10 =	sld [smem:$0x3FB9];
	_ =	sdelay $0x3  }
0x37: {  	[smem:$0x3FB9] =	sst s10  }
0x38: {  	s10 =	sld [smem:$0x3FBA]  }
0x39: {  	_ = 	snop;
	(pc) =	sbr.ind lr, $3  }
0x3a: {  	_ = 	snop  }
0x3b: {  	_ = 	snop  }
0x3c: {  	p2 =	seq.s32 s10, $0x1;
	s10 =	sld [smem:$0x3FB9]  }
0x3d: {  	_ =	shalt  }
0x3e: {  	_ =	shalt  }
0x3f: {  	_ =	shalt  }
0x40: {  	_ =	shalt  }
0x41: {  	_ =	shalt  }
0x42: {  	_ =	shalt  }
0x43: {  	_ =	shalt  }
0x44: {  	_ =	shalt  }
0x45: {  	_ =	shalt  }
0x46: {  	_ =	shalt  }
0x47: {  	_ =	shalt  }
0x48: {  	_ =	shalt  }
0x49: {  	_ =	shalt  }
0x4a: {  	_ =	shalt  }
0x4b: {  	_ =	shalt  }
0x4c: {  	_ =	shalt  }
0x4d: {  	_ =	shalt  }
0x4e: {  	_ =	shalt  }
0x4f: {  	_ =	shalt  }
0x50: {  	_ =	shalt  }
0x51: {  	_ =	shalt  }
0x52: {  	_ =	shalt  }
0x53: {  	_ =	shalt  }
0x54: {  	_ =	shalt  }
0x55: {  	_ =	shalt  }
0x56: {  	_ =	shalt  }
0x57: {  	_ =	shalt  }
0x58: {  	_ =	shalt  }
0x59: {  	_ =	shalt  }
0x5a: {  	_ =	shalt  }
0x5b: {  	_ =	shalt  }
0x5c: {  	_ =	shalt  }
0x5d: {  	_ =	shalt  }
0x5e: {  	_ =	shalt  }
0x5f: {  	_ =	shalt  }
0x60: {  	_ =	shalt  }
0x61: {  	_ =	shalt  }
0x62: {  	_ =	shalt  }
0x63: {  	_ =	shalt  }
0x64: {  	_ =	shalt  }
0x65: {  	_ =	shalt  }
0x66: {  	_ =	shalt  }
0x67: {  	_ =	shalt  }
0x68: {  	_ =	shalt  }
0x69: {  	_ =	shalt  }
0x6a: {  	_ =	shalt  }
0x6b: {  	_ =	shalt  }
0x6c: {  	_ =	shalt  }
0x6d: {  	_ =	shalt  }
0x6e: {  	_ =	shalt  }
0x6f: {  	_ =	shalt  }
0x70: {  	_ =	shalt  }
0x71: {  	_ =	shalt  }
0x72: {  	_ =	shalt  }
0x73: {  	_ =	shalt  }
0x74: {  	_ =	shalt  }
0x75: {  	_ =	shalt  }
0x76: {  	_ =	shalt  }
0x77: {  	_ =	shalt  }
0x78: {  	_ =	shalt  }
0x79: {  	_ =	shalt  }
0x7a: {  	_ =	shalt  }
0x7b: {  	_ =	shalt  }
0x7c: {  	_ =	shalt  }
0x7d: {  	_ =	shalt  }
0x7e: {  	_ =	shalt  }
0x7f: {  	_ =	shalt  }
0x80: {  	_ =	shalt  }
0x81: {  	_ =	shalt  }
0x82: {  	_ =	shalt  }
0x83: {  	_ =	shalt  }
0x84: {  	_ =	shalt  }
0x85: {  	_ =	shalt  }
0x86: {  	_ =	shalt  }
0x87: {  	_ =	shalt  }
.Lfunc_end0:
.L_simem_size_0:
called_computation_lowered:
.L_overlay_start_0:
0x88: {  	s2 =	sld [smem:$0x3FD9]  }
0x89: {  	s3 =	sld [smem:$0x3FFE];
	_ =	sdelay $0x1  }
0x8a: {  	s1 =	srdreg.scid  }
0x8b: {  	s0 =	sand.u32 $0x1, s1  }
0x8c: {  	s17 =	sshll.u32 s0, $0xA;
	s2 =	sadd.s32 s3, s2  }
0x8d: {  	s2 =	sadd.s32 s2, s17  }
0x8e: {  	[smem:$0x3FC5] =	sst s2  }
0x8f: {  	_ = 	snop  }
0x90: {  	s2 =	sld [smem:$0x3FD0];
	(tm) =	ssettm $0x1  }
0x91: {  	s18 =	sld [smem:$0x3FFB];
	_ =	sdelay $0x3  }
0x92: {  	_ =	strace s18  }
0x93: {  	s3 =	sld [smem:$0x3FFC];
	_ =	sdelay $0x3  }
0x94: {  	_ =	strace s3  }
0x95: {  	s3 =	sld [smem:$0x3FFD];
	_ =	sdelay $0x3  }
0x96: {  	_ =	strace s3  }
0x97: {  	_ =	strace $0x8FFFFFFF  }
0x98: {  	s19 =	sld [smem:$0x3FDB];
	_ =	sdelay $0x1  }
0x99: {  	s4 =	simm.s32 $_scs_section_size  }
0x9a: {  	s5 =	simm.s32 $_size__tile_overlayer_lowered;
	s6 =	simm.s32 $_tile_overlayer_lowered  }
0x9b: {  	s22 =	simm.s32 $0x1BFF;
	s21 =	sshll.u32 s6, $0x1;
	s3 =	sadd.s32 s4, s19  }
0x9c: {  	s7 =	simm.s32 $0x0;
	s20 =	sshll.u32 s5, $0x1;
	s5 =	sadd.s32 s21, s3  }
0x9d: {  	[timem:s7], [sflag:s22] =	dma.local [hbm:s5], s20  }
0x9e: {  	_ =	swait.ge [sflag:s22], s20  }
0x9f: {  	s4 =	ssub.s32 $0x0, s20;
	[sflag:s22] =	ssyncset.done $0x0  }
0xa0: {  	[sflag:s22] =	ssyncadd.s32 s4;
	_ =	sdelay $0x1  }
0xa1: {  	s23 =	simm.s32 $0x1B8B  }
0xa2: {  	_ =	swait.ge [sflag:s23], $0x1  }
0xa3: {  	[sflag:s23] =	ssyncset.done $0x0  }
0xa4: {  	s25 =	simm.s32 $0x1B8E;
	s24 =	sld [smem:$0x3FFE];
	[sflag:s23] =	ssyncadd.s32 $0xFFFFFFFF  }
0xa5: {  	s26 =	simm.s32 $execute0_lowered;
	[smem:$0x3FD2] =	sst s25  }
0xa6: {  	s5 =	sshll.u32 s26, $0x1;
	_ =	strace $0x80000046;
	[dreg:$0x1] =	wrdreg $0xFFFFFFFF  }
0xa7: {  	s28 =	simm.s32 $_size_execute0_lowered;
	s3 =	sadd.s32 s3, s5;
	[dreg:$0x0] =	wrdreg $0x0  }
0xa8: {  	s5 =	sshll.u32 s28, $0x1;
	[dreg:$0x2] =	wrdreg s3  }
0xa9: {  	[dreg:$0x3] =	wrdreg s5  }
0xaa: {  	[dreg:$0x4] =	wrdreg $0xC0  }
0xab: {  	_ =	task [dreg:s7], $0x5FFFF  }
0xac: {  	[dreg:$0x1] =	wrdreg $0xFFFFFFFF  }
0xad: {  	[dreg:$0x0] =	wrdreg $0x60  }
0xae: {  	[dreg:$0x2] =	wrdreg s24  }
0xaf: {  	[dreg:$0x3] =	wrdreg s2  }
0xb0: {  	[dreg:$0x4] =	wrdreg $0x9  }
0xb1: {  	_ =	task.clear_ibuf [dreg:s7], $0x5FFFF;
	_ =	strace $0x90000046  }
0xb2: {  	s29 =	simm.s32 $0x9;
	_ =	strace $0x8000004D  }
0xb3: {  	_ =	swait.ge [sflag:s29], $0x1  }
0xb4: {  	[sflag:s29] =	ssyncadd.s32 $0xFFFFFFFF  }
0xb5: {  	_ =	strace $0x9000004D  }
0xb6: {  	_ =	sfence  }
0xb7: {  	s30 =	sld [smem:$0x0];
	_ =	sdelay $0x2  }
0xb8: {  	s31 =	sshll.u32 s1, $0xD;
	s1 =	sshrl.u32 s1, $0x2  }
0xb9: {  	s3 =	sand.u32 $0x4000, s31;
	s1 =	sadd.s32 s1, s30  }
0xba: {  	s0 =	sor.u32 s3, s0;
	s1 =	sshll.u32 s1, $0x11  }
0xbb: {  	s0 =	sor.u32 s1, s0  }
0xbc: {  	s0 =	sadd.s32 $0x8F2B, s0  }
0xbd: {  	[sflag:s0] =	ssyncadd.remote.s32 $0x1  }
0xbe: {  	_ =	sfence.sel $0xFFFF  }
0xbf: {  	[dreg:$0x0] =	wrdreg $0xFFFFFFFF;
	(pc) =	sbr.abs _section_cstart, $3  }
0xc0: {  	[dreg:$0x1] =	wrdreg $0xFFFFFFFF  }
0xc1: {  	_ =	task.clear_ibuf [dreg:s7], $0x2FFFF;
	_ =	strace $0x9FFFFFFF  }
0xc2: {  	(tm) =	ssettm $0x7FFFFFFF  }
0xc3: {  	_ =	shalt  }
tec
execute0_lowered:
.L_overlay_start_1:
0x0: {  	(tag) =	ssettag $0x1  }
0x1: {  	s0 =	rddreg [dreg:$0x0]  }
0x2: {  	s1 =	rddreg [dreg:$0x1];
	v0 =	vlaneseq.u32;
	vm0 =	vmmov $0x1  }
0x3: {  	s9 =	simm.s32 $0x0;
	s2 =	srdreg.scid;
	s8 =	stileid.u32;
	vm1 =	vcmask $0x320;
	vm2 =	vcmask $0x720;
	vm3 =	vcmask $0xB08  }
0x4: {  	vm4 =	vcmask $0xB20;
	vm5 =	vmmov $0x7;
	v3 =	vimm.s32 $0x17318;
	[smem:$0x7FF] =	sst s9;
	s2 =	sand.u32 $0x1, s2;
	s3 =	sshll.u32 s8, $0x1  }
0x5: {  	vm7 =	vcmask $0x2320;
	vm6 =	vcmask $0xF20;
	vm8 =	vcmask $0x2724;
	s30 =	sshll.u32 s8, $0xD;
	_ =	strace $0x80000047;
	s4 =	sor.u32 s2, s3  }
0x6: {  	vm9 =	vcmask $0x2B28;
	vm10 =	vcmask $0x2F2C;
	v3 =	vsel vm7, $0x157C0, v3;
	s5 =	ssub.s32 $0x2, s2;
	s3 =	sadd.s32 $0x24CE00, s0;
	s2 =	sshll.u32 s2, $0xC  }
0x7: {  	vm11 =	vcmask $0x3330;
	vm12 =	vcmask $0x3734;
	v3 =	vsel vm8, $0x15BA8, v3;
	s6 =	sshll.u32 s4, $0x5;
	s4 =	sshll.u32 s4, $0x8;
	s31 =	sor.u32 s2, s30  }
0x8: {  	vm14 =	vcmask $0x3B38;
	vm13 =	vmmov $0xff;
	v3 =	vsel vm9, $0x15F90, v3;
	s6 =	sadd.s32 s6, s0;
	s0 =	sadd.s32 $0x189200, s0;
	[dreg:$0x3] =	wrdreg s31  }
0x9: {  	v1 =	vmul.u32 $0x80, v0;
	v2 =	vmul.u32 $0x20000, v0;
	s7 =	sshrl.u32 s5, $0x1;
	s1 =	sadd.s32 s1, s4;
	v3 =	vsel vm10, $0x16378, v3;
	[dreg:$0x4] =	wrdreg s0  }
0xa: {  	vm7 =	vmmov $0xf;
	vm8 =	vcmask $0x1320;
	s29 =	ssub.s32 s5, s7;
	s6 =	sadd.s32 $0x2400, s6;
	[dreg:$0x6] =	wrdreg s1;
	v3 =	vsel vm11, $0x16760, v3  }
0xb: {  	vm9 =	vmmov $0x1f;
	vm10 =	vcmask $0x1720;
	s0 =	smax.u32 s29, $0x1;
	[dreg:$0x5] =	wrdreg s6;
	v3 =	vsel vm12, $0x16B48, v3  }
0xc: {  	s2 =	simm.s32 $0x0;
	s1 =	simm.s32 $0x2;
	vm11 =	vmmov $0x3f;
	[dreg:$0x7] =	wrdreg s0;
	vm12 =	vcmask $0x1B20;
	v3 =	vsel vm14, $0x16F30, v3  }
.LBB2_1:
0xd: {  	[dreg:$0x8] =	wrdreg s2  }
0xe: {  	s0 =	rddreg [dreg:$0x5]  }
0xf: {  	[tilespmem:s9], [sflag:$0x2] =	stream.linear.gather [hbm4b:s0+s9], $0x100, $0x38;
	[tilespmem:$0xBD00] =	vst v63  }
0x10: {  	_ =	swait.ge [sflag:s1], $0x100  }
0x11: {  	[sflag:s1] =	ssyncset.done $0x0  }
0x12: {  	s15 =	simm.s32 $0x1180;
	s16 =	simm.s32 $0x180;
	[sflag:s1] =	ssyncadd.s32 $0xFFFFFF00  }
0x13: {  	s17 =	simm.s32 $0x0;
	s18 =	simm.s32 $0x0;
	_ =	strace $0x80000048  }
.LBB2_2:
0x14: {  	v4 =	vld [tilespmem:s17+$0x0];
	_ =	sdelay $0x4  }
0x15: {  	(v2sf) =	vpush v4, $0x0  }
0x16: {  	(v2sf) =	vpush v4, $0x1;
	_ =	sdelay $0x1  }
0x17: {  	(v2sf) =	vpush v4, $0x2;
	_ =	sdelay $0xb  }
0x18: {  	s5 =	simm.s32 $0x1;
	s0 =	spop (v2sf)  }
0x19: {  	s7 =	simm.s32 $0xFFFFFFFF;
	s1 =	sshra.s32 s0, $0x1F;
	s4 =	spop (v2sf)  }
0x1a: {  	p0 =	slt.s32 s0, $0x1;
	s1 =	sshrl.u32 s1, $0x19;
	s6 =	sshra.s32 s4, $0x1F  }
0x1b: {  	s9 =	spop (v2sf);
	s1 =	sadd.s32 s1, s0;
	s6 =	sshrl.u32 s6, $0x19  }
0x1c: {  	(v2sf) =	vpush v4, $0x3;
	s26 =	sshra.s32 s9, $0x1F;
	p3 =	slt.s32 s9, $0x1;
	s2 =	sand.u32 $0xFFFFFF80, s1  }
0x1d: {  	s1 =	sshra.s32 s1, $0x7;
	s6 =	sadd.s32 s6, s4;
	p1 =	sne.s32 s0, s2  }
0x1e: {  	s2 =	ssub.s32 s0, s2;
	s8 =	sand.u32 $0xFFFFFF80, s6;
	s24 =	sshra.s32 s6, $0x7  }
0x1f: {  	(v2sf) =	vpush v4, $0x4;
	s6 =	sshrl.u32 s26, $0x19;
	p0 =	por !p0, !p1;
	p1 =	slt.s32 s4, $0x1  }
0x20: {  	p2 =	sne.s32 s4, s8;
	s25 =	ssub.s32 s4, s8;
	s6 =	sadd.s32 s6, s9  }
0x21: {  	p0 =	por !p0, !p0;
	s29 =	sand.u32 $0xFFFFFF80, s6;
	s30 =	sshra.s32 s6, $0x7  }
0x22: {  	s5 =	simm.s32 @!p0 $0x0;
	s7 =	simm.s32 @!p0 $0x0;
	p0 =	por !p1, !p2  }
0x23: {  	p4 =	sne.s32 s9, s29;
	s5 =	ssub.s32 s1, s5;
	s7 =	sshll.u32 s7, $0x15  }
0x24: {  	s1 =	smul.u32 $0x1FFF80, s1;
	p0 =	por !p0, !p0;
	s5 =	sshll.u32 s5, $0xB  }
0x25: {  	s0 =	sadd.s32 s7, s0;
	s7 =	simm.s32 $0x1;
	s19 =	sadd.s32 s2, s5  }
0x26: {  	s20 =	sadd.s32 s1, s0;
	s0 =	simm.s32 $0x1;
	s5 =	simm.s32 $0xFFFFFFFF  }
0x27: {  	s1 =	smul.u32 $0x1FFF80, s24;
	s2 =	ssub.s32 s9, s29;
	s0 =	simm.s32 @!p0 $0x0  }
0x28: {  	s5 =	simm.s32 @!p0 $0x0;
	p0 =	por !p3, !p4;
	s0 =	ssub.s32 s24, s0  }
0x29: {  	s5 =	sshll.u32 s5, $0x15;
	p0 =	por !p0, !p0;
	s0 =	sshll.u32 s0, $0xB  }
0x2a: {  	s28 =	sadd.s32 s5, s4;
	s4 =	simm.s32 $0x1;
	s5 =	simm.s32 $0xFFFFFFFF  }
0x2b: {  	s0 =	sadd.s32 s25, s0;
	s31 =	spop (v2sf);
	s4 =	simm.s32 @!p0 $0x0  }
0x2c: {  	(v2sf) =	vpush v4, $0x5;
	s5 =	simm.s32 @!p0 $0x0;
	[dreg:$0x9] =	wrdreg s0;
	s0 =	sadd.s32 s1, s28  }
0x2d: {  	s8 =	sshra.s32 s31, $0x1F;
	s4 =	ssub.s32 s30, s4;
	s5 =	sshll.u32 s5, $0x15  }
0x2e: {  	s11 =	spop (v2sf);
	p5 =	slt.s32 s31, $0x1;
	[dreg:$0xa] =	wrdreg s0  }
0x2f: {  	s6 =	sshrl.u32 s8, $0x19;
	s4 =	sshll.u32 s4, $0xB;
	s0 =	smul.u32 $0x1FFF80, s30  }
0x30: {  	(v2sf) =	vpush v4, $0x6;
	s5 =	sadd.s32 s5, s9;
	s14 =	sshra.s32 s11, $0x1F;
	p1 =	slt.s32 s11, $0x1  }
0x31: {  	s8 =	simm.s32 $0xFFFFFFFF;
	s6 =	sadd.s32 s6, s31;
	s2 =	sadd.s32 s2, s4  }
0x32: {  	s10 =	sand.u32 $0xFFFFFF80, s6;
	[dreg:$0xb] =	wrdreg s2;
	s21 =	sadd.s32 s0, s5  }
0x33: {  	s12 =	sshra.s32 s6, $0x7;
	s2 =	simm.s32 $0x1;
	s6 =	simm.s32 $0xFFFFFFFF  }
0x34: {  	s5 =	sshrl.u32 s14, $0x19;
	p6 =	sne.s32 s31, s10;
	s13 =	ssub.s32 s31, s10  }
0x35: {  	s5 =	sadd.s32 s5, s11;
	s0 =	smul.u32 $0x1FFF80, s12;
	p0 =	por !p5, !p6  }
0x36: {  	s22 =	sand.u32 $0xFFFFFF80, s5;
	s24 =	sshra.s32 s5, $0x7;
	s5 =	simm.s32 $0x1  }
0x37: {  	p0 =	por !p0, !p0;
	p2 =	sne.s32 s11, s22;
	s26 =	ssub.s32 s11, s22  }
0x38: {  	s2 =	simm.s32 @!p0 $0x0;
	s6 =	simm.s32 @!p0 $0x0;
	p0 =	por !p1, !p2  }
0x39: {  	s2 =	ssub.s32 s12, s2;
	s6 =	sshll.u32 s6, $0x15;
	p0 =	por !p0, !p0  }
0x3a: {  	s2 =	sshll.u32 s2, $0xB;
	s1 =	sadd.s32 s6, s31;
	s6 =	simm.s32 $0xFFFFFFFF  }
0x3b: {  	s2 =	sadd.s32 s13, s2;
	s0 =	sadd.s32 s0, s1;
	s23 =	spop (v2sf);
	(v2sf) =	vpush v4, $0x7  }
0x3c: {  	s6 =	simm.s32 @!p0 $0x0;
	[dreg:$0xe] =	wrdreg s0;
	s0 =	simm.s32 $0x1  }
0x3d: {  	[dreg:$0xc] =	wrdreg s2;
	s6 =	sshll.u32 s6, $0x15;
	s0 =	simm.s32 @!p0 $0x0  }
0x3e: {  	s2 =	smul.u32 $0x1FFF80, s24;
	s6 =	sadd.s32 s6, s11;
	s0 =	ssub.s32 s24, s0  }
0x3f: {  	s0 =	sshll.u32 s0, $0xB;
	s25 =	sshra.s32 s23, $0x1F;
	s29 =	spop (v2sf);
	(v2sf) =	vpush v4, $0x8  }
0x40: {  	s30 =	sadd.s32 s2, s6;
	s0 =	sadd.s32 s26, s0;
	s4 =	sshrl.u32 s25, $0x19  }
0x41: {  	p3 =	slt.s32 s23, $0x1;
	[dreg:$0xd] =	wrdreg s0;
	s4 =	sadd.s32 s4, s23  }
0x42: {  	s10 =	sshra.s32 s29, $0x1F;
	p5 =	slt.s32 s29, $0x1;
	s28 =	sand.u32 $0xFFFFFF80, s4  }
0x43: {  	s6 =	sshrl.u32 s10, $0x19;
	s9 =	sshra.s32 s4, $0x7;
	p4 =	sne.s32 s23, s28  }
0x44: {  	s11 =	sadd.s32 s6, s29;
	s0 =	ssub.s32 s23, s28;
	p0 =	por !p3, !p4  }
0x45: {  	s2 =	smul.u32 $0x1FFF80, s9;
	s6 =	sand.u32 $0xFFFFFF80, s11;
	p0 =	por !p0, !p0  }
0x46: {  	s13 =	sshra.s32 s11, $0x7;
	p6 =	sne.s32 s29, s6;
	s7 =	simm.s32 @!p0 $0x0  }
0x47: {  	s6 =	ssub.s32 s29, s6;
	s4 =	ssub.s32 s9, s7;
	s7 =	simm.s32 $0xFFFFFFFF  }
0x48: {  	s1 =	smul.u32 $0x1FFF80, s13;
	s4 =	sshll.u32 s4, $0xB;
	s7 =	simm.s32 @!p0 $0x0  }
0x49: {  	p0 =	por !p5, !p6;
	s24 =	sadd.s32 s0, s4;
	s12 =	sshll.u32 s7, $0x15  }
0x4a: {  	p0 =	por !p0, !p0;
	s0 =	sadd.s32 s12, s23;
	s14 =	spop (v2sf);
	(v2sf) =	vpush v4, $0x9  }
0x4b: {  	s8 =	simm.s32 @!p0 $0x0;
	s23 =	sadd.s32 s2, s0;
	s2 =	simm.s32 $0x1  }
0x4c: {  	s8 =	sshll.u32 s8, $0x15;
	s2 =	simm.s32 @!p0 $0x0;
	s22 =	sshra.s32 s14, $0x1F  }
0x4d: {  	s26 =	sadd.s32 s8, s29;
	s8 =	simm.s32 $0xFFFFFFFF;
	s7 =	sshrl.u32 s22, $0x19  }
0x4e: {  	s2 =	ssub.s32 s13, s2;
	s10 =	spop (v2sf);
	(v2sf) =	vpush v4, $0xA;
	s7 =	sadd.s32 s7, s14  }
0x4f: {  	s13 =	sadd.s32 s1, s26;
	s1 =	simm.s32 $0x1;
	s25 =	sand.u32 $0xFFFFFF80, s7  }
0x50: {  	s2 =	sshll.u32 s2, $0xB;
	p1 =	slt.s32 s14, $0x1;
	p2 =	sne.s32 s14, s25  }
0x51: {  	s31 =	sadd.s32 s6, s2;
	s6 =	simm.s32 $0xFFFFFFFF;
	p0 =	por !p1, !p2  }
0x52: {  	s0 =	sshra.s32 s10, $0x1F;
	s28 =	sshra.s32 s7, $0x7;
	p0 =	por !p0, !p0  }
0x53: {  	s7 =	sshrl.u32 s0, $0x19;
	s29 =	ssub.s32 s14, s25;
	s1 =	simm.s32 @!p0 $0x0  }
0x54: {  	s2 =	smul.u32 $0x1FFF80, s28;
	s6 =	simm.s32 @!p0 $0x0;
	s1 =	ssub.s32 s28, s1  }
0x55: {  	s7 =	sadd.s32 s7, s10;
	s6 =	sshll.u32 s6, $0x15;
	s1 =	sshll.u32 s1, $0xB  }
0x56: {  	s4 =	sadd.s32 s6, s14;
	s22 =	sadd.s32 s29, s1;
	s1 =	sand.u32 $0xFFFFFF80, s7  }
0x57: {  	p3 =	slt.s32 s10, $0x1;
	s6 =	sadd.s32 s2, s4;
	p4 =	sne.s32 s10, s1  }
0x58: {  	s4 =	sshra.s32 s7, $0x7;
	s7 =	ssub.s32 s10, s1;
	p0 =	por !p3, !p4  }
0x59: {  	s2 =	smul.u32 $0x1FFF80, s4;
	p0 =	por !p0, !p0;
	s11 =	spop (v2sf)  }
0x5a: {  	(v2sf) =	vpush v4, $0xB;
	s5 =	simm.s32 @!p0 $0x0;
	s8 =	simm.s32 @!p0 $0x0;
	s14 =	sshra.s32 s11, $0x1F  }
0x5b: {  	s5 =	ssub.s32 s4, s5;
	s8 =	sshll.u32 s8, $0x15;
	p5 =	slt.s32 s11, $0x1  }
0x5c: {  	s4 =	simm.s32 $0x1;
	s9 =	sshrl.u32 s14, $0x19;
	s5 =	sshll.u32 s5, $0xB  }
0x5d: {  	s8 =	sadd.s32 s8, s10;
	s14 =	spop (v2sf);
	(v2sf) =	vpush v4, $0xC;
	s10 =	simm.s32 $0xFFFFFFFF  }
0x5e: {  	s9 =	sadd.s32 s9, s11;
	s12 =	sadd.s32 s7, s5;
	s8 =	sadd.s32 s2, s8  }
0x5f: {  	s29 =	sshra.s32 s14, $0x1F;
	p1 =	slt.s32 s14, $0x1;
	s25 =	sand.u32 $0xFFFFFF80, s9  }
0x60: {  	s26 =	sshra.s32 s9, $0x7;
	s9 =	sshrl.u32 s29, $0x19;
	p6 =	sne.s32 s11, s25  }
0x61: {  	s28 =	ssub.s32 s11, s25;
	s9 =	sadd.s32 s9, s14;
	p0 =	por !p5, !p6  }
0x62: {  	s2 =	smul.u32 $0x1FFF80, s26;
	s25 =	sand.u32 $0xFFFFFF80, s9;
	p0 =	por !p0, !p0  }
0x63: {  	s0 =	sshra.s32 s9, $0x7;
	p2 =	sne.s32 s14, s25;
	s4 =	simm.s32 @!p0 $0x0  }
0x64: {  	s1 =	ssub.s32 s14, s25;
	s10 =	simm.s32 @!p0 $0x0;
	s4 =	ssub.s32 s26, s4  }
0x65: {  	p0 =	por !p1, !p2;
	s10 =	sshll.u32 s10, $0x15;
	s4 =	sshll.u32 s4, $0xB  }
0x66: {  	p0 =	por !p0, !p0;
	s5 =	sadd.s32 s28, s4;
	s4 =	simm.s32 $0x1  }
0x67: {  	s7 =	sadd.s32 s10, s11;
	s10 =	simm.s32 $0xFFFFFFFF;
	s4 =	simm.s32 @!p0 $0x0  }
0x68: {  	s11 =	sadd.s32 s2, s7;
	s10 =	simm.s32 @!p0 $0x0;
	s4 =	ssub.s32 s0, s4  }
0x69: {  	s2 =	smul.u32 $0x1FFF80, s0;
	s4 =	sshll.u32 s4, $0xB;
	s9 =	spop (v2sf)  }
0x6a: {  	s28 =	sshll.u32 s10, $0x15;
	s7 =	sadd.s32 s1, s4;
	s26 =	sshra.s32 s9, $0x1F  }
0x6b: {  	s4 =	sadd.s32 s28, s14;
	s28 =	simm.s32 $0x1;
	s25 =	sshrl.u32 s26, $0x19  }
0x6c: {  	(v2sf) =	vpush v4, $0xD;
	p3 =	slt.s32 s9, $0x1;
	s29 =	sadd.s32 s25, s9;
	s25 =	spop (v2sf)  }
0x6d: {  	s4 =	sadd.s32 s2, s4;
	s0 =	sand.u32 $0xFFFFFF80, s29;
	s1 =	sshra.s32 s25, $0x1F  }
0x6e: {  	s10 =	sshra.s32 s29, $0x7;
	p5 =	slt.s32 s25, $0x1;
	p4 =	sne.s32 s9, s0  }
0x6f: {  	s2 =	sshrl.u32 s1, $0x19;
	s14 =	ssub.s32 s9, s0;
	s0 =	simm.s32 $0xFFFFFFFF  }
0x70: {  	s1 =	rddreg [dreg:$0x3];
	p0 =	por !p3, !p4;
	s26 =	sadd.s32 s2, s25  }
0x71: {  	s2 =	simm.s32 $0xFFFFFFFF;
	p0 =	por !p0, !p0;
	s29 =	sand.u32 $0xFFFFFF80, s26  }
0x72: {  	s26 =	sshra.s32 s26, $0x7;
	s28 =	simm.s32 @!p0 $0x0;
	p6 =	sne.s32 s25, s29  }
0x73: {  	s2 =	simm.s32 @!p0 $0x0;
	s28 =	ssub.s32 s10, s28;
	p0 =	por !p5, !p6  }
0x74: {  	s10 =	smul.u32 $0x1FFF80, s10;
	s2 =	sshll.u32 s2, $0x15;
	p0 =	por !p0, !p0  }
0x75: {  	s28 =	sshll.u32 s28, $0xB;
	s2 =	sadd.s32 s2, s9;
	s0 =	simm.s32 @!p0 $0x0  }
0x76: {  	(v2sf) =	vpush v4, $0xE;
	s14 =	sadd.s32 s14, s28;
	s9 =	sadd.s32 s10, s2;
	s28 =	ssub.s32 s25, s29  }
0x77: {  	s2 =	sadd.s32 s18, s1;
	s1 =	simm.s32 $0x1;
	s0 =	sshll.u32 s0, $0x15  }
0x78: {  	s1 =	simm.s32 @!p0 $0x0;
	s20 =	sadd.s32 s20, s2;
	s23 =	sadd.s32 s23, s2  }
0x79: {  	s13 =	sadd.s32 s13, s2;
	s6 =	sadd.s32 s6, s2;
	s8 =	sadd.s32 s8, s2  }
0x7a: {  	s11 =	sadd.s32 s11, s2;
	s4 =	sadd.s32 s4, s2;
	s0 =	sadd.s32 s0, s25  }
0x7b: {  	s1 =	ssub.s32 s26, s1;
	s25 =	smul.u32 $0x1FFF80, s26;
	s10 =	spop (v2sf)  }
0x7c: {  	s11 =	sadd.s32 $0x80, s11;
	s1 =	sshll.u32 s1, $0xB;
	s29 =	sshra.s32 s10, $0x1F  }
0x7d: {  	v5 =	vadd.s32 s19, v1;
	v6 =	vadd.s32 s20, v2;
	s20 =	sadd.s32 s25, s0;
	s25 =	rddreg [dreg:$0xa];
	s26 =	sshrl.u32 s29, $0x19  }
0x7e: {  	[tilespmem:s16+$0xFFFFFF80] =	vst v5;
	s19 =	sadd.s32 s28, s1;
	(v2sf) =	vpush v4, $0xF;
	s29 =	rddreg [dreg:$0x9];
	s26 =	sadd.s32 s26, s10  }
0x7f: {  	[tilespmem:s15+$0xFFFFFF80] =	vst v6;
	s28 =	rddreg [dreg:$0xb];
	s1 =	sadd.s32 s25, s2;
	v5 =	vadd.s32 s29, v1;
	s0 =	sand.u32 $0xFFFFFF80, s26  }
0x80: {  	p1 =	slt.s32 s10, $0x1;
	v4 =	vadd.s32 s1, v2;
	s1 =	sadd.s32 s21, s2;
	[tilespmem:s16+$0xFFFFFF90] =	vst v5;
	p2 =	sne.s32 s10, s0  }
0x81: {  	s29 =	rddreg [dreg:$0xe];
	v5 =	vadd.s32 s28, v1;
	s28 =	simm.s32 $0x1;
	[tilespmem:s15+$0xFFFFFF90] =	vst v4;
	p0 =	por !p1, !p2  }
0x82: {  	v4 =	vadd.s32 s1, v2;
	s1 =	sadd.s32 s30, s2;
	s30 =	rddreg [dreg:$0xc];
	[tilespmem:s16+$0xFFFFFFA0] =	vst v5;
	p0 =	por !p0, !p0  }
0x83: {  	s25 =	sadd.s32 s29, s2;
	s26 =	sshra.s32 s26, $0x7;
	v5 =	vadd.s32 s30, v1;
	[tilespmem:s15+$0xFFFFFFA0] =	vst v4;
	s28 =	simm.s32 @!p0 $0x0  }
0x84: {  	s4 =	sadd.s32 $0x80, s4;
	s29 =	rddreg [dreg:$0xd];
	v4 =	vadd.s32 s25, v2;
	[tilespmem:s16+$0xFFFFFFB0] =	vst v5;
	s28 =	ssub.s32 s26, s28  }
0x85: {  	s21 =	spop (v2sf);
	s0 =	ssub.s32 s10, s0;
	[tilespmem:s15+$0xFFFFFFB0] =	vst v4;
	v4 =	vadd.s32 s29, v1;
	s30 =	sshll.u32 s28, $0xB  }
0x86: {  	v5 =	vadd.s32 s1, v2;
	s28 =	simm.s32 $0xFFFFFFFF;
	[tilespmem:s16+$0xFFFFFFC0] =	vst v4;
	s0 =	sadd.s32 s0, s30;
	s30 =	sshra.s32 s21, $0x1F  }
0x87: {  	p3 =	slt.s32 s21, $0x1;
	v4 =	vadd.s32 s24, v1;
	s28 =	simm.s32 @!p0 $0x0;
	[tilespmem:s15+$0xFFFFFFC0] =	vst v5;
	s25 =	sshrl.u32 s30, $0x19  }
0x88: {  	s1 =	sadd.s32 $0x80, s8;
	v5 =	vadd.s32 s23, v2;
	s29 =	sshll.u32 s28, $0x15;
	[tilespmem:s16+$0xFFFFFFD0] =	vst v4;
	s8 =	sadd.s32 s25, s21  }
0x89: {  	v4 =	vadd.s32 s31, v1;
	s31 =	smul.u32 $0x1FFF80, s26;
	s10 =	sadd.s32 s29, s10;
	[tilespmem:s15+$0xFFFFFFD0] =	vst v5;
	s30 =	sand.u32 $0xFFFFFF80, s8  }
0x8a: {  	v5 =	vadd.s32 s13, v2;
	s13 =	simm.s32 $0x1;
	s25 =	sadd.s32 s9, s2;
	[tilespmem:s16+$0xFFFFFFE0] =	vst v4;
	p4 =	sne.s32 s21, s30  }
0x8b: {  	v4 =	vadd.s32 s22, v1;
	s10 =	sadd.s32 s31, s10;
	s8 =	sshra.s32 s8, $0x7;
	[tilespmem:s15+$0xFFFFFFE0] =	vst v5;
	p0 =	por !p3, !p4  }
0x8c: {  	s31 =	sadd.s32 s20, s2;
	v5 =	vadd.s32 s6, v2;
	s6 =	sadd.s32 $0x80, s25;
	[tilespmem:s16+$0xFFFFFFF0] =	vst v4;
	p0 =	por !p0, !p0  }
0x8d: {  	s28 =	ssub.s32 s21, s30;
	s29 =	spop (v2sf);
	v4 =	vadd.s32 s12, v1;
	[tilespmem:s15+$0xFFFFFFF0] =	vst v5;
	s13 =	simm.s32 @!p0 $0x0  }
0x8e: {  	s10 =	sadd.s32 s10, s2;
	s30 =	sshra.s32 s29, $0x1F;
	[tilespmem:s16+$0x0] =	vst v4;
	v4 =	vadd.s32 s1, v2;
	s26 =	ssub.s32 s8, s13  }
0x8f: {  	p5 =	slt.s32 s29, $0x1;
	s23 =	sadd.s32 $0x80, s10;
	[tilespmem:s15+$0x0] =	vst v4;
	v4 =	vadd.s32 s5, v1;
	s9 =	sshll.u32 s26, $0xB  }
0x90: {  	v5 =	vadd.s32 s11, v2;
	s5 =	simm.s32 $0xFFFFFFFF;
	[tilespmem:s16+$0x10] =	vst v4;
	s1 =	sadd.s32 s28, s9;
	s9 =	sshrl.u32 s30, $0x19  }
0x91: {  	s10 =	simm.s32 $0x1;
	s5 =	simm.s32 @!p0 $0x0;
	v4 =	vadd.s32 s7, v1;
	[tilespmem:s15+$0x10] =	vst v5;
	s9 =	sadd.s32 s9, s29  }
0x92: {  	s13 =	sadd.s32 $0x80, s31;
	s5 =	sshll.u32 s5, $0x15;
	v5 =	vadd.s32 s4, v2;
	[tilespmem:s16+$0x20] =	vst v4;
	s22 =	sand.u32 $0xFFFFFF80, s9  }
0x93: {  	s20 =	sadd.s32 s5, s21;
	s21 =	smul.u32 $0x1FFF80, s8;
	v4 =	vadd.s32 s14, v1;
	[tilespmem:s15+$0x20] =	vst v5;
	p6 =	sne.s32 s29, s22  }
0x94: {  	s5 =	simm.s32 $0xFFFFFFFF;
	v5 =	vadd.s32 s6, v2;
	s24 =	sshra.s32 s9, $0x7;
	[tilespmem:s16+$0x30] =	vst v4;
	p0 =	por !p5, !p6  }
0x95: {  	s4 =	sadd.s32 s21, s20;
	v4 =	vadd.s32 s19, v1;
	s7 =	smul.u32 $0x1FFF80, s24;
	[tilespmem:s15+$0x30] =	vst v5;
	p0 =	por !p0, !p0  }
0x96: {  	s26 =	ssub.s32 s29, s22;
	v5 =	vadd.s32 s13, v2;
	s4 =	sadd.s32 s4, s2;
	[tilespmem:s16+$0x40] =	vst v4;
	s5 =	simm.s32 @!p0 $0x0  }
0x97: {  	v4 =	vadd.s32 s0, v1;
	s28 =	sadd.s32 $0x80, s4;
	s10 =	simm.s32 @!p0 $0x0;
	[tilespmem:s15+$0x40] =	vst v5;
	s5 =	sshll.u32 s5, $0x15  }
0x98: {  	v5 =	vadd.s32 s23, v2;
	p0 =	sne.s32 s18, $0xF00;
	s25 =	ssub.s32 s24, s10;
	[tilespmem:s16+$0x50] =	vst v4;
	s5 =	sadd.s32 s5, s29  }
.Ltmp0:
0x99: {  	v4 =	vadd.s32 s1, v1;
	[tilespmem:s15+$0x50] =	vst v5;
	s0 =	sshll.u32 s25, $0xB;
	s29 =	sadd.s32 s7, s5;
	(pc) =	sbr.rel @p0 .LBB2_2-.Ltmp0, $4  }
0x9a: {  	[tilespmem:s16+$0x60] =	vst v4;
	v4 =	vadd.s32 s28, v2;
	s0 =	sadd.s32 s26, s0;
	s30 =	sadd.s32 s29, s2  }
0x9b: {  	[tilespmem:s15+$0x60] =	vst v4;
	v4 =	vadd.s32 s0, v1;
	s31 =	sadd.s32 $0x80, s30  }
0x9c: {  	s17 =	sadd.s32 $0x10, s17;
	[tilespmem:s16+$0x70] =	vst v4;
	v4 =	vadd.s32 s31, v2  }
0x9d: {  	s18 =	sadd.s32 $0x100, s18;
	s16 =	sadd.s32 $0x100, s16;
	[tilespmem:s15+$0x70] =	vst v4;
	s15 =	sadd.s32 $0x100, s15  }
0x9e: {  	_ =	strace $0x90000048;
	s0 =	simm.s32 $0x200;
	s1 =	simm.s32 $0x2100  }
0x9f: {  	s2 =	simm.s32 $0x1100;
	s4 =	simm.s32 $0x80;
	_ =	strace $0x80000049  }
.LBB2_4:
0xa0: {  	[tilespmem:s1], [sflag:$0x1] =	stream.indirect.gather [hbm4b:s3+s4], $0x1, s2, s4, $0x2000b8;
	[tilespmem:$0xBD00] =	vst v63  }
0xa1: {  	s1 =	smov.u32 s0;
	p0 =	sne.s32 s0, $0x3E00  }
.Ltmp1:
0xa2: {  	s0 =	sadd.s32 $0x200, s0;
	(pc) =	sbr.rel @p0 .LBB2_4-.Ltmp1, $3  }
0xa3: {  	_ =	sdelay $0x1  }
0xa4: {  	s2 =	sshra.s32 s1, $0x2  }
0xa5: {  	s1 =	sadd.s32 $0x2100, s2;
	s2 =	sadd.s32 $0x1100, s2  }
0xa6: {  	[tilespmem:s1], [sflag:$0x1] =	stream.indirect.gather [hbm4b:s3+s4], $0x1, s2, s4, $0x2000b8;
	[tilespmem:$0xBD00] =	vst v63  }
0xa7: {  	s2 =	simm.s32 $0x1  }
0xa8: {  	_ =	swait.ge [sflag:s2], $0x80  }
0xa9: {  	[sflag:s2] =	ssyncset.done $0x0  }
0xaa: {  	[sflag:s2] =	ssyncadd.s32 $0xFFFFFF80  }
0xab: {  	_ =	swait.ge [sflag:s2], $0x80  }
0xac: {  	[sflag:s2] =	ssyncset.done $0x0  }
0xad: {  	[sflag:s2] =	ssyncadd.s32 $0xFFFFFF80  }
0xae: {  	_ =	swait.ge [sflag:s2], $0x80  }
0xaf: {  	[sflag:s2] =	ssyncset.done $0x0  }
0xb0: {  	[sflag:s2] =	ssyncadd.s32 $0xFFFFFF80  }
0xb1: {  	_ =	swait.ge [sflag:s2], $0x80  }
0xb2: {  	[sflag:s2] =	ssyncset.done $0x0  }
0xb3: {  	[sflag:s2] =	ssyncadd.s32 $0xFFFFFF80  }
0xb4: {  	_ =	swait.ge [sflag:s2], $0x80  }
0xb5: {  	[sflag:s2] =	ssyncset.done $0x0  }
0xb6: {  	[sflag:s2] =	ssyncadd.s32 $0xFFFFFF80  }
0xb7: {  	_ =	swait.ge [sflag:s2], $0x80  }
0xb8: {  	[sflag:s2] =	ssyncset.done $0x0  }
0xb9: {  	[sflag:s2] =	ssyncadd.s32 $0xFFFFFF80  }
0xba: {  	_ =	swait.ge [sflag:s2], $0x80  }
0xbb: {  	[sflag:s2] =	ssyncset.done $0x0  }
0xbc: {  	[sflag:s2] =	ssyncadd.s32 $0xFFFFFF80  }
0xbd: {  	_ =	swait.ge [sflag:s2], $0x80  }
0xbe: {  	[sflag:s2] =	ssyncset.done $0x0  }
0xbf: {  	[sflag:s2] =	ssyncadd.s32 $0xFFFFFF80  }
0xc0: {  	_ =	swait.ge [sflag:s2], $0x80  }
0xc1: {  	[sflag:s2] =	ssyncset.done $0x0  }
0xc2: {  	[sflag:s2] =	ssyncadd.s32 $0xFFFFFF80  }
0xc3: {  	_ =	swait.ge [sflag:s2], $0x80  }
0xc4: {  	[sflag:s2] =	ssyncset.done $0x0  }
0xc5: {  	[sflag:s2] =	ssyncadd.s32 $0xFFFFFF80  }
0xc6: {  	_ =	swait.ge [sflag:s2], $0x80  }
0xc7: {  	[sflag:s2] =	ssyncset.done $0x0  }
0xc8: {  	[sflag:s2] =	ssyncadd.s32 $0xFFFFFF80  }
0xc9: {  	_ =	swait.ge [sflag:s2], $0x80  }
0xca: {  	[sflag:s2] =	ssyncset.done $0x0  }
0xcb: {  	[sflag:s2] =	ssyncadd.s32 $0xFFFFFF80  }
0xcc: {  	_ =	swait.ge [sflag:s2], $0x80  }
0xcd: {  	[sflag:s2] =	ssyncset.done $0x0  }
0xce: {  	[sflag:s2] =	ssyncadd.s32 $0xFFFFFF80  }
0xcf: {  	_ =	swait.ge [sflag:s2], $0x80  }
0xd0: {  	[sflag:s2] =	ssyncset.done $0x0  }
0xd1: {  	[sflag:s2] =	ssyncadd.s32 $0xFFFFFF80  }
0xd2: {  	_ =	swait.ge [sflag:s2], $0x80  }
0xd3: {  	[sflag:s2] =	ssyncset.done $0x0  }
0xd4: {  	[sflag:s2] =	ssyncadd.s32 $0xFFFFFF80  }
0xd5: {  	_ =	swait.ge [sflag:s2], $0x80  }
0xd6: {  	[sflag:s2] =	ssyncset.done $0x0  }
0xd7: {  	[sflag:s2] =	ssyncadd.s32 $0xFFFFFF80  }
0xd8: {  	_ =	swait.ge [sflag:s2], $0x80  }
0xd9: {  	[sflag:s2] =	ssyncset.done $0x0  }
0xda: {  	[sflag:s2] =	ssyncadd.s32 $0xFFFFFF80  }
0xdb: {  	_ =	swait.ge [sflag:s2], $0x80  }
0xdc: {  	[sflag:s2] =	ssyncset.done $0x0  }
0xdd: {  	[sflag:s2] =	ssyncadd.s32 $0xFFFFFF80  }
0xde: {  	_ =	swait.ge [sflag:s2], $0x80  }
0xdf: {  	[sflag:s2] =	ssyncset.done $0x0  }
0xe0: {  	[sflag:s2] =	ssyncadd.s32 $0xFFFFFF80  }
0xe1: {  	_ =	swait.ge [sflag:s2], $0x80  }
0xe2: {  	[sflag:s2] =	ssyncset.done $0x0  }
0xe3: {  	[sflag:s2] =	ssyncadd.s32 $0xFFFFFF80  }
0xe4: {  	_ =	swait.ge [sflag:s2], $0x80  }
0xe5: {  	[sflag:s2] =	ssyncset.done $0x0  }
0xe6: {  	[sflag:s2] =	ssyncadd.s32 $0xFFFFFF80  }
0xe7: {  	_ =	swait.ge [sflag:s2], $0x80  }
0xe8: {  	[sflag:s2] =	ssyncset.done $0x0  }
0xe9: {  	[sflag:s2] =	ssyncadd.s32 $0xFFFFFF80  }
0xea: {  	_ =	swait.ge [sflag:s2], $0x80  }
0xeb: {  	[sflag:s2] =	ssyncset.done $0x0  }
0xec: {  	[sflag:s2] =	ssyncadd.s32 $0xFFFFFF80  }
0xed: {  	_ =	swait.ge [sflag:s2], $0x80  }
0xee: {  	[sflag:s2] =	ssyncset.done $0x0  }
0xef: {  	[sflag:s2] =	ssyncadd.s32 $0xFFFFFF80  }
0xf0: {  	_ =	swait.ge [sflag:s2], $0x80  }
0xf1: {  	[sflag:s2] =	ssyncset.done $0x0  }
0xf2: {  	[sflag:s2] =	ssyncadd.s32 $0xFFFFFF80  }
0xf3: {  	_ =	swait.ge [sflag:s2], $0x80  }
0xf4: {  	[sflag:s2] =	ssyncset.done $0x0  }
0xf5: {  	[sflag:s2] =	ssyncadd.s32 $0xFFFFFF80  }
0xf6: {  	_ =	swait.ge [sflag:s2], $0x80  }
0xf7: {  	[sflag:s2] =	ssyncset.done $0x0  }
0xf8: {  	[sflag:s2] =	ssyncadd.s32 $0xFFFFFF80  }
0xf9: {  	_ =	swait.ge [sflag:s2], $0x80  }
0xfa: {  	[sflag:s2] =	ssyncset.done $0x0  }
0xfb: {  	[sflag:s2] =	ssyncadd.s32 $0xFFFFFF80  }
0xfc: {  	_ =	swait.ge [sflag:s2], $0x80  }
0xfd: {  	[sflag:s2] =	ssyncset.done $0x0  }
0xfe: {  	[sflag:s2] =	ssyncadd.s32 $0xFFFFFF80  }
0xff: {  	_ =	swait.ge [sflag:s2], $0x80  }
0x100: {  	[sflag:s2] =	ssyncset.done $0x0  }
0x101: {  	[sflag:s2] =	ssyncadd.s32 $0xFFFFFF80  }
0x102: {  	_ =	swait.ge [sflag:s2], $0x80  }
0x103: {  	[sflag:s2] =	ssyncset.done $0x0  }
0x104: {  	[sflag:s2] =	ssyncadd.s32 $0xFFFFFF80  }
0x105: {  	_ =	swait.ge [sflag:s2], $0x80  }
0x106: {  	[sflag:s2] =	ssyncset.done $0x0  }
0x107: {  	s15 =	simm.s32 $0x0;
	[sflag:s2] =	ssyncadd.s32 $0xFFFFFF80  }
0x108: {  	s16 =	simm.s32 $0x3100;
	s17 =	simm.s32 $0x3300;
	_ =	strace $0x90000049  }
0x109: {  	s18 =	simm.s32 $0x2140;
	s19 =	simm.s32 $0x140;
	_ =	strace $0x8000004A  }
.LBB2_6:
0x10a: {  	v13 =	vld [tilespmem:s18+$0xFFFFFFC0]  }
0x10b: {  	v14 =	vld [tilespmem:s18+$0xFFFFFFD0]  }
0x10c: {  	v15 =	vld [tilespmem:s18+$0xFFFFFFE0]  }
0x10d: {  	v16 =	vld [tilespmem:s18+$0xFFFFFFF0]  }
0x10e: {  	v17 =	vld [tilespmem:s18+$0x0]  }
0x10f: {  	v18 =	vld [tilespmem:s18+$0x10]  }
0x110: {  	v19 =	vld [tilespmem:s18+$0x20];
	v4 =	vmax.f32 v13, v14  }
0x111: {  	v20 =	vld [tilespmem:s18+$0x30];
	v4 =	vmax.f32 v4, v15  }
0x112: {  	v4 =	vmax.f32 v4, v16  }
0x113: {  	v4 =	vmax.f32 v4, v17  }
0x114: {  	v4 =	vmax.f32 v4, v18  }
0x115: {  	v4 =	vmax.f32 v4, v19  }
0x116: {  	v4 =	vmax.f32 v4, v20  }
0x117: {  	(xrf0) =	vmax.scan.msk.f32 $0xffff, v4;
	_ =	sdelay $0x4  }
0x118: {  	v12 =	vld [tilespmem:s19+$0xFFFFFFD0]  }
0x119: {  	v9 =	vld [tilespmem:s19+$0xFFFFFFC0];
	v4, _, _ =	vpop (xrf0)  }
0x11a: {  	v4 =	vbroadcast v4, $0xF;
	_ =	sdelay $0x1  }
0x11b: {  	v6 =	vld [tilespmem:s19+$0xFFFFFFE0];
	vm14 =	vge.f32 v14, v4  }
0x11c: {  	v5 =	vnsel vm14, $0x7FFFFFFF, v12  }
0x11d: {  	vm14 =	vlt.s32 v9, v5  }
0x11e: {  	v7 =	vld [tilespmem:s19+$0xFFFFFFF0];
	vm15 =	vge.f32 v13, v4;
	v8 =	vsel vm14, v9, v5  }
0x11f: {  	v5 =	vsel vm15, v8, v5  }
0x120: {  	vm14 =	vlt.s32 v5, v6  }
0x121: {  	v10 =	vld [tilespmem:s19+$0x0];
	vm15 =	vge.f32 v15, v4;
	v8 =	vsel vm14, v5, v6  }
0x122: {  	v5 =	vsel vm15, v8, v5  }
0x123: {  	vm14 =	vlt.s32 v5, v7  }
0x124: {  	v11 =	vld [tilespmem:s19+$0x10];
	vm15 =	vge.f32 v16, v4;
	v8 =	vsel vm14, v5, v7  }
0x125: {  	v5 =	vsel vm15, v8, v5  }
0x126: {  	vm14 =	vlt.s32 v5, v10  }
0x127: {  	v42 =	vld [tilespmem:s19+$0x20];
	vm15 =	vge.f32 v17, v4;
	v21 =	vsel vm14, v5, v10  }
0x128: {  	v21 =	vsel vm15, v21, v5  }
0x129: {  	vm14 =	vlt.s32 v21, v11  }
0x12a: {  	v5 =	vld [tilespmem:s19+$0x30];
	vm15 =	vge.f32 v18, v4;
	v22 =	vsel vm14, v21, v11  }
0x12b: {  	v21 =	vsel vm15, v22, v21  }
0x12c: {  	vm14 =	vlt.s32 v21, v42  }
0x12d: {  	vm15 =	vge.f32 v19, v4;
	v22 =	vsel vm14, v21, v42  }
0x12e: {  	v21 =	vsel vm15, v22, v21  }
0x12f: {  	vm14 =	vlt.s32 v21, v5  }
0x130: {  	vm15 =	vge.f32 v20, v4;
	v22 =	vsel vm14, v21, v5  }
0x131: {  	v21 =	vsel vm15, v22, v21  }
0x132: {  	v21 =	vxor.u32 $0x80000000, v21  }
0x133: {  	(xrf0) =	vmin.scan.msk.u32 $0xffff, v21;
	_ =	sdelay $0x5  }
0x134: {  	v21, _, _ =	vpop (xrf0)  }
0x135: {  	(v2sf) =	vpush v21, $0xF;
	_ =	sdelay $0xe  }
0x136: {  	s0 =	spop (v2sf)  }
0x137: {  	s20 =	sxor.u32 $0x80000000, s0  }
0x138: {  	vm14 =	veq.s32 v9, s20;
	vm15 =	veq.s32 v12, s20  }
0x139: {  	v43 =	vsel vm14, $0xFF7FC99E, v13;
	v14 =	vsel vm15, $0xFF7FC99E, v14;
	vm14 =	veq.s32 v6, s20  }
0x13a: {  	v15 =	vsel vm14, $0xFF7FC99E, v15;
	vm14 =	veq.s32 v7, s20;
	v13 =	vmax.f32 v43, v14  }
0x13b: {  	v16 =	vsel vm14, $0xFF7FC99E, v16;
	vm14 =	veq.s32 v10, s20;
	v13 =	vmax.f32 v13, v15  }
0x13c: {  	v17 =	vsel vm14, $0xFF7FC99E, v17;
	vm14 =	veq.s32 v11, s20;
	v13 =	vmax.f32 v13, v16  }
0x13d: {  	v18 =	vsel vm14, $0xFF7FC99E, v18;
	vm14 =	veq.s32 v42, s20;
	v13 =	vmax.f32 v13, v17  }
0x13e: {  	v19 =	vsel vm14, $0xFF7FC99E, v19;
	vm14 =	veq.s32 v5, s20;
	v13 =	vmax.f32 v13, v18  }
0x13f: {  	v20 =	vsel vm14, $0xFF7FC99E, v20;
	v13 =	vmax.f32 v13, v19  }
0x140: {  	v13 =	vmax.f32 v13, v20  }
0x141: {  	(xrf0) =	vmax.scan.msk.f32 $0xffff, v13;
	_ =	sdelay $0x5  }
0x142: {  	v13, _, _ =	vpop (xrf0)  }
0x143: {  	v13 =	vbroadcast v13, $0xF;
	_ =	sdelay $0x1  }
0x144: {  	vm14 =	vge.f32 v14, v13  }
0x145: {  	v44 =	vnsel vm14, $0x7FFFFFFF, v12  }
0x146: {  	vm14 =	vlt.s32 v9, v44  }
0x147: {  	vm15 =	vge.f32 v43, v13;
	v23 =	vsel vm14, v9, v44  }
0x148: {  	v22 =	vsel vm15, v23, v44  }
0x149: {  	vm14 =	vlt.s32 v22, v6  }
0x14a: {  	vm15 =	vge.f32 v15, v13;
	v23 =	vsel vm14, v22, v6  }
0x14b: {  	v22 =	vsel vm15, v23, v22  }
0x14c: {  	vm14 =	vlt.s32 v22, v7  }
0x14d: {  	vm15 =	vge.f32 v16, v13;
	v23 =	vsel vm14, v22, v7  }
0x14e: {  	v22 =	vsel vm15, v23, v22  }
0x14f: {  	vm14 =	vlt.s32 v22, v10  }
0x150: {  	vm15 =	vge.f32 v17, v13;
	v23 =	vsel vm14, v22, v10  }
0x151: {  	v22 =	vsel vm15, v23, v22  }
0x152: {  	vm14 =	vlt.s32 v22, v11  }
0x153: {  	vm15 =	vge.f32 v18, v13;
	v23 =	vsel vm14, v22, v11  }
0x154: {  	v22 =	vsel vm15, v23, v22  }
0x155: {  	vm14 =	vlt.s32 v22, v42  }
0x156: {  	vm15 =	vge.f32 v19, v13;
	v23 =	vsel vm14, v22, v42  }
0x157: {  	v22 =	vsel vm15, v23, v22  }
0x158: {  	vm14 =	vlt.s32 v22, v5  }
0x159: {  	vm15 =	vge.f32 v20, v13;
	v23 =	vsel vm14, v22, v5  }
0x15a: {  	v22 =	vsel vm15, v23, v22  }
0x15b: {  	v22 =	vxor.u32 $0x80000000, v22  }
0x15c: {  	(xrf0) =	vmin.scan.msk.u32 $0xffff, v22;
	_ =	sdelay $0x5  }
0x15d: {  	v22, _, _ =	vpop (xrf0)  }
0x15e: {  	(v2sf) =	vpush v22, $0xF;
	_ =	sdelay $0xe  }
0x15f: {  	s25 =	spop (v2sf)  }
0x160: {  	s21 =	sxor.u32 $0x80000000, s25  }
0x161: {  	vm14 =	veq.s32 v9, s21;
	vm15 =	veq.s32 v12, s21  }
0x162: {  	v21 =	vsel vm14, $0xFF7FC99E, v43;
	v45 =	vsel vm15, $0xFF7FC99E, v14;
	vm14 =	veq.s32 v6, s21  }
0x163: {  	v15 =	vsel vm14, $0xFF7FC99E, v15;
	vm14 =	veq.s32 v7, s21;
	v14 =	vmax.f32 v21, v45  }
0x164: {  	v16 =	vsel vm14, $0xFF7FC99E, v16;
	vm14 =	veq.s32 v10, s21;
	v14 =	vmax.f32 v14, v15  }
0x165: {  	v17 =	vsel vm14, $0xFF7FC99E, v17;
	vm14 =	veq.s32 v11, s21;
	v14 =	vmax.f32 v14, v16  }
0x166: {  	v18 =	vsel vm14, $0xFF7FC99E, v18;
	vm14 =	veq.s32 v42, s21;
	v14 =	vmax.f32 v14, v17  }
0x167: {  	v19 =	vsel vm14, $0xFF7FC99E, v19;
	vm14 =	veq.s32 v5, s21;
	v14 =	vmax.f32 v14, v18  }
0x168: {  	v20 =	vsel vm14, $0xFF7FC99E, v20;
	v14 =	vmax.f32 v14, v19  }
0x169: {  	v14 =	vmax.f32 v14, v20  }
0x16a: {  	(xrf0) =	vmax.scan.msk.f32 $0xffff, v14;
	_ =	sdelay $0x5  }
0x16b: {  	v14, _, _ =	vpop (xrf0)  }
0x16c: {  	v14 =	vbroadcast v14, $0xF;
	_ =	sdelay $0x1  }
0x16d: {  	vm14 =	vge.f32 v45, v14  }
0x16e: {  	v46 =	vnsel vm14, $0x7FFFFFFF, v12  }
0x16f: {  	vm14 =	vlt.s32 v9, v46  }
0x170: {  	vm15 =	vge.f32 v21, v14;
	v24 =	vsel vm14, v9, v46  }
0x171: {  	v23 =	vsel vm15, v24, v46  }
0x172: {  	vm14 =	vlt.s32 v23, v6  }
0x173: {  	vm15 =	vge.f32 v15, v14;
	v24 =	vsel vm14, v23, v6  }
0x174: {  	v23 =	vsel vm15, v24, v23  }
0x175: {  	vm14 =	vlt.s32 v23, v7  }
0x176: {  	vm15 =	vge.f32 v16, v14;
	v24 =	vsel vm14, v23, v7  }
0x177: {  	v23 =	vsel vm15, v24, v23  }
0x178: {  	vm14 =	vlt.s32 v23, v10  }
0x179: {  	vm15 =	vge.f32 v17, v14;
	v24 =	vsel vm14, v23, v10  }
0x17a: {  	v23 =	vsel vm15, v24, v23  }
0x17b: {  	vm14 =	vlt.s32 v23, v11  }
0x17c: {  	vm15 =	vge.f32 v18, v14;
	v24 =	vsel vm14, v23, v11  }
0x17d: {  	v23 =	vsel vm15, v24, v23  }
0x17e: {  	vm14 =	vlt.s32 v23, v42  }
0x17f: {  	vm15 =	vge.f32 v19, v14;
	v24 =	vsel vm14, v23, v42  }
0x180: {  	v23 =	vsel vm15, v24, v23  }
0x181: {  	vm14 =	vlt.s32 v23, v5  }
0x182: {  	vm15 =	vge.f32 v20, v14;
	v24 =	vsel vm14, v23, v5  }
0x183: {  	v23 =	vsel vm15, v24, v23  }
0x184: {  	v23 =	vxor.u32 $0x80000000, v23  }
0x185: {  	(xrf0) =	vmin.scan.msk.u32 $0xffff, v23;
	_ =	sdelay $0x5  }
0x186: {  	v23, _, _ =	vpop (xrf0)  }
0x187: {  	(v2sf) =	vpush v23, $0xF;
	_ =	sdelay $0xe  }
0x188: {  	s26 =	spop (v2sf)  }
0x189: {  	s22 =	sxor.u32 $0x80000000, s26  }
0x18a: {  	vm14 =	veq.s32 v9, s22;
	vm15 =	veq.s32 v12, s22  }
0x18b: {  	v21 =	vsel vm14, $0xFF7FC99E, v21;
	v22 =	vsel vm15, $0xFF7FC99E, v45;
	vm14 =	veq.s32 v6, s22  }
0x18c: {  	v47 =	vsel vm14, $0xFF7FC99E, v15;
	vm14 =	veq.s32 v7, s22;
	v48 =	vmax.f32 v21, v22  }
0x18d: {  	v16 =	vsel vm14, $0xFF7FC99E, v16;
	vm14 =	veq.s32 v10, s22;
	v15 =	vmax.f32 v48, v47  }
0x18e: {  	v17 =	vsel vm14, $0xFF7FC99E, v17;
	vm14 =	veq.s32 v11, s22;
	v15 =	vmax.f32 v15, v16  }
0x18f: {  	v18 =	vsel vm14, $0xFF7FC99E, v18;
	vm14 =	veq.s32 v42, s22;
	v15 =	vmax.f32 v15, v17  }
0x190: {  	v19 =	vsel vm14, $0xFF7FC99E, v19;
	vm14 =	veq.s32 v5, s22;
	v15 =	vmax.f32 v15, v18  }
0x191: {  	v20 =	vsel vm14, $0xFF7FC99E, v20;
	v15 =	vmax.f32 v15, v19  }
0x192: {  	v15 =	vmax.f32 v15, v20  }
0x193: {  	(xrf0) =	vmax.scan.msk.f32 $0xffff, v15;
	_ =	sdelay $0x5  }
0x194: {  	v15, _, _ =	vpop (xrf0)  }
0x195: {  	v15 =	vbroadcast v15, $0xF;
	_ =	sdelay $0x1  }
0x196: {  	vm14 =	vge.f32 v22, v15  }
0x197: {  	v49 =	vnsel vm14, $0x7FFFFFFF, v12  }
0x198: {  	vm14 =	vlt.s32 v9, v49  }
0x199: {  	vm15 =	vge.f32 v21, v15;
	v25 =	vsel vm14, v9, v49  }
0x19a: {  	v24 =	vsel vm15, v25, v49  }
0x19b: {  	vm14 =	vlt.s32 v24, v6  }
0x19c: {  	vm15 =	vge.f32 v47, v15;
	v25 =	vsel vm14, v24, v6  }
0x19d: {  	v24 =	vsel vm15, v25, v24  }
0x19e: {  	vm14 =	vlt.s32 v24, v7  }
0x19f: {  	vm15 =	vge.f32 v16, v15;
	v25 =	vsel vm14, v24, v7  }
0x1a0: {  	v24 =	vsel vm15, v25, v24  }
0x1a1: {  	vm14 =	vlt.s32 v24, v10  }
0x1a2: {  	vm15 =	vge.f32 v17, v15;
	v25 =	vsel vm14, v24, v10  }
0x1a3: {  	v24 =	vsel vm15, v25, v24  }
0x1a4: {  	vm14 =	vlt.s32 v24, v11  }
0x1a5: {  	vm15 =	vge.f32 v18, v15;
	v25 =	vsel vm14, v24, v11  }
0x1a6: {  	v24 =	vsel vm15, v25, v24  }
0x1a7: {  	vm14 =	vlt.s32 v24, v42  }
0x1a8: {  	vm15 =	vge.f32 v19, v15;
	v25 =	vsel vm14, v24, v42  }
0x1a9: {  	v24 =	vsel vm15, v25, v24  }
0x1aa: {  	vm14 =	vlt.s32 v24, v5  }
0x1ab: {  	vm15 =	vge.f32 v20, v15;
	v25 =	vsel vm14, v24, v5  }
0x1ac: {  	v24 =	vsel vm15, v25, v24  }
0x1ad: {  	v24 =	vxor.u32 $0x80000000, v24  }
0x1ae: {  	(xrf0) =	vmin.scan.msk.u32 $0xffff, v24;
	_ =	sdelay $0x5  }
0x1af: {  	v24, _, _ =	vpop (xrf0)  }
0x1b0: {  	(v2sf) =	vpush v24, $0xF;
	_ =	sdelay $0xe  }
0x1b1: {  	s28 =	spop (v2sf)  }
0x1b2: {  	s23 =	sxor.u32 $0x80000000, s28  }
0x1b3: {  	vm14 =	veq.s32 v9, s23;
	vm15 =	veq.s32 v12, s23  }
0x1b4: {  	v21 =	vsel vm14, $0xFF7FC99E, v21;
	v22 =	vsel vm15, $0xFF7FC99E, v22;
	vm14 =	veq.s32 v6, s23  }
0x1b5: {  	v23 =	vsel vm14, $0xFF7FC99E, v47;
	vm14 =	veq.s32 v7, s23;
	v50 =	vmax.f32 v21, v22  }
0x1b6: {  	v51 =	vsel vm14, $0xFF7FC99E, v16;
	vm14 =	veq.s32 v10, s23;
	v52 =	vmax.f32 v50, v23  }
0x1b7: {  	v17 =	vsel vm14, $0xFF7FC99E, v17;
	vm14 =	veq.s32 v11, s23;
	v16 =	vmax.f32 v52, v51  }
0x1b8: {  	v18 =	vsel vm14, $0xFF7FC99E, v18;
	vm14 =	veq.s32 v42, s23;
	v16 =	vmax.f32 v16, v17  }
0x1b9: {  	v19 =	vsel vm14, $0xFF7FC99E, v19;
	vm14 =	veq.s32 v5, s23;
	v16 =	vmax.f32 v16, v18  }
0x1ba: {  	v20 =	vsel vm14, $0xFF7FC99E, v20;
	v16 =	vmax.f32 v16, v19  }
0x1bb: {  	v16 =	vmax.f32 v16, v20  }
0x1bc: {  	(xrf0) =	vmax.scan.msk.f32 $0xffff, v16;
	_ =	sdelay $0x5  }
0x1bd: {  	v16, _, _ =	vpop (xrf0)  }
0x1be: {  	v16 =	vbroadcast v16, $0xF;
	_ =	sdelay $0x1  }
0x1bf: {  	vm14 =	vge.f32 v22, v16  }
0x1c0: {  	v53 =	vnsel vm14, $0x7FFFFFFF, v12  }
0x1c1: {  	vm14 =	vlt.s32 v9, v53  }
0x1c2: {  	vm15 =	vge.f32 v21, v16;
	v26 =	vsel vm14, v9, v53  }
0x1c3: {  	v24 =	vsel vm15, v26, v53  }
0x1c4: {  	vm14 =	vlt.s32 v24, v6  }
0x1c5: {  	vm15 =	vge.f32 v23, v16;
	v26 =	vsel vm14, v24, v6  }
0x1c6: {  	v24 =	vsel vm15, v26, v24  }
0x1c7: {  	vm14 =	vlt.s32 v24, v7  }
0x1c8: {  	vm15 =	vge.f32 v51, v16;
	v26 =	vsel vm14, v24, v7  }
0x1c9: {  	v24 =	vsel vm15, v26, v24  }
0x1ca: {  	vm14 =	vlt.s32 v24, v10  }
0x1cb: {  	vm15 =	vge.f32 v17, v16;
	v26 =	vsel vm14, v24, v10  }
0x1cc: {  	v24 =	vsel vm15, v26, v24  }
0x1cd: {  	vm14 =	vlt.s32 v24, v11  }
0x1ce: {  	vm15 =	vge.f32 v18, v16;
	v26 =	vsel vm14, v24, v11  }
0x1cf: {  	v24 =	vsel vm15, v26, v24  }
0x1d0: {  	vm14 =	vlt.s32 v24, v42  }
0x1d1: {  	vm15 =	vge.f32 v19, v16;
	v26 =	vsel vm14, v24, v42  }
0x1d2: {  	v24 =	vsel vm15, v26, v24  }
0x1d3: {  	vm14 =	vlt.s32 v24, v5  }
0x1d4: {  	vm15 =	vge.f32 v20, v16;
	v26 =	vsel vm14, v24, v5  }
0x1d5: {  	v24 =	vsel vm15, v26, v24  }
0x1d6: {  	v24 =	vxor.u32 $0x80000000, v24  }
0x1d7: {  	(xrf0) =	vmin.scan.msk.u32 $0xffff, v24;
	_ =	sdelay $0x5  }
0x1d8: {  	v24, _, _ =	vpop (xrf0)  }
0x1d9: {  	(v2sf) =	vpush v24, $0xF;
	_ =	sdelay $0xe  }
0x1da: {  	s29 =	spop (v2sf)  }
0x1db: {  	s24 =	sxor.u32 $0x80000000, s29  }
0x1dc: {  	vm14 =	veq.s32 v9, s24;
	vm15 =	veq.s32 v12, s24  }
0x1dd: {  	v21 =	vsel vm14, $0xFF7FC99E, v21;
	v22 =	vsel vm15, $0xFF7FC99E, v22;
	vm14 =	veq.s32 v6, s24  }
0x1de: {  	v23 =	vsel vm14, $0xFF7FC99E, v23;
	vm14 =	veq.s32 v7, s24;
	v54 =	vmax.f32 v21, v22  }
0x1df: {  	v25 =	vsel vm14, $0xFF7FC99E, v51;
	vm14 =	veq.s32 v10, s24;
	v24 =	vmax.f32 v54, v23  }
0x1e0: {  	v55 =	vsel vm14, $0xFF7FC99E, v17;
	vm14 =	veq.s32 v11, s24;
	v56 =	vmax.f32 v24, v25  }
0x1e1: {  	v18 =	vsel vm14, $0xFF7FC99E, v18;
	vm14 =	veq.s32 v42, s24;
	v17 =	vmax.f32 v56, v55  }
0x1e2: {  	v19 =	vsel vm14, $0xFF7FC99E, v19;
	vm14 =	veq.s32 v5, s24;
	v17 =	vmax.f32 v17, v18  }
0x1e3: {  	v20 =	vsel vm14, $0xFF7FC99E, v20;
	v17 =	vmax.f32 v17, v19  }
0x1e4: {  	v17 =	vmax.f32 v17, v20  }
0x1e5: {  	(xrf0) =	vmax.scan.msk.f32 $0xffff, v17;
	_ =	sdelay $0x5  }
0x1e6: {  	v17, _, _ =	vpop (xrf0)  }
0x1e7: {  	v17 =	vbroadcast v17, $0xF;
	_ =	sdelay $0x1  }
0x1e8: {  	vm14 =	vge.f32 v22, v17  }
0x1e9: {  	v57 =	vnsel vm14, $0x7FFFFFFF, v12  }
0x1ea: {  	vm14 =	vlt.s32 v9, v57  }
0x1eb: {  	vm15 =	vge.f32 v21, v17;
	v27 =	vsel vm14, v9, v57  }
0x1ec: {  	v24 =	vsel vm15, v27, v57  }
0x1ed: {  	vm14 =	vlt.s32 v24, v6  }
0x1ee: {  	vm15 =	vge.f32 v23, v17;
	v27 =	vsel vm14, v24, v6  }
0x1ef: {  	v24 =	vsel vm15, v27, v24  }
0x1f0: {  	vm14 =	vlt.s32 v24, v7  }
0x1f1: {  	vm15 =	vge.f32 v25, v17;
	v27 =	vsel vm14, v24, v7  }
0x1f2: {  	v24 =	vsel vm15, v27, v24  }
0x1f3: {  	vm14 =	vlt.s32 v24, v10  }
0x1f4: {  	vm15 =	vge.f32 v55, v17;
	v27 =	vsel vm14, v24, v10  }
0x1f5: {  	v24 =	vsel vm15, v27, v24  }
0x1f6: {  	vm14 =	vlt.s32 v24, v11  }
0x1f7: {  	vm15 =	vge.f32 v18, v17;
	v27 =	vsel vm14, v24, v11  }
0x1f8: {  	v24 =	vsel vm15, v27, v24  }
0x1f9: {  	vm14 =	vlt.s32 v24, v42  }
0x1fa: {  	vm15 =	vge.f32 v19, v17;
	v27 =	vsel vm14, v24, v42  }
0x1fb: {  	v24 =	vsel vm15, v27, v24  }
0x1fc: {  	vm14 =	vlt.s32 v24, v5  }
0x1fd: {  	vm15 =	vge.f32 v20, v17;
	v27 =	vsel vm14, v24, v5  }
0x1fe: {  	v24 =	vsel vm15, v27, v24  }
0x1ff: {  	v24 =	vxor.u32 $0x80000000, v24  }
0x200: {  	(xrf0) =	vmin.scan.msk.u32 $0xffff, v24;
	_ =	sdelay $0x5  }
0x201: {  	v24, _, _ =	vpop (xrf0)  }
0x202: {  	(v2sf) =	vpush v24, $0xF;
	_ =	sdelay $0xe  }
0x203: {  	s30 =	spop (v2sf)  }
0x204: {  	s0 =	sxor.u32 $0x80000000, s30  }
0x205: {  	vm14 =	veq.s32 v9, s0;
	vm15 =	veq.s32 v12, s0  }
0x206: {  	v21 =	vsel vm14, $0xFF7FC99E, v21;
	v22 =	vsel vm15, $0xFF7FC99E, v22;
	vm14 =	veq.s32 v6, s0  }
0x207: {  	v23 =	vsel vm14, $0xFF7FC99E, v23;
	vm14 =	veq.s32 v7, s0;
	v58 =	vmax.f32 v21, v22  }
0x208: {  	v25 =	vsel vm14, $0xFF7FC99E, v25;
	vm14 =	veq.s32 v10, s0;
	v24 =	vmax.f32 v58, v23  }
0x209: {  	v26 =	vsel vm14, $0xFF7FC99E, v55;
	vm14 =	veq.s32 v11, s0;
	v24 =	vmax.f32 v24, v25  }
0x20a: {  	v18 =	vsel vm14, $0xFF7FC99E, v18;
	vm14 =	veq.s32 v42, s0;
	v24 =	vmax.f32 v24, v26  }
0x20b: {  	v19 =	vsel vm14, $0xFF7FC99E, v19;
	vm14 =	veq.s32 v5, s0;
	v24 =	vmax.f32 v24, v18  }
0x20c: {  	v20 =	vsel vm14, $0xFF7FC99E, v20;
	v24 =	vmax.f32 v24, v19  }
0x20d: {  	v24 =	vmax.f32 v24, v20  }
0x20e: {  	(xrf0) =	vmax.scan.msk.f32 $0xffff, v24;
	_ =	sdelay $0x5  }
0x20f: {  	v24, _, _ =	vpop (xrf0)  }
0x210: {  	v24 =	vbroadcast v24, $0xF;
	_ =	sdelay $0x1  }
0x211: {  	vm14 =	vge.f32 v22, v24  }
0x212: {  	v59 =	vnsel vm14, $0x7FFFFFFF, v12  }
0x213: {  	vm14 =	vlt.s32 v9, v59  }
0x214: {  	vm15 =	vge.f32 v21, v24;
	v28 =	vsel vm14, v9, v59  }
0x215: {  	v27 =	vsel vm15, v28, v59  }
0x216: {  	vm14 =	vlt.s32 v27, v6  }
0x217: {  	vm15 =	vge.f32 v23, v24;
	v28 =	vsel vm14, v27, v6  }
0x218: {  	v27 =	vsel vm15, v28, v27  }
0x219: {  	vm14 =	vlt.s32 v27, v7  }
0x21a: {  	vm15 =	vge.f32 v25, v24;
	v28 =	vsel vm14, v27, v7  }
0x21b: {  	v27 =	vsel vm15, v28, v27  }
0x21c: {  	vm14 =	vlt.s32 v27, v10  }
0x21d: {  	vm15 =	vge.f32 v26, v24;
	v28 =	vsel vm14, v27, v10  }
0x21e: {  	v27 =	vsel vm15, v28, v27  }
0x21f: {  	vm14 =	vlt.s32 v27, v11  }
0x220: {  	vm15 =	vge.f32 v18, v24;
	v28 =	vsel vm14, v27, v11  }
0x221: {  	v27 =	vsel vm15, v28, v27  }
0x222: {  	vm14 =	vlt.s32 v27, v42  }
0x223: {  	vm15 =	vge.f32 v19, v24;
	v28 =	vsel vm14, v27, v42  }
0x224: {  	v27 =	vsel vm15, v28, v27  }
0x225: {  	vm14 =	vlt.s32 v27, v5  }
0x226: {  	vm15 =	vge.f32 v20, v24;
	v28 =	vsel vm14, v27, v5  }
0x227: {  	v27 =	vsel vm15, v28, v27  }
0x228: {  	v27 =	vxor.u32 $0x80000000, v27  }
0x229: {  	(xrf0) =	vmin.scan.msk.u32 $0xffff, v27;
	_ =	sdelay $0x5  }
0x22a: {  	v27, _, _ =	vpop (xrf0)  }
0x22b: {  	(v2sf) =	vpush v27, $0xF;
	_ =	sdelay $0xe  }
0x22c: {  	s1 =	spop (v2sf)  }
0x22d: {  	s1 =	sxor.u32 $0x80000000, s1  }
0x22e: {  	vm14 =	veq.s32 v9, s1;
	vm15 =	veq.s32 v12, s1  }
0x22f: {  	v21 =	vsel vm14, $0xFF7FC99E, v21;
	v22 =	vsel vm15, $0xFF7FC99E, v22;
	vm14 =	veq.s32 v6, s1  }
0x230: {  	v23 =	vsel vm14, $0xFF7FC99E, v23;
	vm14 =	veq.s32 v7, s1;
	v60 =	vmax.f32 v21, v22  }
0x231: {  	v25 =	vsel vm14, $0xFF7FC99E, v25;
	vm14 =	veq.s32 v10, s1;
	v27 =	vmax.f32 v60, v23  }
0x232: {  	v26 =	vsel vm14, $0xFF7FC99E, v26;
	vm14 =	veq.s32 v11, s1;
	v27 =	vmax.f32 v27, v25  }
0x233: {  	v18 =	vsel vm14, $0xFF7FC99E, v18;
	vm14 =	veq.s32 v42, s1;
	v27 =	vmax.f32 v27, v26  }
0x234: {  	v19 =	vsel vm14, $0xFF7FC99E, v19;
	vm14 =	veq.s32 v5, s1;
	v27 =	vmax.f32 v27, v18  }
0x235: {  	v20 =	vsel vm14, $0xFF7FC99E, v20;
	v27 =	vmax.f32 v27, v19  }
0x236: {  	v27 =	vmax.f32 v27, v20  }
0x237: {  	(xrf0) =	vmax.scan.msk.f32 $0xffff, v27;
	_ =	sdelay $0x5  }
0x238: {  	v27, _, _ =	vpop (xrf0)  }
0x239: {  	v27 =	vbroadcast v27, $0xF;
	_ =	sdelay $0x1  }
0x23a: {  	vm14 =	vge.f32 v22, v27  }
0x23b: {  	v12 =	vnsel vm14, $0x7FFFFFFF, v12  }
0x23c: {  	vm14 =	vlt.s32 v9, v12  }
0x23d: {  	vm15 =	vge.f32 v21, v27;
	v9 =	vsel vm14, v9, v12  }
0x23e: {  	v9 =	vsel vm15, v9, v12  }
0x23f: {  	vm14 =	vlt.s32 v9, v6  }
0x240: {  	vm15 =	vge.f32 v23, v27;
	v6 =	vsel vm14, v9, v6  }
0x241: {  	v6 =	vsel vm15, v6, v9  }
0x242: {  	vm14 =	vlt.s32 v6, v7  }
0x243: {  	vm15 =	vge.f32 v25, v27;
	v7 =	vsel vm14, v6, v7  }
0x244: {  	v6 =	vsel vm15, v7, v6  }
0x245: {  	vm14 =	vlt.s32 v6, v10  }
0x246: {  	vm15 =	vge.f32 v26, v27;
	v7 =	vsel vm14, v6, v10  }
0x247: {  	v6 =	vsel vm15, v7, v6  }
0x248: {  	vm14 =	vlt.s32 v6, v11  }
0x249: {  	vm15 =	vge.f32 v18, v27;
	v7 =	vsel vm14, v6, v11  }
0x24a: {  	v4 =	vnsel vm0, $0xFF7FC99E, v4;
	v6 =	vsel vm15, v7, v6  }
0x24b: {  	v4 =	vsel vm1, v4, v13;
	vm14 =	vlt.s32 v6, v42  }
0x24c: {  	v4 =	vsel vm2, v4, v14;
	vm15 =	vge.f32 v19, v27;
	v7 =	vsel vm14, v6, v42  }
0x24d: {  	v4 =	vsel vm4, v4, v15;
	v6 =	vsel vm15, v7, v6  }
0x24e: {  	v4 =	vsel vm6, v4, v16;
	vm14 =	vlt.s32 v6, v5  }
0x24f: {  	v4 =	vsel vm8, v4, v17;
	vm15 =	vge.f32 v20, v27;
	v5 =	vsel vm14, v6, v5  }
0x250: {  	v4 =	vsel vm10, v4, v24;
	v5 =	vsel vm15, v5, v6  }
0x251: {  	v4 =	vsel vm12, v4, v27;
	v5 =	vxor.u32 $0x80000000, v5  }
0x252: {  	(xrf0) =	vmin.scan.msk.u32 $0xffff, v5;
	v5 =	vnsel vm13, $0xFF7FC99E, v4  }
0x253: {  	(xrf0) =	vmax.scan.msk.f32 $0xffff, v5;
	_ =	sdelay $0x4  }
0x254: {  	v5, _, _ =	vpop (xrf0)  }
0x255: {  	v61, _, _ =	vpop (xrf0)  }
0x256: {  	v6 =	vbroadcast v61, $0xF;
	_ =	sdelay $0x1  }
0x257: {  	v4 =	vsub.f32 v4, v6;
	_ =	sdelay $0x1  }
0x258: {  	v4 =	vmul.f32 $1.442695020e+00, v4;
	_ =	sdelay $0x1  }
0x259: {  	(erf) = vpow2.f32 v4;
	_ =	sdelay $0x8  }
0x25a: {  	v4 =	vpop (erf)  }
0x25b: {  	v4 =	vnsel vm13, $0x0, v4  }
0x25c: {  	(xrf2) =	vadd.scan.msk.f32 $0xffff, v4;
	_ =	sdelay $0x6  }
0x25d: {  	(v2sf) =	vpush v5, $0xF;
	_ =	sdelay $0x2  }
0x25e: {  	v5, _, _ =	vpop (xrf2)  }
0x25f: {  	v5 =	vbroadcast v5, $0xF;
	_ =	sdelay $0x1  }
0x260: {  	(erf) = vrcp.f32 v5;
	_ =	sdelay $0x3  }
0x261: {  	vm14 =	veq.s32 v0, $0x0;
	v5 =	vmov s21  }
0x262: {  	v5 =	vsel vm14, s20, v5  }
0x263: {  	v5 =	vsel vm3, s22, v5  }
0x264: {  	v5 =	vnsel vm5, s23, v5  }
0x265: {  	p0 =	sne.s32 s15, $0x3C1;
	v5 =	vnsel vm7, s24, v5  }
.Ltmp2:
0x266: {  	s31 =	spop (v2sf);
	v5 =	vnsel vm9, s0, v5;
	v62 =	vpop (erf);
	(pc) =	sbr.rel @p0 .LBB2_6-.Ltmp2, $4  }
0x267: {  	vm14 =	veq.s32 v0, $0x7;
	s0 =	sxor.u32 $0x80000000, s31;
	v5 =	vnsel vm11, s1, v5;
	v4 =	vmul.f32 v62, v4  }
0x268: {  	v63 =	vadd.s32 s15, v3;
	v5 =	vsel vm14, s0, v5  }
0x269: {  	s18 =	sadd.s32 $0x80, s18;
	s15 =	sadd.s32 $0x1F, s15;
	[tilespmem:s16+$0x0] =	vst v4;
	v4 =	vsel vm13, v5, v63  }
0x26a: {  	s19 =	sadd.s32 $0x80, s19;
	s16 =	sadd.s32 $0x10, s16;
	[tilespmem:s17+$0x0] =	vst v4;
	s17 =	sadd.s32 $0x10, s17  }
0x26b: {  	_ =	strace $0x9000004A  }
0x26c: {  	s1 =	simm.s32 $0x10;
	_ =	strace $0x8000004B  }
0x26d: {  	s4 =	simm.s32 $0x3300;
	s5 =	simm.s32 $0x3500;
	s0 =	rddreg [dreg:$0x4]  }
0x26e: {  	[tilespmem:s5], [sflag:$0x1] =	stream.indirect.gather [hbm4b:s0+s1], $0x40, s4, s1, $0x2000b8;
	[tilespmem:$0xBD00] =	vst v63  }
0x26f: {  	s19 =	simm.s32 $0x3310;
	s20 =	simm.s32 $0x3900  }
0x270: {  	[tilespmem:s20], [sflag:$0x1] =	stream.indirect.gather [hbm4b:s0+s1], $0x40, s19, s1, $0x2000b8;
	[tilespmem:$0xBD00] =	vst v63  }
0x271: {  	s21 =	simm.s32 $0x3320;
	s22 =	simm.s32 $0x3D00  }
0x272: {  	[tilespmem:s22], [sflag:$0x1] =	stream.indirect.gather [hbm4b:s0+s1], $0x40, s21, s1, $0x2000b8;
	[tilespmem:$0xBD00] =	vst v63  }
0x273: {  	s23 =	simm.s32 $0x3330;
	s24 =	simm.s32 $0x4100  }
0x274: {  	[tilespmem:s24], [sflag:$0x1] =	stream.indirect.gather [hbm4b:s0+s1], $0x40, s23, s1, $0x2000b8;
	[tilespmem:$0xBD00] =	vst v63  }
0x275: {  	s25 =	simm.s32 $0x3340;
	s26 =	simm.s32 $0x4500  }
0x276: {  	[tilespmem:s26], [sflag:$0x1] =	stream.indirect.gather [hbm4b:s0+s1], $0x40, s25, s1, $0x2000b8;
	[tilespmem:$0xBD00] =	vst v63  }
0x277: {  	s28 =	simm.s32 $0x3350;
	s29 =	simm.s32 $0x4900  }
0x278: {  	[tilespmem:s29], [sflag:$0x1] =	stream.indirect.gather [hbm4b:s0+s1], $0x40, s28, s1, $0x2000b8;
	[tilespmem:$0xBD00] =	vst v63  }
0x279: {  	s30 =	simm.s32 $0x3360;
	s31 =	simm.s32 $0x4D00  }
0x27a: {  	[tilespmem:s31], [sflag:$0x1] =	stream.indirect.gather [hbm4b:s0+s1], $0x40, s30, s1, $0x2000b8;
	[tilespmem:$0xBD00] =	vst v63  }
0x27b: {  	s6 =	simm.s32 $0x5100;
	s5 =	simm.s32 $0x3370  }
0x27c: {  	[tilespmem:s6], [sflag:$0x1] =	stream.indirect.gather [hbm4b:s0+s1], $0x40, s5, s1, $0x2000b8;
	[tilespmem:$0xBD00] =	vst v63  }
0x27d: {  	s7 =	simm.s32 $0x3380;
	s8 =	simm.s32 $0x5500  }
0x27e: {  	[tilespmem:s8], [sflag:$0x1] =	stream.indirect.gather [hbm4b:s0+s1], $0x40, s7, s1, $0x2000b8;
	[tilespmem:$0xBD00] =	vst v63  }
0x27f: {  	s9 =	simm.s32 $0x3390;
	s10 =	simm.s32 $0x5900  }
0x280: {  	[tilespmem:s10], [sflag:$0x1] =	stream.indirect.gather [hbm4b:s0+s1], $0x40, s9, s1, $0x2000b8;
	[tilespmem:$0xBD00] =	vst v63  }
0x281: {  	s11 =	simm.s32 $0x33A0;
	s12 =	simm.s32 $0x5D00  }
0x282: {  	[tilespmem:s12], [sflag:$0x1] =	stream.indirect.gather [hbm4b:s0+s1], $0x40, s11, s1, $0x2000b8;
	[tilespmem:$0xBD00] =	vst v63  }
0x283: {  	s13 =	simm.s32 $0x33B0;
	s14 =	simm.s32 $0x6100  }
0x284: {  	[tilespmem:s14], [sflag:$0x1] =	stream.indirect.gather [hbm4b:s0+s1], $0x40, s13, s1, $0x2000b8;
	[tilespmem:$0xBD00] =	vst v63  }
0x285: {  	s15 =	simm.s32 $0x33C0;
	s16 =	simm.s32 $0x6500  }
0x286: {  	[tilespmem:s16], [sflag:$0x1] =	stream.indirect.gather [hbm4b:s0+s1], $0x40, s15, s1, $0x2000b8;
	[tilespmem:$0xBD00] =	vst v63  }
0x287: {  	s17 =	simm.s32 $0x33D0;
	s18 =	simm.s32 $0x6900  }
0x288: {  	[tilespmem:s18], [sflag:$0x1] =	stream.indirect.gather [hbm4b:s0+s1], $0x40, s17, s1, $0x2000b8;
	[tilespmem:$0xBD00] =	vst v63  }
0x289: {  	s19 =	simm.s32 $0x33E0;
	s20 =	simm.s32 $0x6D00  }
0x28a: {  	[tilespmem:s20], [sflag:$0x1] =	stream.indirect.gather [hbm4b:s0+s1], $0x40, s19, s1, $0x2000b8;
	[tilespmem:$0xBD00] =	vst v63  }
0x28b: {  	s21 =	simm.s32 $0x33F0;
	s22 =	simm.s32 $0x7100  }
0x28c: {  	[tilespmem:s22], [sflag:$0x1] =	stream.indirect.gather [hbm4b:s0+s1], $0x40, s21, s1, $0x2000b8;
	[tilespmem:$0xBD00] =	vst v63  }
0x28d: {  	s23 =	simm.s32 $0x3400;
	s24 =	simm.s32 $0x7500  }
0x28e: {  	[tilespmem:s24], [sflag:$0x1] =	stream.indirect.gather [hbm4b:s0+s1], $0x40, s23, s1, $0x2000b8;
	[tilespmem:$0xBD00] =	vst v63  }
0x28f: {  	s25 =	simm.s32 $0x3410;
	s26 =	simm.s32 $0x7900  }
0x290: {  	[tilespmem:s26], [sflag:$0x1] =	stream.indirect.gather [hbm4b:s0+s1], $0x40, s25, s1, $0x2000b8;
	[tilespmem:$0xBD00] =	vst v63  }
0x291: {  	s28 =	simm.s32 $0x3420;
	s29 =	simm.s32 $0x7D00  }
0x292: {  	[tilespmem:s29], [sflag:$0x1] =	stream.indirect.gather [hbm4b:s0+s1], $0x40, s28, s1, $0x2000b8;
	[tilespmem:$0xBD00] =	vst v63  }
0x293: {  	s30 =	simm.s32 $0x3430;
	s31 =	simm.s32 $0x8100  }
0x294: {  	[tilespmem:s31], [sflag:$0x1] =	stream.indirect.gather [hbm4b:s0+s1], $0x40, s30, s1, $0x2000b8;
	[tilespmem:$0xBD00] =	vst v63  }
0x295: {  	s6 =	simm.s32 $0x3440;
	s7 =	simm.s32 $0x8500  }
0x296: {  	[tilespmem:s7], [sflag:$0x1] =	stream.indirect.gather [hbm4b:s0+s1], $0x40, s6, s1, $0x2000b8;
	[tilespmem:$0xBD00] =	vst v63  }
0x297: {  	s8 =	simm.s32 $0x3450;
	s9 =	simm.s32 $0x8900  }
0x298: {  	[tilespmem:s9], [sflag:$0x1] =	stream.indirect.gather [hbm4b:s0+s1], $0x40, s8, s1, $0x2000b8;
	[tilespmem:$0xBD00] =	vst v63  }
0x299: {  	s10 =	simm.s32 $0x3460;
	s11 =	simm.s32 $0x8D00  }
0x29a: {  	[tilespmem:s11], [sflag:$0x1] =	stream.indirect.gather [hbm4b:s0+s1], $0x40, s10, s1, $0x2000b8;
	[tilespmem:$0xBD00] =	vst v63  }
0x29b: {  	s12 =	simm.s32 $0x3470;
	s13 =	simm.s32 $0x9100  }
0x29c: {  	[tilespmem:s13], [sflag:$0x1] =	stream.indirect.gather [hbm4b:s0+s1], $0x40, s12, s1, $0x2000b8;
	[tilespmem:$0xBD00] =	vst v63  }
0x29d: {  	s14 =	simm.s32 $0x3480;
	s15 =	simm.s32 $0x9500  }
0x29e: {  	[tilespmem:s15], [sflag:$0x1] =	stream.indirect.gather [hbm4b:s0+s1], $0x40, s14, s1, $0x2000b8;
	[tilespmem:$0xBD00] =	vst v63  }
0x29f: {  	s16 =	simm.s32 $0x3490;
	s17 =	simm.s32 $0x9900  }
0x2a0: {  	[tilespmem:s17], [sflag:$0x1] =	stream.indirect.gather [hbm4b:s0+s1], $0x40, s16, s1, $0x2000b8;
	[tilespmem:$0xBD00] =	vst v63  }
0x2a1: {  	s18 =	simm.s32 $0x34A0;
	s19 =	simm.s32 $0x9D00  }
0x2a2: {  	[tilespmem:s19], [sflag:$0x1] =	stream.indirect.gather [hbm4b:s0+s1], $0x40, s18, s1, $0x2000b8;
	[tilespmem:$0xBD00] =	vst v63  }
0x2a3: {  	s20 =	simm.s32 $0x34B0;
	s21 =	simm.s32 $0xA100  }
0x2a4: {  	[tilespmem:s21], [sflag:$0x1] =	stream.indirect.gather [hbm4b:s0+s1], $0x40, s20, s1, $0x2000b8;
	[tilespmem:$0xBD00] =	vst v63  }
0x2a5: {  	s22 =	simm.s32 $0x34C0;
	s23 =	simm.s32 $0xA500  }
0x2a6: {  	[tilespmem:s23], [sflag:$0x1] =	stream.indirect.gather [hbm4b:s0+s1], $0x40, s22, s1, $0x2000b8;
	[tilespmem:$0xBD00] =	vst v63  }
0x2a7: {  	s24 =	simm.s32 $0x34D0;
	s25 =	simm.s32 $0xA900  }
0x2a8: {  	[tilespmem:s25], [sflag:$0x1] =	stream.indirect.gather [hbm4b:s0+s1], $0x40, s24, s1, $0x2000b8;
	[tilespmem:$0xBD00] =	vst v63  }
0x2a9: {  	s26 =	simm.s32 $0x34E0;
	s28 =	simm.s32 $0xAD00  }
0x2aa: {  	[tilespmem:s28], [sflag:$0x1] =	stream.indirect.gather [hbm4b:s0+s1], $0x40, s26, s1, $0x2000b8;
	[tilespmem:$0xBD00] =	vst v63  }
0x2ab: {  	s29 =	simm.s32 $0x34F0;
	s30 =	simm.s32 $0xB100  }
0x2ac: {  	[tilespmem:s30], [sflag:$0x1] =	stream.indirect.gather [hbm4b:s0+s1], $0x40, s29, s1, $0x2000b8;
	[tilespmem:$0xBD00] =	vst v63  }
0x2ad: {  	_ =	swait.ge [sflag:s2], $0x400  }
0x2ae: {  	[sflag:s2] =	ssyncset.done $0x0  }
0x2af: {  	[sflag:s2] =	ssyncadd.s32 $0xFFFFFC00  }
0x2b0: {  	_ =	swait.ge [sflag:s2], $0x400  }
0x2b1: {  	[sflag:s2] =	ssyncset.done $0x0  }
0x2b2: {  	[sflag:s2] =	ssyncadd.s32 $0xFFFFFC00  }
0x2b3: {  	_ =	swait.ge [sflag:s2], $0x400  }
0x2b4: {  	[sflag:s2] =	ssyncset.done $0x0  }
0x2b5: {  	[sflag:s2] =	ssyncadd.s32 $0xFFFFFC00  }
0x2b6: {  	_ =	swait.ge [sflag:s2], $0x400  }
0x2b7: {  	[sflag:s2] =	ssyncset.done $0x0  }
0x2b8: {  	[sflag:s2] =	ssyncadd.s32 $0xFFFFFC00  }
0x2b9: {  	_ =	swait.ge [sflag:s2], $0x400  }
0x2ba: {  	[sflag:s2] =	ssyncset.done $0x0  }
0x2bb: {  	[sflag:s2] =	ssyncadd.s32 $0xFFFFFC00  }
0x2bc: {  	_ =	swait.ge [sflag:s2], $0x400  }
0x2bd: {  	[sflag:s2] =	ssyncset.done $0x0  }
0x2be: {  	[sflag:s2] =	ssyncadd.s32 $0xFFFFFC00  }
0x2bf: {  	_ =	swait.ge [sflag:s2], $0x400  }
0x2c0: {  	[sflag:s2] =	ssyncset.done $0x0  }
0x2c1: {  	[sflag:s2] =	ssyncadd.s32 $0xFFFFFC00  }
0x2c2: {  	_ =	swait.ge [sflag:s2], $0x400  }
0x2c3: {  	[sflag:s2] =	ssyncset.done $0x0  }
0x2c4: {  	[sflag:s2] =	ssyncadd.s32 $0xFFFFFC00  }
0x2c5: {  	_ =	swait.ge [sflag:s2], $0x400  }
0x2c6: {  	[sflag:s2] =	ssyncset.done $0x0  }
0x2c7: {  	[sflag:s2] =	ssyncadd.s32 $0xFFFFFC00  }
0x2c8: {  	_ =	swait.ge [sflag:s2], $0x400  }
0x2c9: {  	[sflag:s2] =	ssyncset.done $0x0  }
0x2ca: {  	[sflag:s2] =	ssyncadd.s32 $0xFFFFFC00  }
0x2cb: {  	_ =	swait.ge [sflag:s2], $0x400  }
0x2cc: {  	[sflag:s2] =	ssyncset.done $0x0  }
0x2cd: {  	[sflag:s2] =	ssyncadd.s32 $0xFFFFFC00  }
0x2ce: {  	_ =	swait.ge [sflag:s2], $0x400  }
0x2cf: {  	[sflag:s2] =	ssyncset.done $0x0  }
0x2d0: {  	[sflag:s2] =	ssyncadd.s32 $0xFFFFFC00  }
0x2d1: {  	_ =	swait.ge [sflag:s2], $0x400  }
0x2d2: {  	[sflag:s2] =	ssyncset.done $0x0  }
0x2d3: {  	[sflag:s2] =	ssyncadd.s32 $0xFFFFFC00  }
0x2d4: {  	_ =	swait.ge [sflag:s2], $0x400  }
0x2d5: {  	[sflag:s2] =	ssyncset.done $0x0  }
0x2d6: {  	[sflag:s2] =	ssyncadd.s32 $0xFFFFFC00  }
0x2d7: {  	_ =	swait.ge [sflag:s2], $0x400  }
0x2d8: {  	[sflag:s2] =	ssyncset.done $0x0  }
0x2d9: {  	[sflag:s2] =	ssyncadd.s32 $0xFFFFFC00  }
0x2da: {  	_ =	swait.ge [sflag:s2], $0x400  }
0x2db: {  	[sflag:s2] =	ssyncset.done $0x0  }
0x2dc: {  	[sflag:s2] =	ssyncadd.s32 $0xFFFFFC00  }
0x2dd: {  	_ =	swait.ge [sflag:s2], $0x400  }
0x2de: {  	[sflag:s2] =	ssyncset.done $0x0  }
0x2df: {  	[sflag:s2] =	ssyncadd.s32 $0xFFFFFC00  }
0x2e0: {  	_ =	swait.ge [sflag:s2], $0x400  }
0x2e1: {  	[sflag:s2] =	ssyncset.done $0x0  }
0x2e2: {  	[sflag:s2] =	ssyncadd.s32 $0xFFFFFC00  }
0x2e3: {  	_ =	swait.ge [sflag:s2], $0x400  }
0x2e4: {  	[sflag:s2] =	ssyncset.done $0x0  }
0x2e5: {  	[sflag:s2] =	ssyncadd.s32 $0xFFFFFC00  }
0x2e6: {  	_ =	swait.ge [sflag:s2], $0x400  }
0x2e7: {  	[sflag:s2] =	ssyncset.done $0x0  }
0x2e8: {  	[sflag:s2] =	ssyncadd.s32 $0xFFFFFC00  }
0x2e9: {  	_ =	swait.ge [sflag:s2], $0x400  }
0x2ea: {  	[sflag:s2] =	ssyncset.done $0x0  }
0x2eb: {  	[sflag:s2] =	ssyncadd.s32 $0xFFFFFC00  }
0x2ec: {  	_ =	swait.ge [sflag:s2], $0x400  }
0x2ed: {  	[sflag:s2] =	ssyncset.done $0x0  }
0x2ee: {  	[sflag:s2] =	ssyncadd.s32 $0xFFFFFC00  }
0x2ef: {  	_ =	swait.ge [sflag:s2], $0x400  }
0x2f0: {  	[sflag:s2] =	ssyncset.done $0x0  }
0x2f1: {  	[sflag:s2] =	ssyncadd.s32 $0xFFFFFC00  }
0x2f2: {  	_ =	swait.ge [sflag:s2], $0x400  }
0x2f3: {  	[sflag:s2] =	ssyncset.done $0x0  }
0x2f4: {  	[sflag:s2] =	ssyncadd.s32 $0xFFFFFC00  }
0x2f5: {  	_ =	swait.ge [sflag:s2], $0x400  }
0x2f6: {  	[sflag:s2] =	ssyncset.done $0x0  }
0x2f7: {  	[sflag:s2] =	ssyncadd.s32 $0xFFFFFC00  }
0x2f8: {  	_ =	swait.ge [sflag:s2], $0x400  }
0x2f9: {  	[sflag:s2] =	ssyncset.done $0x0  }
0x2fa: {  	[sflag:s2] =	ssyncadd.s32 $0xFFFFFC00  }
0x2fb: {  	_ =	swait.ge [sflag:s2], $0x400  }
0x2fc: {  	[sflag:s2] =	ssyncset.done $0x0  }
0x2fd: {  	[sflag:s2] =	ssyncadd.s32 $0xFFFFFC00  }
0x2fe: {  	_ =	swait.ge [sflag:s2], $0x400  }
0x2ff: {  	[sflag:s2] =	ssyncset.done $0x0  }
0x300: {  	[sflag:s2] =	ssyncadd.s32 $0xFFFFFC00  }
0x301: {  	_ =	swait.ge [sflag:s2], $0x400  }
0x302: {  	[sflag:s2] =	ssyncset.done $0x0  }
0x303: {  	[sflag:s2] =	ssyncadd.s32 $0xFFFFFC00  }
0x304: {  	_ =	swait.ge [sflag:s2], $0x400  }
0x305: {  	[sflag:s2] =	ssyncset.done $0x0  }
0x306: {  	[sflag:s2] =	ssyncadd.s32 $0xFFFFFC00  }
0x307: {  	_ =	swait.ge [sflag:s2], $0x400  }
0x308: {  	[sflag:s2] =	ssyncset.done $0x0  }
0x309: {  	[sflag:s2] =	ssyncadd.s32 $0xFFFFFC00  }
0x30a: {  	_ =	swait.ge [sflag:s2], $0x400  }
0x30b: {  	[sflag:s2] =	ssyncset.done $0x0  }
0x30c: {  	[sflag:s2] =	ssyncadd.s32 $0xFFFFFC00  }
0x30d: {  	_ =	strace $0x9000004B  }
0x30e: {  	s31 =	simm.s32 $0x0;
	_ =	strace $0x8000004C  }
0x30f: {  	v4 =	vld [tilespmem:s31+$0x3100]  }
0x310: {  	s15 =	simm.s32 $0x3600  }
0x311: {  	v5 =	vld [tilespmem:s15+$0xFFFFFF00];
	_ =	sdelay $0x1  }
0x312: {  	v6 =	vld [tilespmem:s15+$0xFFFFFF40]  }
0x313: {  	v7 =	vbroadcast v4, $0x0  }
0x314: {  	v8 =	vld [tilespmem:s15+$0xFFFFFF80]  }
0x315: {  	v9 =	vbroadcast v4, $0x1;
	v5 =	vmul.f32 v7, v5  }
0x316: {  	v10 =	vld [tilespmem:s15+$0xFFFFFFC0]  }
0x317: {  	v11 =	vbroadcast v4, $0x2;
	v6 =	vmul.f32 v6, v9;
	v5 =	vadd.f32 $0.0e+00, v5  }
0x318: {  	v12 =	vld [tilespmem:s15+$0x0]  }
0x319: {  	v13 =	vbroadcast v4, $0x3;
	v5 =	vadd.f32 v6, v5;
	v6 =	vmul.f32 v8, v11  }
0x31a: {  	v46 =	vld [tilespmem:s15+$0x40]  }
0x31b: {  	v14 =	vbroadcast v4, $0x4;
	v5 =	vadd.f32 v6, v5;
	v6 =	vmul.f32 v10, v13  }
0x31c: {  	v47 =	vld [tilespmem:s15+$0x80]  }
0x31d: {  	v15 =	vbroadcast v4, $0x5;
	v5 =	vadd.f32 v6, v5;
	v6 =	vmul.f32 v12, v14  }
0x31e: {  	v48 =	vld [tilespmem:s15+$0xC0]  }
0x31f: {  	v16 =	vbroadcast v4, $0x6;
	v5 =	vadd.f32 v6, v5;
	v6 =	vmul.f32 v46, v15;
	_ =	sdelay $0x1  }
0x320: {  	v4 =	vbroadcast v4, $0x7;
	v5 =	vadd.f32 v6, v5;
	v6 =	vmul.f32 v47, v16;
	_ =	sdelay $0x1  }
0x321: {  	v5 =	vadd.f32 v6, v5;
	v6 =	vmul.f32 v48, v4;
	_ =	sdelay $0x1  }
0x322: {  	v5 =	vadd.f32 v6, v5  }
0x323: {  	s17 =	simm.s32 $0xB520  }
0x324: {  	[tilespmem:s17+$0xFFFFFFE0] =	vst v5  }
0x325: {  	v5 =	vld [tilespmem:s15+$0xFFFFFF10];
	_ =	sdelay $0x1  }
0x326: {  	v6 =	vld [tilespmem:s15+$0xFFFFFF50];
	_ =	sdelay $0x1  }
0x327: {  	v49 =	vld [tilespmem:s15+$0xFFFFFF90]  }
0x328: {  	v5 =	vmul.f32 v5, v7  }
0x329: {  	v50 =	vld [tilespmem:s15+$0xFFFFFFD0]  }
0x32a: {  	v6 =	vmul.f32 v6, v9;
	v5 =	vadd.f32 $0.0e+00, v5  }
0x32b: {  	v51 =	vld [tilespmem:s15+$0x10]  }
0x32c: {  	v5 =	vadd.f32 v6, v5;
	v6 =	vmul.f32 v49, v11  }
0x32d: {  	v52 =	vld [tilespmem:s15+$0x50]  }
0x32e: {  	v5 =	vadd.f32 v6, v5;
	v6 =	vmul.f32 v50, v13  }
0x32f: {  	v53 =	vld [tilespmem:s15+$0x90]  }
0x330: {  	v5 =	vadd.f32 v6, v5;
	v6 =	vmul.f32 v51, v14  }
0x331: {  	v54 =	vld [tilespmem:s15+$0xD0]  }
0x332: {  	v5 =	vadd.f32 v6, v5;
	v6 =	vmul.f32 v52, v15;
	_ =	sdelay $0x1  }
0x333: {  	v5 =	vadd.f32 v6, v5;
	v6 =	vmul.f32 v53, v16;
	_ =	sdelay $0x1  }
0x334: {  	v5 =	vadd.f32 v6, v5;
	v6 =	vmul.f32 v54, v4;
	_ =	sdelay $0x1  }
0x335: {  	v5 =	vadd.f32 v6, v5;
	_ =	sdelay $0x1  }
0x336: {  	[tilespmem:s17+$0xFFFFFFF0] =	vst v5  }
0x337: {  	v5 =	vld [tilespmem:s15+$0xFFFFFF20];
	_ =	sdelay $0x1  }
0x338: {  	v6 =	vld [tilespmem:s15+$0xFFFFFF60];
	_ =	sdelay $0x1  }
0x339: {  	v55 =	vld [tilespmem:s15+$0xFFFFFFA0]  }
0x33a: {  	v5 =	vmul.f32 v5, v7  }
0x33b: {  	v56 =	vld [tilespmem:s15+$0xFFFFFFE0]  }
0x33c: {  	v6 =	vmul.f32 v6, v9;
	v5 =	vadd.f32 $0.0e+00, v5  }
0x33d: {  	v57 =	vld [tilespmem:s15+$0x20]  }
0x33e: {  	v5 =	vadd.f32 v6, v5;
	v6 =	vmul.f32 v55, v11  }
0x33f: {  	v58 =	vld [tilespmem:s15+$0x60]  }
0x340: {  	v5 =	vadd.f32 v6, v5;
	v6 =	vmul.f32 v56, v13  }
0x341: {  	v59 =	vld [tilespmem:s15+$0xA0]  }
0x342: {  	v5 =	vadd.f32 v6, v5;
	v6 =	vmul.f32 v57, v14  }
0x343: {  	v60 =	vld [tilespmem:s15+$0xE0]  }
0x344: {  	v5 =	vadd.f32 v6, v5;
	v6 =	vmul.f32 v58, v15;
	_ =	sdelay $0x1  }
0x345: {  	v5 =	vadd.f32 v6, v5;
	v6 =	vmul.f32 v59, v16;
	_ =	sdelay $0x1  }
0x346: {  	v5 =	vadd.f32 v6, v5;
	v6 =	vmul.f32 v60, v4;
	_ =	sdelay $0x1  }
0x347: {  	v5 =	vadd.f32 v6, v5;
	_ =	sdelay $0x1  }
0x348: {  	[tilespmem:s17+$0x0] =	vst v5  }
0x349: {  	v5 =	vld [tilespmem:s15+$0xFFFFFF30];
	_ =	sdelay $0x1  }
0x34a: {  	v6 =	vld [tilespmem:s15+$0xFFFFFF70];
	_ =	sdelay $0x1  }
0x34b: {  	v61 =	vld [tilespmem:s15+$0xFFFFFFB0]  }
0x34c: {  	v5 =	vmul.f32 v5, v7  }
0x34d: {  	v7 =	vld [tilespmem:s15+$0xFFFFFFF0]  }
0x34e: {  	v6 =	vmul.f32 v6, v9;
	v5 =	vadd.f32 $0.0e+00, v5  }
0x34f: {  	v62 =	vld [tilespmem:s15+$0x30]  }
0x350: {  	v8 =	vmul.f32 v61, v11;
	v5 =	vadd.f32 v6, v5  }
0x351: {  	v6 =	vld [tilespmem:s15+$0x70]  }
0x352: {  	v7 =	vmul.f32 v7, v13;
	v5 =	vadd.f32 v8, v5  }
0x353: {  	v63 =	vld [tilespmem:s15+$0xB0]  }
0x354: {  	v9 =	vmul.f32 v62, v14;
	v5 =	vadd.f32 v7, v5  }
0x355: {  	v7 =	vld [tilespmem:s15+$0xF0]  }
0x356: {  	v6 =	vmul.f32 v6, v15;
	v5 =	vadd.f32 v9, v5;
	_ =	sdelay $0x1  }
0x357: {  	v8 =	vmul.f32 v63, v16;
	v5 =	vadd.f32 v6, v5;
	_ =	sdelay $0x1  }
0x358: {  	v4 =	vmul.f32 v7, v4;
	v5 =	vadd.f32 v8, v5  }
0x359: {  	s9 =	simm.s32 $0x0  }
0x35a: {  	s16 =	simm.s32 $0xB560;
	s18 =	simm.s32 $0x40;
	s0 =	simm.s32 $0x80;
	v4 =	vadd.f32 v4, v5  }
.LBB2_8:
0x35b: {  	s1 =	sshra.s32 s18, $0x2;
	s15 =	sadd.s32 $0x400, s15  }
0x35c: {  	[tilespmem:s17+$0x10] =	vst v4;
	s18 =	smov.u32 s0;
	s19 =	sadd.s32 $0x40, s0;
	s17 =	smov.u32 s16  }
0x35d: {  	p0 =	sne.s32 s0, $0x7C0;
	v8 =	vld [tilespmem:s1+$0x3100];
	_ =	sdelay $0x1  }
0x35e: {  	v4 =	vld [tilespmem:s15+$0xFFFFFF00];
	_ =	sdelay $0x1  }
0x35f: {  	v12 =	vld [tilespmem:s15+$0xFFFFFF40]  }
0x360: {  	v11 =	vbroadcast v8, $0x0;
	v10 =	vbroadcast v8, $0x1  }
0x361: {  	v9 =	vbroadcast v8, $0x2;
	v5 =	vbroadcast v8, $0x3;
	v13 =	vld [tilespmem:s15+$0xFFFFFF80]  }
0x362: {  	v6 =	vbroadcast v8, $0x4;
	v14 =	vmul.f32 v11, v4  }
0x363: {  	v7 =	vbroadcast v8, $0x5;
	v4 =	vbroadcast v8, $0x6;
	v15 =	vld [tilespmem:s15+$0xFFFFFFC0]  }
0x364: {  	v8 =	vbroadcast v8, $0x7;
	v14 =	vadd.f32 $0.0e+00, v14;
	v12 =	vmul.f32 v12, v10  }
0x365: {  	v16 =	vld [tilespmem:s15+$0x0]  }
0x366: {  	v12 =	vadd.f32 v12, v14;
	v13 =	vmul.f32 v13, v9  }
0x367: {  	v14 =	vld [tilespmem:s15+$0x40]  }
0x368: {  	v12 =	vadd.f32 v13, v12;
	v13 =	vmul.f32 v15, v5  }
0x369: {  	v15 =	vld [tilespmem:s15+$0x80]  }
0x36a: {  	v12 =	vadd.f32 v13, v12;
	v13 =	vmul.f32 v16, v6  }
0x36b: {  	v16 =	vld [tilespmem:s15+$0xC0]  }
0x36c: {  	v12 =	vadd.f32 v13, v12;
	v13 =	vmul.f32 v14, v7;
	_ =	sdelay $0x1  }
0x36d: {  	v12 =	vadd.f32 v13, v12;
	v13 =	vmul.f32 v15, v4;
	_ =	sdelay $0x1  }
0x36e: {  	v12 =	vadd.f32 v13, v12;
	v13 =	vmul.f32 v16, v8;
	_ =	sdelay $0x1  }
0x36f: {  	v12 =	vadd.f32 v13, v12;
	_ =	sdelay $0x1  }
0x370: {  	[tilespmem:s16+$0xFFFFFFE0] =	vst v12  }
0x371: {  	v12 =	vld [tilespmem:s15+$0xFFFFFF10];
	_ =	sdelay $0x1  }
0x372: {  	v13 =	vld [tilespmem:s15+$0xFFFFFF50];
	_ =	sdelay $0x1  }
0x373: {  	v14 =	vld [tilespmem:s15+$0xFFFFFF90]  }
0x374: {  	v12 =	vmul.f32 v12, v11  }
0x375: {  	v15 =	vld [tilespmem:s15+$0xFFFFFFD0]  }
0x376: {  	v12 =	vadd.f32 $0.0e+00, v12;
	v13 =	vmul.f32 v13, v10  }
0x377: {  	v16 =	vld [tilespmem:s15+$0x10]  }
0x378: {  	v12 =	vadd.f32 v13, v12;
	v13 =	vmul.f32 v14, v9  }
0x379: {  	v14 =	vld [tilespmem:s15+$0x50]  }
0x37a: {  	v12 =	vadd.f32 v13, v12;
	v13 =	vmul.f32 v15, v5  }
0x37b: {  	v15 =	vld [tilespmem:s15+$0x90]  }
0x37c: {  	v12 =	vadd.f32 v13, v12;
	v13 =	vmul.f32 v16, v6  }
0x37d: {  	v16 =	vld [tilespmem:s15+$0xD0]  }
0x37e: {  	v12 =	vadd.f32 v13, v12;
	v13 =	vmul.f32 v14, v7;
	_ =	sdelay $0x1  }
0x37f: {  	v12 =	vadd.f32 v13, v12;
	v13 =	vmul.f32 v15, v4;
	_ =	sdelay $0x1  }
0x380: {  	v12 =	vadd.f32 v13, v12;
	v13 =	vmul.f32 v16, v8;
	_ =	sdelay $0x1  }
0x381: {  	v12 =	vadd.f32 v13, v12;
	_ =	sdelay $0x1  }
0x382: {  	[tilespmem:s16+$0xFFFFFFF0] =	vst v12  }
0x383: {  	v12 =	vld [tilespmem:s15+$0xFFFFFF20];
	_ =	sdelay $0x1  }
0x384: {  	v13 =	vld [tilespmem:s15+$0xFFFFFF60];
	_ =	sdelay $0x1  }
0x385: {  	v14 =	vld [tilespmem:s15+$0xFFFFFFA0]  }
0x386: {  	v12 =	vmul.f32 v12, v11  }
0x387: {  	v15 =	vld [tilespmem:s15+$0xFFFFFFE0]  }
0x388: {  	v12 =	vadd.f32 $0.0e+00, v12;
	v13 =	vmul.f32 v13, v10  }
0x389: {  	v16 =	vld [tilespmem:s15+$0x20]  }
0x38a: {  	v12 =	vadd.f32 v13, v12;
	v13 =	vmul.f32 v14, v9  }
0x38b: {  	v14 =	vld [tilespmem:s15+$0x60]  }
0x38c: {  	v12 =	vadd.f32 v13, v12;
	v13 =	vmul.f32 v15, v5  }
0x38d: {  	v15 =	vld [tilespmem:s15+$0xA0]  }
0x38e: {  	v12 =	vadd.f32 v13, v12;
	v13 =	vmul.f32 v16, v6  }
0x38f: {  	v16 =	vld [tilespmem:s15+$0xE0]  }
0x390: {  	v12 =	vadd.f32 v13, v12;
	v13 =	vmul.f32 v14, v7;
	_ =	sdelay $0x1  }
0x391: {  	v12 =	vadd.f32 v13, v12;
	v13 =	vmul.f32 v15, v4;
	_ =	sdelay $0x1  }
0x392: {  	v12 =	vadd.f32 v13, v12;
	v13 =	vmul.f32 v16, v8;
	_ =	sdelay $0x1  }
0x393: {  	v12 =	vadd.f32 v13, v12;
	_ =	sdelay $0x1  }
0x394: {  	[tilespmem:s16+$0x0] =	vst v12  }
0x395: {  	v12 =	vld [tilespmem:s15+$0xFFFFFF30]  }
0x396: {  	v13 =	vld [tilespmem:s15+$0xFFFFFF70]  }
0x397: {  	v14 =	vld [tilespmem:s15+$0xFFFFFFB0]  }
0x398: {  	v15 =	vld [tilespmem:s15+$0xFFFFFFF0]  }
0x399: {  	v16 =	vld [tilespmem:s15+$0x30]  }
0x39a: {  	v11 =	vmul.f32 v12, v11;
	v12 =	vld [tilespmem:s15+$0x70]  }
0x39b: {  	v10 =	vmul.f32 v13, v10;
	v13 =	vld [tilespmem:s15+$0xB0]  }
0x39c: {  	v11 =	vadd.f32 $0.0e+00, v11;
	v9 =	vmul.f32 v14, v9;
	v14 =	vld [tilespmem:s15+$0xF0]  }
0x39d: {  	v5 =	vmul.f32 v15, v5  }
0x39e: {  	v10 =	vadd.f32 v10, v11;
	v6 =	vmul.f32 v16, v6  }
0x39f: {  	v7 =	vmul.f32 v12, v7  }
0x3a0: {  	v9 =	vadd.f32 v9, v10;
	v4 =	vmul.f32 v13, v4  }
0x3a1: {  	v8 =	vmul.f32 v14, v8  }
0x3a2: {  	v5 =	vadd.f32 v5, v9;
	_ =	sdelay $0x1  }
0x3a3: {  	v5 =	vadd.f32 v6, v5;
	_ =	sdelay $0x1  }
0x3a4: {  	v5 =	vadd.f32 v7, v5  }
.Ltmp3:
0x3a5: {  	(pc) =	sbr.rel @p0 .LBB2_8-.Ltmp3, $3  }
0x3a6: {  	v4 =	vadd.f32 v4, v5;
	_ =	sdelay $0x1  }
0x3a7: {  	v4 =	vadd.f32 v8, v4  }
0x3a8: {  	s0 =	smov.u32 s19;
	s16 =	sadd.s32 $0x40, s16  }
0x3a9: {  	s0 =	sshra.s32 s18, $0x2;
	[tilespmem:s17+$0x10] =	vst v4  }
0x3aa: {  	v4 =	vld [tilespmem:s0+$0x3100]  }
0x3ab: {  	s29 =	sadd.s32 $0x400, s15  }
0x3ac: {  	v5 =	vld [tilespmem:s29+$0xFFFFFF00];
	_ =	sdelay $0x1  }
0x3ad: {  	v6 =	vld [tilespmem:s29+$0xFFFFFF40]  }
0x3ae: {  	v7 =	vbroadcast v4, $0x0  }
0x3af: {  	v8 =	vld [tilespmem:s29+$0xFFFFFF80]  }
0x3b0: {  	v9 =	vbroadcast v4, $0x1;
	v5 =	vmul.f32 v7, v5  }
0x3b1: {  	v10 =	vld [tilespmem:s29+$0xFFFFFFC0]  }
0x3b2: {  	v11 =	vbroadcast v4, $0x2;
	v6 =	vmul.f32 v6, v9;
	v5 =	vadd.f32 $0.0e+00, v5  }
0x3b3: {  	v12 =	vld [tilespmem:s29+$0x0]  }
0x3b4: {  	v13 =	vbroadcast v4, $0x3;
	v22 =	vmul.f32 v8, v11;
	v5 =	vadd.f32 v6, v5  }
0x3b5: {  	v23 =	vld [tilespmem:s29+$0x40]  }
0x3b6: {  	v14 =	vbroadcast v4, $0x4;
	v24 =	vmul.f32 v10, v13;
	v5 =	vadd.f32 v22, v5  }
0x3b7: {  	v25 =	vld [tilespmem:s29+$0x80]  }
0x3b8: {  	v15 =	vbroadcast v4, $0x5;
	v26 =	vmul.f32 v12, v14;
	v5 =	vadd.f32 v24, v5  }
0x3b9: {  	v27 =	vld [tilespmem:s29+$0xC0]  }
0x3ba: {  	v16 =	vbroadcast v4, $0x6;
	v28 =	vmul.f32 v23, v15;
	v5 =	vadd.f32 v26, v5;
	_ =	sdelay $0x1  }
0x3bb: {  	v4 =	vbroadcast v4, $0x7;
	v29 =	vmul.f32 v25, v16;
	v5 =	vadd.f32 v28, v5;
	_ =	sdelay $0x1  }
0x3bc: {  	v30 =	vmul.f32 v27, v4;
	v5 =	vadd.f32 v29, v5;
	_ =	sdelay $0x1  }
0x3bd: {  	v5 =	vadd.f32 v30, v5;
	_ =	sdelay $0x1  }
0x3be: {  	[tilespmem:s16+$0xFFFFFFE0] =	vst v5  }
0x3bf: {  	v5 =	vld [tilespmem:s29+$0xFFFFFF10];
	_ =	sdelay $0x1  }
0x3c0: {  	v31 =	vld [tilespmem:s29+$0xFFFFFF50];
	_ =	sdelay $0x1  }
0x3c1: {  	v32 =	vld [tilespmem:s29+$0xFFFFFF90]  }
0x3c2: {  	v5 =	vmul.f32 v5, v7  }
0x3c3: {  	v33 =	vld [tilespmem:s29+$0xFFFFFFD0]  }
0x3c4: {  	v6 =	vmul.f32 v31, v9;
	v5 =	vadd.f32 $0.0e+00, v5  }
0x3c5: {  	v34 =	vld [tilespmem:s29+$0x10]  }
0x3c6: {  	v35 =	vmul.f32 v32, v11;
	v5 =	vadd.f32 v6, v5  }
0x3c7: {  	v36 =	vld [tilespmem:s29+$0x50]  }
0x3c8: {  	v37 =	vmul.f32 v33, v13;
	v5 =	vadd.f32 v35, v5  }
0x3c9: {  	v38 =	vld [tilespmem:s29+$0x90]  }
0x3ca: {  	v39 =	vmul.f32 v34, v14;
	v5 =	vadd.f32 v37, v5  }
0x3cb: {  	v40 =	vld [tilespmem:s29+$0xD0]  }
0x3cc: {  	v41 =	vmul.f32 v36, v15;
	v5 =	vadd.f32 v39, v5;
	_ =	sdelay $0x1  }
0x3cd: {  	v42 =	vmul.f32 v38, v16;
	v5 =	vadd.f32 v41, v5;
	_ =	sdelay $0x1  }
0x3ce: {  	v43 =	vmul.f32 v40, v4;
	v5 =	vadd.f32 v42, v5;
	_ =	sdelay $0x1  }
0x3cf: {  	v5 =	vadd.f32 v43, v5;
	_ =	sdelay $0x1  }
0x3d0: {  	[tilespmem:s16+$0xFFFFFFF0] =	vst v5  }
0x3d1: {  	v5 =	vld [tilespmem:s29+$0xFFFFFF20];
	_ =	sdelay $0x1  }
0x3d2: {  	v44 =	vld [tilespmem:s29+$0xFFFFFF60];
	_ =	sdelay $0x1  }
0x3d3: {  	v45 =	vld [tilespmem:s29+$0xFFFFFFA0]  }
0x3d4: {  	v5 =	vmul.f32 v5, v7  }
0x3d5: {  	v46 =	vld [tilespmem:s29+$0xFFFFFFE0]  }
0x3d6: {  	v6 =	vmul.f32 v44, v9;
	v5 =	vadd.f32 $0.0e+00, v5  }
0x3d7: {  	v47 =	vld [tilespmem:s29+$0x20]  }
0x3d8: {  	v48 =	vmul.f32 v45, v11;
	v5 =	vadd.f32 v6, v5  }
0x3d9: {  	v49 =	vld [tilespmem:s29+$0x60]  }
0x3da: {  	v50 =	vmul.f32 v46, v13;
	v5 =	vadd.f32 v48, v5  }
0x3db: {  	v51 =	vld [tilespmem:s29+$0xA0]  }
0x3dc: {  	v52 =	vmul.f32 v47, v14;
	v5 =	vadd.f32 v50, v5  }
0x3dd: {  	v53 =	vld [tilespmem:s29+$0xE0]  }
0x3de: {  	v54 =	vmul.f32 v49, v15;
	v5 =	vadd.f32 v52, v5;
	_ =	sdelay $0x1  }
0x3df: {  	v55 =	vmul.f32 v51, v16;
	v5 =	vadd.f32 v54, v5;
	_ =	sdelay $0x1  }
0x3e0: {  	v56 =	vmul.f32 v53, v4;
	v5 =	vadd.f32 v55, v5;
	_ =	sdelay $0x1  }
0x3e1: {  	v5 =	vadd.f32 v56, v5;
	_ =	sdelay $0x1  }
0x3e2: {  	[tilespmem:s16+$0x0] =	vst v5  }
0x3e3: {  	v5 =	vld [tilespmem:s29+$0xFFFFFF30];
	_ =	sdelay $0x1  }
0x3e4: {  	v57 =	vld [tilespmem:s29+$0xFFFFFF70];
	_ =	sdelay $0x1  }
0x3e5: {  	v58 =	vld [tilespmem:s29+$0xFFFFFFB0]  }
0x3e6: {  	v5 =	vmul.f32 v5, v7  }
0x3e7: {  	v59 =	vld [tilespmem:s29+$0xFFFFFFF0]  }
0x3e8: {  	v6 =	vmul.f32 v57, v9;
	v5 =	vadd.f32 $0.0e+00, v5  }
0x3e9: {  	v60 =	vld [tilespmem:s29+$0x30]  }
0x3ea: {  	v8 =	vmul.f32 v58, v11;
	v5 =	vadd.f32 v6, v5  }
0x3eb: {  	v61 =	vld [tilespmem:s29+$0x70]  }
0x3ec: {  	v7 =	vmul.f32 v59, v13;
	v5 =	vadd.f32 v8, v5  }
0x3ed: {  	v62 =	vld [tilespmem:s29+$0xB0]  }
0x3ee: {  	v9 =	vmul.f32 v60, v14;
	v5 =	vadd.f32 v7, v5  }
0x3ef: {  	v63 =	vld [tilespmem:s29+$0xF0]  }
0x3f0: {  	v6 =	vmul.f32 v61, v15;
	v5 =	vadd.f32 v9, v5;
	_ =	sdelay $0x1  }
0x3f1: {  	v8 =	vmul.f32 v62, v16;
	v5 =	vadd.f32 v6, v5;
	_ =	sdelay $0x1  }
0x3f2: {  	v4 =	vmul.f32 v63, v4;
	v5 =	vadd.f32 v8, v5;
	_ =	sdelay $0x1  }
0x3f3: {  	v4 =	vadd.f32 v4, v5;
	_ =	sdelay $0x1  }
0x3f4: {  	[tilespmem:s16+$0x10] =	vst v4  }
0x3f5: {  	_ =	strace $0x9000004C  }
0x3f6: {  	s1 =	simm.s32 $0xB500;
	s30 =	rddreg [dreg:$0x6]  }
0x3f7: {  	[hbm4b:s30+s9] =	stream.linear.scatter [tilespmem:s1], [sflag:$0x2], $0x800, $0x38;
	[tilespmem:$0xBD00] =	vst v63  }
0x3f8: {  	s1 =	simm.s32 $0x2  }
0x3f9: {  	_ =	swait.ge [sflag:s1], $0x800  }
0x3fa: {  	s2 =	rddreg [dreg:$0x8]  }
0x3fb: {  	s31 =	rddreg [dreg:$0x7];
	s2 =	sadd.s32 $0x1, s2  }
0x3fc: {  	p0 =	sne.s32 s2, s31  }
.Ltmp4:
0x3fd: {  	_ = 	snop;
	(pc) =	sbr.rel @p0 .LBB2_1-.Ltmp4, $3  }
0x3fe: {  	_ =	sdelay $0x1  }
0x3ff: {  	[sflag:s1] =	ssyncset.done $0x0  }
0x400: {  	[sflag:s1] =	ssyncadd.s32 $0xFFFFF800  }
0x401: {  	_ =	sfence.sel $0x180000  }
0x402: {  	[bflag:$0x0] =	sbarrier.arrive $0xFFFF  }
0x403: {  	_ =	strace $0x90000047  }
0x404: {  	s0 =	stileid.u32;
	[bflag:$0x2] =	sbarrier.arrive $0xFFFF  }
0x405: {  	p0 =	sne.s32 s0, $0x0;
	s0 =	rddreg [dreg:$0x2]  }
0x406: {  	s0 =	sadd.s32 @!p0 $0x100000, s0  }
0x407: {  	[sflag:s0] =	ssyncadd.tile.s32 @!p0 $0x1;
	_ =	shalt  }
.Lfunc_end2:
_tile_overlayer_lowered:
.L_overlay_start_2:
0x408: {  	(tag) =	ssettag $0x2  }
0x409: {  	s0 =	rddreg [dreg:$0x0];
	s2 =	stileid.u32  }
0x40a: {  	s1 =	rddreg [dreg:$0x1];
	p0 =	sne.s32 s2, $0x0  }
0x40b: {  	s3 =	rddreg [dreg:$0x2];
	[bflag:$0x3] =	sbarrier.arrive $0xFFFF;
	s2 =	simm.s32 @!p0 $0x1C02  }
0x40c: {  	[timem:s3], [sflag:s2] =	dma.local @!p0 [hbm:s0], s1  }
0x40d: {  	s0 =	simm.s32 @!p0 $0x2  }
0x40e: {  	_ =	swait.ge @!p0 [sflag:s0], s1  }
0x40f: {  	s1 =	ssub.s32 @!p0 $0x0, s1;
	[sflag:s0] =	ssyncset.done @!p0 $0x0  }
0x410: {  	[sflag:s0] =	ssyncadd.s32 @!p0 s1  }
0x411: {  	[bflag:$0x3] =	sbarrier.arrive $0xFFFF  }
0x412: {  	_ =	shalt  }

</sc_bundles>
